<compile_context>
chip_gen: v7x
topology: tpu7x:2x2x1
jax: 0.10.2.dev20260603
libtpu: 0.0.44.dev20260713+nightly
codegen_flags: <defaults>
</compile_context>

<pallas_src>
import dataclasses
import functools

import jax
import jax.numpy as jnp
from jax import lax
from jax.experimental import pallas as pl
from jax.experimental.pallas import tpu as pltpu
from jax.experimental.pallas import tpu_sc as plsc

N = 10000
E = 320000
D = 128
GW = 80
SW = 40
CH = 2000
BE = 1280
BN = 2000
NC = 2
NS = 16
NW = NC * NS
ZR = 624
ZTAIL = N - NS * ZR
CR = 48
NP = 1280


def _silu(v):
    return v * jax.nn.sigmoid(v)


def _proj_body(x_ref, w1a_ref, w1b_ref, b1_ref, ta_ref, tb_ref):
    x = x_ref[...]
    ta_ref[...] = jnp.dot(x, w1a_ref[...], preferred_element_type=jnp.float32)
    tb_ref[...] = (
        jnp.dot(x, w1b_ref[...], preferred_element_type=jnp.float32) + b1_ref[...]
    )


def _proj(x, w1a, w1b, b1r):
    nb = N // BN
    return pl.pallas_call(
        _proj_body,
        grid=(nb,),
        in_specs=[
            pl.BlockSpec((BN, D), lambda i: (i, 0)),
            pl.BlockSpec((D, D), lambda i: (0, 0)),
            pl.BlockSpec((D, D), lambda i: (0, 0)),
            pl.BlockSpec((1, D), lambda i: (0, 0)),
        ],
        out_specs=[
            pl.BlockSpec((BN, D), lambda i: (i, 0)),
            pl.BlockSpec((BN, D), lambda i: (i, 0)),
        ],
        out_shape=[
            jax.ShapeDtypeStruct((N, D), jnp.float32),
            jax.ShapeDtypeStruct((N, D), jnp.float32),
        ],
    )(x, w1a, w1b, b1r)


def _pose(posflat, srcw, dstw):
    mesh = plsc.VectorSubcoreMesh(
        core_axis_name="core", subcore_axis_name="subcore"
    )
    nwin_total = E // CH
    nwin = nwin_total // NW

    cp = pltpu.CompilerParams()
    if "needs_layout_passes" in pltpu.CompilerParams.__dataclass_fields__:
        cp = dataclasses.replace(cp, needs_layout_passes=False)

    @pl.kernel(
        out_type=jax.ShapeDtypeStruct((E * 16,), jnp.float32),
        mesh=mesh,
        compiler_params=cp,
        scratch_types=[
            pltpu.VMEM((N * 4,), jnp.float32),
            pltpu.VMEM((1, CH), jnp.int32),
            pltpu.VMEM((1, CH), jnp.int32),
            pltpu.VMEM((CH * 16,), jnp.float32),
        ],
    )
    def k(pos_hbm, src_hbm, dst_hbm, pose_hbm, ptab, src_v, dst_v, buf):
        c = lax.axis_index("core")
        s = lax.axis_index("subcore")
        wid = c * NS + s
        pltpu.sync_copy(pos_hbm, ptab)

        @pl.loop(0, nwin)
        def _(t):
            w = wid * nwin + t
            pltpu.sync_copy(src_hbm.at[w], src_v)
            pltpu.sync_copy(dst_hbm.at[w], dst_v)

            @pl.loop(0, CH // 16)
            def _(i):
                si = src_v[0, pl.ds(i * 16, 16)] * 4
                di = dst_v[0, pl.ds(i * 16, 16)] * 4
                psx = plsc.load_gather(ptab, [si])
                psy = plsc.load_gather(ptab, [si + 1])
                psz = plsc.load_gather(ptab, [si + 2])
                pdx = plsc.load_gather(ptab, [di])
                pdy = plsc.load_gather(ptab, [di + 1])
                pdz = plsc.load_gather(ptab, [di + 2])
                dx = psx - pdx
                dy = psy - pdy
                dz = psz - pdz
                d2 = dx * dx + dy * dy + dz * dz
                flat0 = lax.iota(jnp.int32, 16) * 16 + i * 256
                plsc.store_scatter(buf, [flat0], psx)
                plsc.store_scatter(buf, [flat0 + 1], psy)
                plsc.store_scatter(buf, [flat0 + 2], psz)
                plsc.store_scatter(buf, [flat0 + 3], d2)

            pltpu.sync_copy(buf, pose_hbm.at[pl.ds(w * CH * 16, CH * 16)])

    return k(posflat, srcw, dstw)


def _gather(table_a, table_b, src3d, dst3d):
    mesh = plsc.VectorSubcoreMesh(
        core_axis_name="core", subcore_axis_name="subcore"
    )

    @pl.kernel(
        out_type=(
            jax.ShapeDtypeStruct((E, D), jnp.float32),
            jax.ShapeDtypeStruct((E, D), jnp.float32),
        ),
        mesh=mesh,
    )
    def k(ta_hbm, tb_hbm, src_hbm, dst_hbm, ga_hbm, gb_hbm):
        def body(si_vmem, di_vmem, ga_vmem, gb_vmem):
            pltpu.sync_copy(ta_hbm.at[si_vmem.at[0, 0]], ga_vmem)
            pltpu.sync_copy(tb_hbm.at[di_vmem.at[0, 0]], gb_vmem)

        pltpu.emit_pipeline(
            body,
            grid=(E // GW,),
            in_specs=[
                pl.BlockSpec((1, 1, GW), lambda i: (i, 0, 0)),
                pl.BlockSpec((1, 1, GW), lambda i: (i, 0, 0)),
            ],
            out_specs=[
                pl.BlockSpec((GW, D), lambda i: (i, 0)),
                pl.BlockSpec((GW, D), lambda i: (i, 0)),
            ],
            core_axis_name=("core", "subcore"),
            dimension_semantics=(pltpu.PARALLEL,),
        )(src_hbm, dst_hbm, ga_hbm, gb_hbm)

    return k(table_a, table_b, src3d, dst3d)


def _edge_body(ga_ref, gb_ref, ea_ref, pose_ref, dm8_ref, w1c_ref, w2_ref,
               we_ref, wp_ref, w1d_ref, b2_ref, be_ref, m_ref, eo_ref, pm_ref):
    bf16 = jnp.bfloat16
    ga = ga_ref[...].astype(jnp.float32)
    gb = gb_ref[...].astype(jnp.float32)
    ea = ea_ref[...]
    pose8 = pose_ref[...]
    d2 = pose8[:, 3:4]
    pre = (
        ga + gb
        + jnp.dot(ea.astype(bf16), w1c_ref[...],
                  preferred_element_type=jnp.float32)
        + d2 * w1d_ref[...]
    )
    m1 = _silu(pre)
    m = _silu(jnp.dot(m1.astype(bf16), w2_ref[...],
                      preferred_element_type=jnp.float32) + b2_ref[...])
    m_ref[...] = m
    eo_ref[...] = ea + _silu(
        jnp.dot(m.astype(bf16), we_ref[...],
                preferred_element_type=jnp.float32) + be_ref[...]
    )
    coef = jnp.tanh(jnp.sum(m * wp_ref[...], axis=1, keepdims=True))
    lane = lax.broadcasted_iota(jnp.int32, (BE, D), 1)
    lane16 = lane % 16
    group = lane // 16
    f32 = jnp.float32
    pmval = (
        pose8[:, 0:1] * coef * (lane16 == 0).astype(f32)
        + pose8[:, 1:2] * coef * (lane16 == 1).astype(f32)
        + pose8[:, 2:3] * coef * (lane16 == 2).astype(f32)
        + coef * (lane16 == 3).astype(f32)
        + (lane16 == 4).astype(f32)
    )
    pm_ref[...] = pmval * (group == dm8_ref[...]).astype(f32)


def _edge(ga, gb, ea, pose, dm8, w1c, w2, we, wp_row, w1d_row, b2r, ber):
    nb = E // BE
    full = lambda r, c: pl.BlockSpec((r, c), lambda i: (0, 0))
    return pl.pallas_call(
        _edge_body,
        grid=(nb,),
        in_specs=[
            pl.BlockSpec((BE, D), lambda i: (i, 0)),
            pl.BlockSpec((BE, D), lambda i: (i, 0)),
            pl.BlockSpec((BE, D), lambda i: (i, 0)),
            pl.BlockSpec((BE, 16), lambda i: (i, 0)),
            pl.BlockSpec((BE, 1), lambda i: (i, 0)),
            full(D, D), full(D, D), full(D, D),
            full(1, D), full(1, D), full(1, D), full(1, D),
        ],
        out_specs=[
            pl.BlockSpec((BE, D), lambda i: (i, 0)),
            pl.BlockSpec((BE, D), lambda i: (i, 0)),
            pl.BlockSpec((BE, D), lambda i: (i, 0)),
        ],
        out_shape=[
            jax.ShapeDtypeStruct((E, D), jnp.float32),
            jax.ShapeDtypeStruct((E, D), jnp.float32),
            jax.ShapeDtypeStruct((E, D), jnp.float32),
        ],
    )(ga, gb, ea, pose, dm8, w1c, w2, we, wp_row, w1d_row, b2r, ber)


def _scatter(m, pm128, dst3d, dst8_3d, zrows):
    mesh = plsc.VectorSubcoreMesh(
        core_axis_name="core", subcore_axis_name="subcore"
    )
    chunk = E // NW
    nwin = chunk // SW
    pr = NP // NS

    @pl.kernel(
        out_type=(
            jax.ShapeDtypeStruct((NC * N, D), jnp.float32),
            jax.ShapeDtypeStruct((NC * NP, D), jnp.float32),
        ),
        mesh=mesh,
        scratch_types=[
            pltpu.VMEM_SHARED((N, D), jnp.float32),
            pltpu.VMEM_SHARED((NP, D), jnp.float32),
            pltpu.VMEM((1, SW), jnp.int32),
            pltpu.VMEM((1, SW), jnp.int32),
            pltpu.VMEM((SW, D), jnp.float32),
            pltpu.VMEM((SW, D), jnp.float32),
            pltpu.VMEM((1, SW), jnp.int32),
            pltpu.VMEM((1, SW), jnp.int32),
            pltpu.VMEM((SW, D), jnp.float32),
            pltpu.VMEM((SW, D), jnp.float32),
            pltpu.VMEM((CR, D), jnp.float32),
            pltpu.SemaphoreType.DMA,
            pltpu.SemaphoreType.DMA,
        ],
    )
    def k(m_hbm, pm_hbm, dst_hbm, dst8_hbm, z_hbm, aggp_hbm, posp_hbm,
          acc, accp, idx_v0, idx8_v0, m_v0, pm_v0,
          idx_v1, idx8_v1, m_v1, pm_v1, bb, sem0, sem1):
        c = lax.axis_index("core")
        s = lax.axis_index("subcore")
        pltpu.sync_copy(z_hbm, bb)

        @pl.loop(0, ZR // CR)
        def _(t):
            pltpu.sync_copy(bb, acc.at[pl.ds(s * ZR + t * CR, CR)])

        pltpu.sync_copy(bb, accp.at[pl.ds(s * pr, CR)])
        pltpu.sync_copy(bb.at[pl.ds(0, pr - CR)],
                        accp.at[pl.ds(s * pr + CR, pr - CR)])

        @pl.when(s == 0)
        def _():
            pltpu.sync_copy(bb.at[pl.ds(0, ZTAIL)],
                            acc.at[pl.ds(NS * ZR, ZTAIL)])

        plsc.subcore_barrier()

        wbase = (c * NS + s) * nwin

        def loads(w, idxb, idx8b, mb, pmb, sem):
            off = w * SW
            pltpu.async_copy(dst_hbm.at[w], idxb, sem)
            pltpu.async_copy(dst8_hbm.at[w], idx8b, sem)
            pltpu.async_copy(m_hbm.at[pl.ds(off, SW)], mb, sem)
            pltpu.async_copy(pm_hbm.at[pl.ds(off, SW)], pmb, sem)

        def waits(w, idxb, idx8b, mb, pmb, sem):
            off = w * SW
            pltpu.make_async_copy(dst_hbm.at[w], idxb, sem).wait()
            pltpu.make_async_copy(dst8_hbm.at[w], idx8b, sem).wait()
            pltpu.make_async_copy(m_hbm.at[pl.ds(off, SW)], mb, sem).wait()
            pltpu.make_async_copy(pm_hbm.at[pl.ds(off, SW)], pmb, sem).wait()

        def adds(idxb, idx8b, mb, pmb):
            pltpu.sync_copy(mb, acc.at[idxb.at[0]], add=True)
            pltpu.sync_copy(pmb, accp.at[idx8b.at[0]], add=True)

        loads(wbase, idx_v0, idx8_v0, m_v0, pm_v0, sem0)

        @pl.loop(0, nwin, step=2)
        def _(j):
            w0 = wbase + j
            waits(w0, idx_v0, idx8_v0, m_v0, pm_v0, sem0)
            loads(w0 + 1, idx_v1, idx8_v1, m_v1, pm_v1, sem1)
            adds(idx_v0, idx8_v0, m_v0, pm_v0)
            waits(w0 + 1, idx_v1, idx8_v1, m_v1, pm_v1, sem1)

            @pl.when(j + 2 < nwin)
            def _():
                loads(w0 + 2, idx_v0, idx8_v0, m_v0, pm_v0, sem0)

            adds(idx_v1, idx8_v1, m_v1, pm_v1)

        plsc.subcore_barrier()

        @pl.loop(0, ZR // CR)
        def _(t):
            r0 = s * ZR + t * CR
            pltpu.sync_copy(acc.at[pl.ds(r0, CR)], bb)
            pltpu.sync_copy(bb, aggp_hbm.at[pl.ds(c * N + r0, CR)])

        pltpu.sync_copy(accp.at[pl.ds(s * pr, CR)], bb)
        pltpu.sync_copy(bb, posp_hbm.at[pl.ds(c * NP + s * pr, CR)])
        pltpu.sync_copy(accp.at[pl.ds(s * pr + CR, pr - CR)],
                        bb.at[pl.ds(0, pr - CR)])
        pltpu.sync_copy(bb.at[pl.ds(0, pr - CR)],
                        posp_hbm.at[pl.ds(c * NP + s * pr + CR, pr - CR)])

        @pl.when(s == 0)
        def _():
            pltpu.sync_copy(acc.at[pl.ds(NS * ZR, ZTAIL)], bb.at[pl.ds(0, ZTAIL)])
            pltpu.sync_copy(bb.at[pl.ds(0, ZTAIL)],
                            aggp_hbm.at[pl.ds(c * N + NS * ZR, ZTAIL)])

    return k(m, pm128, dst3d, dst8_3d, zrows)


def _node_body(x_ref, pos_ref, aggp_ref, posp_ref, wu1a_ref, wu1b_ref,
               wu2_ref, bu1_ref, bu2_ref, node_ref, pos_out_ref):
    x = x_ref[...]
    agg = aggp_ref[0] + aggp_ref[1]
    h = _silu(
        jnp.dot(x, wu1a_ref[...], preferred_element_type=jnp.float32)
        + jnp.dot(agg, wu1b_ref[...], preferred_element_type=jnp.float32)
        + bu1_ref[...]
    )
    node_ref[...] = (
        x + jnp.dot(h, wu2_ref[...], preferred_element_type=jnp.float32)
        + bu2_ref[...]
    )
    pos = pos_ref[...]
    pp = posp_ref[0] + posp_ref[1]
    cnt = pp[:, 4:5]
    pos_agg = pp[:, :3] - pos * pp[:, 3:4]
    pos_out_ref[...] = pos + pos_agg / jnp.maximum(cnt, 1.0)


def _node(x, pos, aggp, posp, wu1a, wu1b, wu2, bu1r, bu2r):
    nb = N // BN
    full = lambda r, c: pl.BlockSpec((r, c), lambda i: (0, 0))
    return pl.pallas_call(
        _node_body,
        grid=(nb,),
        in_specs=[
            pl.BlockSpec((BN, D), lambda i: (i, 0)),
            pl.BlockSpec((BN, 3), lambda i: (i, 0)),
            pl.BlockSpec((NC, BN, D), lambda i: (0, i, 0)),
            pl.BlockSpec((NC, BN, 16), lambda i: (0, i, 0)),
            full(D, D), full(D, D), full(D, D), full(1, D), full(1, D),
        ],
        out_specs=[
            pl.BlockSpec((BN, D), lambda i: (i, 0)),
            pl.BlockSpec((BN, 3), lambda i: (i, 0)),
        ],
        out_shape=[
            jax.ShapeDtypeStruct((N, D), jnp.float32),
            jax.ShapeDtypeStruct((N, 3), jnp.float32),
        ],
    )(x, pos, aggp, posp, wu1a, wu1b, wu2, bu1r, bu2r)


def kernel(x, edge_index, edge_attr, pos, W_msg1, b_msg1, W_msg2, b_msg2,
           W_upd1, b_upd1, W_upd2, b_upd2, W_pos, W_edge, b_edge):
    src = edge_index[0].astype(jnp.int32)
    dst = edge_index[1].astype(jnp.int32)
    src3d = src.reshape(E // GW, 1, GW)
    dstg3d = dst.reshape(E // GW, 1, GW)
    dst3d = dst.reshape(E // SW, 1, SW)
    srcw = src.reshape(E // CH, 1, CH)
    dstw = dst.reshape(E // CH, 1, CH)
    posflat = jnp.pad(pos, ((0, 0), (0, 1))).reshape(-1)

    w1a = W_msg1[:D]
    w1b = W_msg1[D:2 * D]
    w1c = W_msg1[2 * D:3 * D]
    w1d_row = W_msg1[3 * D:3 * D + 1]
    b1r = b_msg1.reshape(1, D)
    b2r = b_msg2.reshape(1, D)
    ber = b_edge.reshape(1, D)
    wp_row = W_pos.reshape(1, D)
    wu1a = W_upd1[:D]
    wu1b = W_upd1[D:]
    bu1r = b_upd1.reshape(1, D)
    bu2r = b_upd2.reshape(1, D)

    pose = _pose(posflat, srcw, dstw).reshape(E, 16)
    ta, tb = _proj(x, w1a, w1b, b1r)
    ga, gb = _gather(ta, tb, src3d, dstg3d)
    dm8 = (dst % 8).reshape(E, 1)
    dst8_3d = (dst // 8).reshape(E // SW, 1, SW)
    m, edge_out, pm128 = _edge(ga, gb, edge_attr, pose, dm8,
                               w1c.astype(jnp.bfloat16),
                               W_msg2.astype(jnp.bfloat16),
                               W_edge.astype(jnp.bfloat16),
                               wp_row, w1d_row, b2r, ber)
    zrows = jnp.zeros((CR, D), jnp.float32)
    aggp, posp = _scatter(m, pm128, dst3d, dst8_3d, zrows)
    aggp = aggp.reshape(NC, N, D)
    posp = posp.reshape(NC, NP * 8, 16)[:, :N]
    node_out, pos_out = _node(x, pos, aggp, posp, wu1a, wu1b, W_upd2,
                              bu1r, bu2r)
    return (node_out, edge_out, pos_out)

# --- scband reference (transcript-rebuilt; emitter-appended) ---
"""Pipeline reference for scband-karma-loop-19920058319163 (READ-ONLY COPY).

The authoritative reference and input builder live on the scoring server;
editing this copy changes nothing except your own understanding.
"""

import jax, jax.numpy as jnp
import numpy as np

N = 10000
E = 320000
D = 128


def silu(x):
    return x * jax.nn.sigmoid(x)


def setup_inputs(seed: int = 0) -> dict:
    key = jax.random.key(seed)
    ks = jax.random.split(key, 12)
    inp = {
        "x": jax.random.normal(ks[0], (N, D), dtype=jnp.float32),
        "edge_index": jax.random.randint(ks[1], (2, E), 0, N, dtype=jnp.int64) if jax.config.jax_enable_x64 else jax.random.randint(ks[1], (2, E), 0, N).astype(jnp.int32),
        "edge_attr": jax.random.normal(ks[2], (E, D), dtype=jnp.float32),
        "pos": jax.random.normal(ks[3], (N, 3), dtype=jnp.float32),
        "W_msg1": jax.random.normal(ks[4], (3 * D + 1, D), dtype=jnp.float32) * 0.02,
        "b_msg1": jnp.zeros((D,), jnp.float32),
        "W_msg2": jax.random.normal(ks[5], (D, D), dtype=jnp.float32) * 0.02,
        "b_msg2": jnp.zeros((D,), jnp.float32),
        "W_upd1": jax.random.normal(ks[6], (2 * D, D), dtype=jnp.float32) * 0.02,
        "b_upd1": jnp.zeros((D,), jnp.float32),
        "W_upd2": jax.random.normal(ks[7], (D, D), dtype=jnp.float32) * 0.02,
        "b_upd2": jnp.zeros((D,), jnp.float32),
        "W_pos": jax.random.normal(ks[8], (D, 1), dtype=jnp.float32) * 0.02,
        "W_edge": jax.random.normal(ks[9], (D, D), dtype=jnp.float32) * 0.02,
        "b_edge": jnp.zeros((D,), jnp.float32),
    }
    return inp


def reference(x, edge_index, edge_attr, pos, W_msg1, b_msg1, W_msg2, b_msg2, W_upd1, b_upd1, W_upd2, b_upd2, W_pos, W_edge, b_edge):
    # Representative EGNN message-passing layer from KarmaLoop's egnn_layers stack:
    # gather endpoint features + relative-position distance -> edge message MLP ->
    # scatter-add node aggregation -> residual node update, edge update, coord update.
    src, dst = edge_index[0], edge_index[1]
    x_src = x[src]
    x_dst = x[dst]
    rel = pos[src] - pos[dst]
    d2 = jnp.sum(rel * rel, axis=-1, keepdims=True)
    m = jnp.concatenate([x_src, x_dst, edge_attr, d2], axis=-1)
    m = silu(m @ W_msg1 + b_msg1)
    m = silu(m @ W_msg2 + b_msg2)
    # edge feature update (residual, as in EGNN edge_out path)
    edge_out = edge_attr + silu(m @ W_edge + b_edge)
    # scatter-add aggregation of messages onto destination nodes
    agg = jax.ops.segment_sum(m, dst, num_segments=x.shape[0])
    h = jnp.concatenate([x, agg], axis=-1)
    h = silu(h @ W_upd1 + b_upd1)
    h = h @ W_upd2 + b_upd2
    node_out = x + h
    # coordinate update (pos refinement as in loop_modelling update_pos=True)
    coef = jnp.tanh(m @ W_pos)
    pos_msg = rel * coef
    pos_agg = jax.ops.segment_sum(pos_msg, dst, num_segments=x.shape[0])
    cnt = jax.ops.segment_sum(jnp.ones((pos_msg.shape[0], 1), jnp.float32), dst, num_segments=x.shape[0])
    pos_out = pos + pos_agg / jnp.maximum(cnt, 1.0)
    return (node_out, edge_out, pos_out)

if __name__ == "__main__":
    import jax
    _d = setup_inputs()
    print(jax.jit(kernel)(*tuple(_d.values())))

</pallas_src>

<mosaic_0001>
#map = affine_map<(d0, d1) -> (0)>
#map1 = affine_map<(d0, d1) -> (0, 0, 0)>
module attributes {stable_mosaic.version = 14 : i64} {
  func.func @k(%arg0: i32, %arg1: i32, %arg2: memref<40000xf32, #tpu.memory_space<hbm>>, %arg3: memref<160x1x2000xi32, #tpu.memory_space<hbm>>, %arg4: memref<160x1x2000xi32, #tpu.memory_space<hbm>>, %arg5: memref<5120000xf32, #tpu.memory_space<hbm>>, %arg6: memref<40000xf32, #tpu.memory_space<vmem>>, %arg7: memref<1x2000xi32, #tpu.memory_space<vmem>>, %arg8: memref<1x2000xi32, #tpu.memory_space<vmem>>, %arg9: memref<32000xf32, #tpu.memory_space<vmem>>) attributes {dimension_semantics = [#tpu.dimension_semantics<core_parallel>, #tpu.dimension_semantics<subcore_parallel>], iteration_bounds = array<i64: 2, 16>, scalar_prefetch = 0 : i64, scratch_operands = 4 : i64, tpu.core_type = #tpu.core_type<sc_vector_subcore>, window_params = [{transform_indices = #map}, {transform_indices = #map1}, {transform_indices = #map1}, {transform_indices = #map}]} {
    %mul3A = arith.constant 16 : i32
    %mul3A_0 = arith.muli %arg0, %mul3A : i32
    %add3A = arith.addi %mul3A_0, %arg1 : i32
    "tpu.region"() ({
      %run_scoped3A = tpu.sem_alloc : memref<!tpu.dma_semaphore, #tpu.memory_space<semaphore_mem>>
      tpu.enqueue_dma source(%arg2 : memref<40000xf32, #tpu.memory_space<hbm>>) target(%arg6 : memref<40000xf32, #tpu.memory_space<vmem>>) target_semaphore(%run_scoped3A : memref<!tpu.dma_semaphore, #tpu.memory_space<semaphore_mem>>)
      tpu.wait_dma2 semaphore(%run_scoped3A : memref<!tpu.dma_semaphore, #tpu.memory_space<semaphore_mem>>) src(%arg2 : memref<40000xf32, #tpu.memory_space<hbm>>) dst(%arg6 : memref<40000xf32, #tpu.memory_space<vmem>>)
      tpu.yield
    }) : () -> ()
    %scan3A = arith.constant 0 : i32
    %scan3A_1 = arith.constant 5 : i32
    %scan3A_2 = arith.addi %scan3A, %scan3A_1 : i32
    %scan3A_3 = arith.constant 1 : i32
    scf.for %scan3A_5 = %scan3A to %scan3A_2 step %scan3A_3  : i32 {
      %mul3A_6 = arith.constant 1 : i32
      %mul3A_7 = arith.muli %scan3A_5, %mul3A_6 : i32
      %add3A_8 = arith.constant 0 : i32
      %add3A_9 = arith.addi %add3A_8, %mul3A_7 : i32
      %mul3A_10 = arith.constant 5 : i32
      %mul3A_11 = arith.muli %add3A, %mul3A_10 : i32
      %add3A_12 = arith.addi %mul3A_11, %add3A_9 : i32
      "tpu.region"() ({
        %run_scoped3A = tpu.sem_alloc : memref<!tpu.dma_semaphore, #tpu.memory_space<semaphore_mem>>
        %dma_start3A = arith.constant 0 : i32
        %dma_start3A_22 = arith.constant 0 : i32
        %dma_start3A_23 = tpu.memref_slice %arg3[%add3A_12, %dma_start3A, %dma_start3A_22] : memref<160x1x2000xi32, #tpu.memory_space<hbm>> -> memref<1x1x2000xi32, #tpu.memory_space<hbm>>
        %dma_start3A_24 = tpu.memref_squeeze %dma_start3A_23 : memref<1x1x2000xi32, #tpu.memory_space<hbm>> -> memref<1x2000xi32, #tpu.memory_space<hbm>>
        %dma_start3A_25 = arith.constant 0 : i32
        %dma_start3A_26 = arith.constant 0 : i32
        %dma_start3A_27 = tpu.memref_slice %arg3[%add3A_12, %dma_start3A_25, %dma_start3A_26] : memref<160x1x2000xi32, #tpu.memory_space<hbm>> -> memref<1x1x2000xi32, #tpu.memory_space<hbm>>
        %dma_start3A_28 = tpu.memref_squeeze %dma_start3A_27 : memref<1x1x2000xi32, #tpu.memory_space<hbm>> -> memref<1x2000xi32, #tpu.memory_space<hbm>>
        tpu.enqueue_dma source(%dma_start3A_28 : memref<1x2000xi32, #tpu.memory_space<hbm>>) target(%arg7 : memref<1x2000xi32, #tpu.memory_space<vmem>>) target_semaphore(%run_scoped3A : memref<!tpu.dma_semaphore, #tpu.memory_space<semaphore_mem>>)
        %dma_wait3A = arith.constant 0 : i32
        %dma_wait3A_29 = arith.constant 0 : i32
        %dma_wait3A_30 = tpu.memref_slice %arg3[%add3A_12, %dma_wait3A, %dma_wait3A_29] : memref<160x1x2000xi32, #tpu.memory_space<hbm>> -> memref<1x1x2000xi32, #tpu.memory_space<hbm>>
        %dma_wait3A_31 = tpu.memref_squeeze %dma_wait3A_30 : memref<1x1x2000xi32, #tpu.memory_space<hbm>> -> memref<1x2000xi32, #tpu.memory_space<hbm>>
        %dma_wait3A_32 = arith.constant 0 : i32
        %dma_wait3A_33 = arith.constant 0 : i32
        %dma_wait3A_34 = tpu.memref_slice %arg3[%add3A_12, %dma_wait3A_32, %dma_wait3A_33] : memref<160x1x2000xi32, #tpu.memory_space<hbm>> -> memref<1x1x2000xi32, #tpu.memory_space<hbm>>
        %dma_wait3A_35 = tpu.memref_squeeze %dma_wait3A_34 : memref<1x1x2000xi32, #tpu.memory_space<hbm>> -> memref<1x2000xi32, #tpu.memory_space<hbm>>
        tpu.wait_dma2 semaphore(%run_scoped3A : memref<!tpu.dma_semaphore, #tpu.memory_space<semaphore_mem>>) src(%dma_wait3A_35 : memref<1x2000xi32, #tpu.memory_space<hbm>>) dst(%arg7 : memref<1x2000xi32, #tpu.memory_space<vmem>>)
        tpu.yield
      }) : () -> ()
      "tpu.region"() ({
        %run_scoped3A = tpu.sem_alloc : memref<!tpu.dma_semaphore, #tpu.memory_space<semaphore_mem>>
        %dma_start3A = arith.constant 0 : i32
        %dma_start3A_22 = arith.constant 0 : i32
        %dma_start3A_23 = tpu.memref_slice %arg4[%add3A_12, %dma_start3A, %dma_start3A_22] : memref<160x1x2000xi32, #tpu.memory_space<hbm>> -> memref<1x1x2000xi32, #tpu.memory_space<hbm>>
        %dma_start3A_24 = tpu.memref_squeeze %dma_start3A_23 : memref<1x1x2000xi32, #tpu.memory_space<hbm>> -> memref<1x2000xi32, #tpu.memory_space<hbm>>
        %dma_start3A_25 = arith.constant 0 : i32
        %dma_start3A_26 = arith.constant 0 : i32
        %dma_start3A_27 = tpu.memref_slice %arg4[%add3A_12, %dma_start3A_25, %dma_start3A_26] : memref<160x1x2000xi32, #tpu.memory_space<hbm>> -> memref<1x1x2000xi32, #tpu.memory_space<hbm>>
        %dma_start3A_28 = tpu.memref_squeeze %dma_start3A_27 : memref<1x1x2000xi32, #tpu.memory_space<hbm>> -> memref<1x2000xi32, #tpu.memory_space<hbm>>
        tpu.enqueue_dma source(%dma_start3A_28 : memref<1x2000xi32, #tpu.memory_space<hbm>>) target(%arg8 : memref<1x2000xi32, #tpu.memory_space<vmem>>) target_semaphore(%run_scoped3A : memref<!tpu.dma_semaphore, #tpu.memory_space<semaphore_mem>>)
        %dma_wait3A = arith.constant 0 : i32
        %dma_wait3A_29 = arith.constant 0 : i32
        %dma_wait3A_30 = tpu.memref_slice %arg4[%add3A_12, %dma_wait3A, %dma_wait3A_29] : memref<160x1x2000xi32, #tpu.memory_space<hbm>> -> memref<1x1x2000xi32, #tpu.memory_space<hbm>>
        %dma_wait3A_31 = tpu.memref_squeeze %dma_wait3A_30 : memref<1x1x2000xi32, #tpu.memory_space<hbm>> -> memref<1x2000xi32, #tpu.memory_space<hbm>>
        %dma_wait3A_32 = arith.constant 0 : i32
        %dma_wait3A_33 = arith.constant 0 : i32
        %dma_wait3A_34 = tpu.memref_slice %arg4[%add3A_12, %dma_wait3A_32, %dma_wait3A_33] : memref<160x1x2000xi32, #tpu.memory_space<hbm>> -> memref<1x1x2000xi32, #tpu.memory_space<hbm>>
        %dma_wait3A_35 = tpu.memref_squeeze %dma_wait3A_34 : memref<1x1x2000xi32, #tpu.memory_space<hbm>> -> memref<1x2000xi32, #tpu.memory_space<hbm>>
        tpu.wait_dma2 semaphore(%run_scoped3A : memref<!tpu.dma_semaphore, #tpu.memory_space<semaphore_mem>>) src(%dma_wait3A_35 : memref<1x2000xi32, #tpu.memory_space<hbm>>) dst(%arg8 : memref<1x2000xi32, #tpu.memory_space<vmem>>)
        tpu.yield
      }) : () -> ()
      %scan3A_13 = arith.constant 0 : i32
      %scan3A_14 = arith.constant 125 : i32
      %scan3A_15 = arith.addi %scan3A_13, %scan3A_14 : i32
      %scan3A_16 = arith.constant 1 : i32
      scf.for %scan3A_22 = %scan3A_13 to %scan3A_15 step %scan3A_16  : i32 {
        %mul3A_23 = arith.constant 1 : i32
        %mul3A_24 = arith.muli %scan3A_22, %mul3A_23 : i32
        %add3A_25 = arith.constant 0 : i32
        %add3A_26 = arith.addi %add3A_25, %mul3A_24 : i32
        %mul3A_27 = arith.constant 16 : i32
        %mul3A_28 = arith.muli %add3A_26, %mul3A_27 : i32
        %get3A = arith.constant 0 : i32
        %get3A_29 = arith.index_cast %get3A : i32 to index
        %get3A_30 = arith.index_cast %mul3A_28 : i32 to index
        %get3A_31 = tpu.vector_load %arg7[%get3A_29, %get3A_30] {strides = array<i32>} : memref<1x2000xi32, #tpu.memory_space<vmem>>, vector<16xi32>,
        %mul3A_32 = arith.constant 4 : i32
        %mul3A_33 = vector.broadcast %mul3A_32 : i32 to vector<16xi32>
        %mul3A_34 = arith.muli %get3A_31, %mul3A_33 : vector<16xi32>
        %mul3A_35 = arith.constant 16 : i32
        %mul3A_36 = arith.muli %add3A_26, %mul3A_35 : i32
        %get3A_37 = arith.constant 0 : i32
        %get3A_38 = arith.index_cast %get3A_37 : i32 to index
        %get3A_39 = arith.index_cast %mul3A_36 : i32 to index
        %get3A_40 = tpu.vector_load %arg8[%get3A_38, %get3A_39] {strides = array<i32>} : memref<1x2000xi32, #tpu.memory_space<vmem>>, vector<16xi32>,
        %mul3A_41 = arith.constant 4 : i32
        %mul3A_42 = vector.broadcast %mul3A_41 : i32 to vector<16xi32>
        %mul3A_43 = arith.muli %get3A_40, %mul3A_42 : vector<16xi32>
        %gather3A = tpu.vector_load_idx %arg6[%mul3A_34] : memref<40000xf32, #tpu.memory_space<vmem>>[vector<16xi32>], vector<16xf32>,
        %add3A_44 = arith.constant 1 : i32
        %add3A_45 = vector.broadcast %add3A_44 : i32 to vector<16xi32>
        %add3A_46 = arith.addi %mul3A_34, %add3A_45 : vector<16xi32>
        %gather3A_47 = tpu.vector_load_idx %arg6[%add3A_46] : memref<40000xf32, #tpu.memory_space<vmem>>[vector<16xi32>], vector<16xf32>,
        %add3A_48 = arith.constant 2 : i32
        %add3A_49 = vector.broadcast %add3A_48 : i32 to vector<16xi32>
        %add3A_50 = arith.addi %mul3A_34, %add3A_49 : vector<16xi32>
        %gather3A_51 = tpu.vector_load_idx %arg6[%add3A_50] : memref<40000xf32, #tpu.memory_space<vmem>>[vector<16xi32>], vector<16xf32>,
        %gather3A_52 = tpu.vector_load_idx %arg6[%mul3A_43] : memref<40000xf32, #tpu.memory_space<vmem>>[vector<16xi32>], vector<16xf32>,
        %add3A_53 = arith.constant 1 : i32
        %add3A_54 = vector.broadcast %add3A_53 : i32 to vector<16xi32>
        %add3A_55 = arith.addi %mul3A_43, %add3A_54 : vector<16xi32>
        %gather3A_56 = tpu.vector_load_idx %arg6[%add3A_55] : memref<40000xf32, #tpu.memory_space<vmem>>[vector<16xi32>], vector<16xf32>,
        %add3A_57 = arith.constant 2 : i32
        %add3A_58 = vector.broadcast %add3A_57 : i32 to vector<16xi32>
        %add3A_59 = arith.addi %mul3A_43, %add3A_58 : vector<16xi32>
        %gather3A_60 = tpu.vector_load_idx %arg6[%add3A_59] : memref<40000xf32, #tpu.memory_space<vmem>>[vector<16xi32>], vector<16xf32>,
        %sub3A = arith.subf %gather3A, %gather3A_52 : vector<16xf32>
        %sub3A_61 = arith.subf %gather3A_47, %gather3A_56 : vector<16xf32>
        %sub3A_62 = arith.subf %gather3A_51, %gather3A_60 : vector<16xf32>
        %mul3A_63 = arith.mulf %sub3A, %sub3A : vector<16xf32>
        %mul3A_64 = arith.mulf %sub3A_61, %sub3A_61 : vector<16xf32>
        %add3A_65 = arith.addf %mul3A_63, %mul3A_64 : vector<16xf32>
        %mul3A_66 = arith.mulf %sub3A_62, %sub3A_62 : vector<16xf32>
        %add3A_67 = arith.addf %add3A_65, %mul3A_66 : vector<16xf32>
        %iota3A = tpu.iota {dimensions = array<i32: 0>} : vector<16xi32>
        %mul3A_68 = arith.constant 16 : i32
        %mul3A_69 = vector.broadcast %mul3A_68 : i32 to vector<16xi32>
        %mul3A_70 = arith.muli %iota3A, %mul3A_69 : vector<16xi32>
        %mul3A_71 = arith.constant 256 : i32
        %mul3A_72 = arith.muli %add3A_26, %mul3A_71 : i32
        %add3A_73 = vector.broadcast %mul3A_72 : i32 to vector<16xi32>
        %add3A_74 = arith.addi %mul3A_70, %add3A_73 : vector<16xi32>
        tpu.vector_store_idx %arg9[%add3A_74], %gather3A : memref<32000xf32, #tpu.memory_space<vmem>>[vector<16xi32>], vector<16xf32>,
        %add3A_75 = arith.constant 1 : i32
        %add3A_76 = vector.broadcast %add3A_75 : i32 to vector<16xi32>
        %add3A_77 = arith.addi %add3A_74, %add3A_76 : vector<16xi32>
        tpu.vector_store_idx %arg9[%add3A_77], %gather3A_47 : memref<32000xf32, #tpu.memory_space<vmem>>[vector<16xi32>], vector<16xf32>,
        %add3A_78 = arith.constant 2 : i32
        %add3A_79 = vector.broadcast %add3A_78 : i32 to vector<16xi32>
        %add3A_80 = arith.addi %add3A_74, %add3A_79 : vector<16xi32>
        tpu.vector_store_idx %arg9[%add3A_80], %gather3A_51 : memref<32000xf32, #tpu.memory_space<vmem>>[vector<16xi32>], vector<16xf32>,
        %add3A_81 = arith.constant 3 : i32
        %add3A_82 = vector.broadcast %add3A_81 : i32 to vector<16xi32>
        %add3A_83 = arith.addi %add3A_74, %add3A_82 : vector<16xi32>
        tpu.vector_store_idx %arg9[%add3A_83], %add3A_67 : memref<32000xf32, #tpu.memory_space<vmem>>[vector<16xi32>], vector<16xf32>,
      }
      %scan3A_17 = arith.constant 125 : i32
      %mul3A_18 = arith.constant 2000 : i32
      %mul3A_19 = arith.muli %add3A_12, %mul3A_18 : i32
      %mul3A_20 = arith.constant 16 : i32
      %mul3A_21 = arith.muli %mul3A_19, %mul3A_20 : i32
      "tpu.region"() ({
        %run_scoped3A = tpu.sem_alloc : memref<!tpu.dma_semaphore, #tpu.memory_space<semaphore_mem>>
        %dma_start3A = tpu.memref_slice %arg5[%mul3A_21] : memref<5120000xf32, #tpu.memory_space<hbm>> -> memref<32000xf32, #tpu.memory_space<hbm>>
        %dma_start3A_22 = tpu.memref_slice %arg5[%mul3A_21] : memref<5120000xf32, #tpu.memory_space<hbm>> -> memref<32000xf32, #tpu.memory_space<hbm>>
        tpu.enqueue_dma source(%arg9 : memref<32000xf32, #tpu.memory_space<vmem>>) target(%dma_start3A_22 : memref<32000xf32, #tpu.memory_space<hbm>>) target_semaphore(%run_scoped3A : memref<!tpu.dma_semaphore, #tpu.memory_space<semaphore_mem>>)
        %dma_wait3A = tpu.memref_slice %arg5[%mul3A_21] : memref<5120000xf32, #tpu.memory_space<hbm>> -> memref<32000xf32, #tpu.memory_space<hbm>>
        %dma_wait3A_23 = tpu.memref_slice %arg5[%mul3A_21] : memref<5120000xf32, #tpu.memory_space<hbm>> -> memref<32000xf32, #tpu.memory_space<hbm>>
        tpu.wait_dma2 semaphore(%run_scoped3A : memref<!tpu.dma_semaphore, #tpu.memory_space<semaphore_mem>>) src(%arg9 : memref<32000xf32, #tpu.memory_space<vmem>>) dst(%dma_wait3A_23 : memref<32000xf32, #tpu.memory_space<hbm>>)
        tpu.yield
      }) : () -> ()
    }
    %scan3A_4 = arith.constant 5 : i32
    return
  }
}

#map = affine_map<(d0, d1) -> (0, 0)>
#map1 = affine_map<(d0, d1) -> (0, 0, 0)>
module attributes {stable_mosaic.version = 14 : i64} {
  func.func @k(%arg0: i32, %arg1: i32, %arg2: memref<320000x128xf32, #tpu.memory_space<hbm>>, %arg3: memref<320000x128xf32, #tpu.memory_space<hbm>>, %arg4: memref<8000x1x40xi32, #tpu.memory_space<hbm>>, %arg5: memref<8000x1x40xi32, #tpu.memory_space<hbm>>, %arg6: memref<48x128xf32, #tpu.memory_space<hbm>>, %arg7: memref<20000x128xf32, #tpu.memory_space<hbm>>, %arg8: memref<2560x128xf32, #tpu.memory_space<hbm>>, %arg9: memref<10000x128xf32, #tpu.memory_space<vmem_shared>>, %arg10: memref<1280x128xf32, #tpu.memory_space<vmem_shared>>, %arg11: memref<1x40xi32, #tpu.memory_space<vmem>>, %arg12: memref<1x40xi32, #tpu.memory_space<vmem>>, %arg13: memref<40x128xf32, #tpu.memory_space<vmem>>, %arg14: memref<40x128xf32, #tpu.memory_space<vmem>>, %arg15: memref<1x40xi32, #tpu.memory_space<vmem>>, %arg16: memref<1x40xi32, #tpu.memory_space<vmem>>, %arg17: memref<40x128xf32, #tpu.memory_space<vmem>>, %arg18: memref<40x128xf32, #tpu.memory_space<vmem>>, %arg19: memref<48x128xf32, #tpu.memory_space<vmem>>, %arg20: memref<!tpu.dma_semaphore, #tpu.memory_space<semaphore_mem>>, %arg21: memref<!tpu.dma_semaphore, #tpu.memory_space<semaphore_mem>>) attributes {dimension_semantics = [#tpu.dimension_semantics<core_parallel>, #tpu.dimension_semantics<subcore_parallel>], iteration_bounds = array<i64: 2, 16>, scalar_prefetch = 0 : i64, scratch_operands = 13 : i64, tpu.core_type = #tpu.core_type<sc_vector_subcore>, window_params = [{transform_indices = #map}, {transform_indices = #map}, {transform_indices = #map1}, {transform_indices = #map1}, {transform_indices = #map}, {transform_indices = #map}, {transform_indices = #map}]} {
    "tpu.region"() ({
      %run_scoped3A = tpu.sem_alloc : memref<!tpu.dma_semaphore, #tpu.memory_space<semaphore_mem>>
      tpu.enqueue_dma source(%arg6 : memref<48x128xf32, #tpu.memory_space<hbm>>) target(%arg19 : memref<48x128xf32, #tpu.memory_space<vmem>>) target_semaphore(%run_scoped3A : memref<!tpu.dma_semaphore, #tpu.memory_space<semaphore_mem>>)
      tpu.wait_dma2 semaphore(%run_scoped3A : memref<!tpu.dma_semaphore, #tpu.memory_space<semaphore_mem>>) src(%arg6 : memref<48x128xf32, #tpu.memory_space<hbm>>) dst(%arg19 : memref<48x128xf32, #tpu.memory_space<vmem>>)
      tpu.yield
    }) : () -> ()
    %scan3A = arith.constant 0 : i32
    %scan3A_0 = arith.constant 13 : i32
    %scan3A_1 = arith.addi %scan3A, %scan3A_0 : i32
    %scan3A_2 = arith.constant 1 : i32
    scf.for %scan3A_74 = %scan3A to %scan3A_1 step %scan3A_2  : i32 {
      %mul3A_75 = arith.constant 1 : i32
      %mul3A_76 = arith.muli %scan3A_74, %mul3A_75 : i32
      %add3A_77 = arith.constant 0 : i32
      %add3A_78 = arith.addi %add3A_77, %mul3A_76 : i32
      %mul3A_79 = arith.constant 624 : i32
      %mul3A_80 = arith.muli %arg1, %mul3A_79 : i32
      %mul3A_81 = arith.constant 48 : i32
      %mul3A_82 = arith.muli %add3A_78, %mul3A_81 : i32
      %add3A_83 = arith.addi %mul3A_80, %mul3A_82 : i32
      "tpu.region"() ({
        %run_scoped3A = tpu.sem_alloc : memref<!tpu.dma_semaphore, #tpu.memory_space<semaphore_mem>>
        %dma_start3A_84 = arith.constant 0 : i32
        %dma_start3A_85 = tpu.memref_slice %arg9[%add3A_83, %dma_start3A_84] : memref<10000x128xf32, #tpu.memory_space<vmem_shared>> -> memref<48x128xf32, #tpu.memory_space<vmem_shared>>
        %dma_start3A_86 = arith.constant 0 : i32
        %dma_start3A_87 = tpu.memref_slice %arg9[%add3A_83, %dma_start3A_86] : memref<10000x128xf32, #tpu.memory_space<vmem_shared>> -> memref<48x128xf32, #tpu.memory_space<vmem_shared>>
        tpu.enqueue_dma source(%arg19 : memref<48x128xf32, #tpu.memory_space<vmem>>) target(%dma_start3A_87 : memref<48x128xf32, #tpu.memory_space<vmem_shared>>) target_semaphore(%run_scoped3A : memref<!tpu.dma_semaphore, #tpu.memory_space<semaphore_mem>>)
        %dma_wait3A = arith.constant 0 : i32
        %dma_wait3A_88 = tpu.memref_slice %arg9[%add3A_83, %dma_wait3A] : memref<10000x128xf32, #tpu.memory_space<vmem_shared>> -> memref<48x128xf32, #tpu.memory_space<vmem_shared>>
        %dma_wait3A_89 = arith.constant 0 : i32
        %dma_wait3A_90 = tpu.memref_slice %arg9[%add3A_83, %dma_wait3A_89] : memref<10000x128xf32, #tpu.memory_space<vmem_shared>> -> memref<48x128xf32, #tpu.memory_space<vmem_shared>>
        tpu.wait_dma2 semaphore(%run_scoped3A : memref<!tpu.dma_semaphore, #tpu.memory_space<semaphore_mem>>) src(%arg19 : memref<48x128xf32, #tpu.memory_space<vmem>>) dst(%dma_wait3A_90 : memref<48x128xf32, #tpu.memory_space<vmem_shared>>)
        tpu.yield
      }) : () -> ()
    }
    %scan3A_3 = arith.constant 13 : i32
    %mul3A = arith.constant 80 : i32
    %mul3A_4 = arith.muli %arg1, %mul3A : i32
    "tpu.region"() ({
      %run_scoped3A = tpu.sem_alloc : memref<!tpu.dma_semaphore, #tpu.memory_space<semaphore_mem>>
      %dma_start3A_74 = arith.constant 0 : i32
      %dma_start3A_75 = tpu.memref_slice %arg10[%mul3A_4, %dma_start3A_74] : memref<1280x128xf32, #tpu.memory_space<vmem_shared>> -> memref<48x128xf32, #tpu.memory_space<vmem_shared>>
      %dma_start3A_76 = arith.constant 0 : i32
      %dma_start3A_77 = tpu.memref_slice %arg10[%mul3A_4, %dma_start3A_76] : memref<1280x128xf32, #tpu.memory_space<vmem_shared>> -> memref<48x128xf32, #tpu.memory_space<vmem_shared>>
      tpu.enqueue_dma source(%arg19 : memref<48x128xf32, #tpu.memory_space<vmem>>) target(%dma_start3A_77 : memref<48x128xf32, #tpu.memory_space<vmem_shared>>) target_semaphore(%run_scoped3A : memref<!tpu.dma_semaphore, #tpu.memory_space<semaphore_mem>>)
      %dma_wait3A = arith.constant 0 : i32
      %dma_wait3A_78 = tpu.memref_slice %arg10[%mul3A_4, %dma_wait3A] : memref<1280x128xf32, #tpu.memory_space<vmem_shared>> -> memref<48x128xf32, #tpu.memory_space<vmem_shared>>
      %dma_wait3A_79 = arith.constant 0 : i32
      %dma_wait3A_80 = tpu.memref_slice %arg10[%mul3A_4, %dma_wait3A_79] : memref<1280x128xf32, #tpu.memory_space<vmem_shared>> -> memref<48x128xf32, #tpu.memory_space<vmem_shared>>
      tpu.wait_dma2 semaphore(%run_scoped3A : memref<!tpu.dma_semaphore, #tpu.memory_space<semaphore_mem>>) src(%arg19 : memref<48x128xf32, #tpu.memory_space<vmem>>) dst(%dma_wait3A_80 : memref<48x128xf32, #tpu.memory_space<vmem_shared>>)
      tpu.yield
    }) : () -> ()
    %mul3A_5 = arith.constant 80 : i32
    %mul3A_6 = arith.muli %arg1, %mul3A_5 : i32
    %add3A = arith.constant 48 : i32
    %add3A_7 = arith.addi %mul3A_6, %add3A : i32
    "tpu.region"() ({
      %run_scoped3A = tpu.sem_alloc : memref<!tpu.dma_semaphore, #tpu.memory_space<semaphore_mem>>
      %dma_start3A_74 = arith.constant 0 : i32
      %dma_start3A_75 = arith.constant 0 : i32
      %dma_start3A_76 = tpu.memref_slice %arg19[%dma_start3A_74, %dma_start3A_75] : memref<48x128xf32, #tpu.memory_space<vmem>> -> memref<32x128xf32, #tpu.memory_space<vmem>>
      %dma_start3A_77 = arith.constant 0 : i32
      %dma_start3A_78 = tpu.memref_slice %arg10[%add3A_7, %dma_start3A_77] : memref<1280x128xf32, #tpu.memory_space<vmem_shared>> -> memref<32x128xf32, #tpu.memory_space<vmem_shared>>
      %dma_start3A_79 = arith.constant 0 : i32
      %dma_start3A_80 = tpu.memref_slice %arg10[%add3A_7, %dma_start3A_79] : memref<1280x128xf32, #tpu.memory_space<vmem_shared>> -> memref<32x128xf32, #tpu.memory_space<vmem_shared>>
      %dma_start3A_81 = arith.constant 0 : i32
      %dma_start3A_82 = arith.constant 0 : i32
      %dma_start3A_83 = tpu.memref_slice %arg19[%dma_start3A_81, %dma_start3A_82] : memref<48x128xf32, #tpu.memory_space<vmem>> -> memref<32x128xf32, #tpu.memory_space<vmem>>
      tpu.enqueue_dma source(%dma_start3A_83 : memref<32x128xf32, #tpu.memory_space<vmem>>) target(%dma_start3A_80 : memref<32x128xf32, #tpu.memory_space<vmem_shared>>) target_semaphore(%run_scoped3A : memref<!tpu.dma_semaphore, #tpu.memory_space<semaphore_mem>>)
      %dma_wait3A = arith.constant 0 : i32
      %dma_wait3A_84 = arith.constant 0 : i32
      %dma_wait3A_85 = tpu.memref_slice %arg19[%dma_wait3A, %dma_wait3A_84] : memref<48x128xf32, #tpu.memory_space<vmem>> -> memref<32x128xf32, #tpu.memory_space<vmem>>
      %dma_wait3A_86 = arith.constant 0 : i32
      %dma_wait3A_87 = tpu.memref_slice %arg10[%add3A_7, %dma_wait3A_86] : memref<1280x128xf32, #tpu.memory_space<vmem_shared>> -> memref<32x128xf32, #tpu.memory_space<vmem_shared>>
      %dma_wait3A_88 = arith.constant 0 : i32
      %dma_wait3A_89 = tpu.memref_slice %arg10[%add3A_7, %dma_wait3A_88] : memref<1280x128xf32, #tpu.memory_space<vmem_shared>> -> memref<32x128xf32, #tpu.memory_space<vmem_shared>>
      %dma_wait3A_90 = arith.constant 0 : i32
      %dma_wait3A_91 = arith.constant 0 : i32
      %dma_wait3A_92 = tpu.memref_slice %arg19[%dma_wait3A_90, %dma_wait3A_91] : memref<48x128xf32, #tpu.memory_space<vmem>> -> memref<32x128xf32, #tpu.memory_space<vmem>>
      tpu.wait_dma2 semaphore(%run_scoped3A : memref<!tpu.dma_semaphore, #tpu.memory_space<semaphore_mem>>) src(%dma_wait3A_92 : memref<32x128xf32, #tpu.memory_space<vmem>>) dst(%dma_wait3A_89 : memref<32x128xf32, #tpu.memory_space<vmem_shared>>)
      tpu.yield
    }) : () -> ()
    %eq3A = arith.constant 0 : i32
    %eq3A_8 = arith.cmpi eq, %arg1, %eq3A : i32
    %convert_element_type3A = arith.extui %eq3A_8 : i1 to i32
    %cond3A = arith.constant 0 : i32
    %cond3A_9 = arith.cmpi ne, %convert_element_type3A, %cond3A : i32
    scf.if %cond3A_9 {
      "tpu.region"() ({
        %run_scoped3A = tpu.sem_alloc : memref<!tpu.dma_semaphore, #tpu.memory_space<semaphore_mem>>
        %dma_start3A_74 = arith.constant 0 : i32
        %dma_start3A_75 = arith.constant 0 : i32
        %dma_start3A_76 = tpu.memref_slice %arg19[%dma_start3A_74, %dma_start3A_75] : memref<48x128xf32, #tpu.memory_space<vmem>> -> memref<16x128xf32, #tpu.memory_space<vmem>>
        %dma_start3A_77 = arith.constant 9984 : i32
        %dma_start3A_78 = arith.constant 0 : i32
        %dma_start3A_79 = tpu.memref_slice %arg9[%dma_start3A_77, %dma_start3A_78] : memref<10000x128xf32, #tpu.memory_space<vmem_shared>> -> memref<16x128xf32, #tpu.memory_space<vmem_shared>>
        %dma_start3A_80 = arith.constant 9984 : i32
        %dma_start3A_81 = arith.constant 0 : i32
        %dma_start3A_82 = tpu.memref_slice %arg9[%dma_start3A_80, %dma_start3A_81] : memref<10000x128xf32, #tpu.memory_space<vmem_shared>> -> memref<16x128xf32, #tpu.memory_space<vmem_shared>>
        %dma_start3A_83 = arith.constant 0 : i32
        %dma_start3A_84 = arith.constant 0 : i32
        %dma_start3A_85 = tpu.memref_slice %arg19[%dma_start3A_83, %dma_start3A_84] : memref<48x128xf32, #tpu.memory_space<vmem>> -> memref<16x128xf32, #tpu.memory_space<vmem>>
        tpu.enqueue_dma source(%dma_start3A_85 : memref<16x128xf32, #tpu.memory_space<vmem>>) target(%dma_start3A_82 : memref<16x128xf32, #tpu.memory_space<vmem_shared>>) target_semaphore(%run_scoped3A : memref<!tpu.dma_semaphore, #tpu.memory_space<semaphore_mem>>)
        %dma_wait3A = arith.constant 0 : i32
        %dma_wait3A_86 = arith.constant 0 : i32
        %dma_wait3A_87 = tpu.memref_slice %arg19[%dma_wait3A, %dma_wait3A_86] : memref<48x128xf32, #tpu.memory_space<vmem>> -> memref<16x128xf32, #tpu.memory_space<vmem>>
        %dma_wait3A_88 = arith.constant 9984 : i32
        %dma_wait3A_89 = arith.constant 0 : i32
        %dma_wait3A_90 = tpu.memref_slice %arg9[%dma_wait3A_88, %dma_wait3A_89] : memref<10000x128xf32, #tpu.memory_space<vmem_shared>> -> memref<16x128xf32, #tpu.memory_space<vmem_shared>>
        %dma_wait3A_91 = arith.constant 9984 : i32
        %dma_wait3A_92 = arith.constant 0 : i32
        %dma_wait3A_93 = tpu.memref_slice %arg9[%dma_wait3A_91, %dma_wait3A_92] : memref<10000x128xf32, #tpu.memory_space<vmem_shared>> -> memref<16x128xf32, #tpu.memory_space<vmem_shared>>
        %dma_wait3A_94 = arith.constant 0 : i32
        %dma_wait3A_95 = arith.constant 0 : i32
        %dma_wait3A_96 = tpu.memref_slice %arg19[%dma_wait3A_94, %dma_wait3A_95] : memref<48x128xf32, #tpu.memory_space<vmem>> -> memref<16x128xf32, #tpu.memory_space<vmem>>
        tpu.wait_dma2 semaphore(%run_scoped3A : memref<!tpu.dma_semaphore, #tpu.memory_space<semaphore_mem>>) src(%dma_wait3A_96 : memref<16x128xf32, #tpu.memory_space<vmem>>) dst(%dma_wait3A_93 : memref<16x128xf32, #tpu.memory_space<vmem_shared>>)
        tpu.yield
      }) : () -> ()
    } else {
    }
    %barrier3A = arith.constant 0 : index
    tpu.barrier barrier_id(%barrier3A)
    %mul3A_10 = arith.constant 16 : i32
    %mul3A_11 = arith.muli %arg0, %mul3A_10 : i32
    %add3A_12 = arith.addi %mul3A_11, %arg1 : i32
    %mul3A_13 = arith.constant 250 : i32
    %mul3A_14 = arith.muli %add3A_12, %mul3A_13 : i32
    %mul3A_15 = arith.constant 40 : i32
    %mul3A_16 = arith.muli %mul3A_14, %mul3A_15 : i32
    %dma_start3A = arith.constant 0 : i32
    %dma_start3A_17 = arith.constant 0 : i32
    %dma_start3A_18 = tpu.memref_slice %arg4[%mul3A_14, %dma_start3A, %dma_start3A_17] : memref<8000x1x40xi32, #tpu.memory_space<hbm>> -> memref<1x1x40xi32, #tpu.memory_space<hbm>>
    %dma_start3A_19 = tpu.memref_squeeze %dma_start3A_18 : memref<1x1x40xi32, #tpu.memory_space<hbm>> -> memref<1x40xi32, #tpu.memory_space<hbm>>
    %dma_start3A_20 = arith.constant 0 : i32
    %dma_start3A_21 = arith.constant 0 : i32
    %dma_start3A_22 = tpu.memref_slice %arg4[%mul3A_14, %dma_start3A_20, %dma_start3A_21] : memref<8000x1x40xi32, #tpu.memory_space<hbm>> -> memref<1x1x40xi32, #tpu.memory_space<hbm>>
    %dma_start3A_23 = tpu.memref_squeeze %dma_start3A_22 : memref<1x1x40xi32, #tpu.memory_space<hbm>> -> memref<1x40xi32, #tpu.memory_space<hbm>>
    tpu.enqueue_dma source(%dma_start3A_23 : memref<1x40xi32, #tpu.memory_space<hbm>>) target(%arg11 : memref<1x40xi32, #tpu.memory_space<vmem>>) target_semaphore(%arg20 : memref<!tpu.dma_semaphore, #tpu.memory_space<semaphore_mem>>)
    %dma_start3A_24 = arith.constant 0 : i32
    %dma_start3A_25 = arith.constant 0 : i32
    %dma_start3A_26 = tpu.memref_slice %arg5[%mul3A_14, %dma_start3A_24, %dma_start3A_25] : memref<8000x1x40xi32, #tpu.memory_space<hbm>> -> memref<1x1x40xi32, #tpu.memory_space<hbm>>
    %dma_start3A_27 = tpu.memref_squeeze %dma_start3A_26 : memref<1x1x40xi32, #tpu.memory_space<hbm>> -> memref<1x40xi32, #tpu.memory_space<hbm>>
    %dma_start3A_28 = arith.constant 0 : i32
    %dma_start3A_29 = arith.constant 0 : i32
    %dma_start3A_30 = tpu.memref_slice %arg5[%mul3A_14, %dma_start3A_28, %dma_start3A_29] : memref<8000x1x40xi32, #tpu.memory_space<hbm>> -> memref<1x1x40xi32, #tpu.memory_space<hbm>>
    %dma_start3A_31 = tpu.memref_squeeze %dma_start3A_30 : memref<1x1x40xi32, #tpu.memory_space<hbm>> -> memref<1x40xi32, #tpu.memory_space<hbm>>
    tpu.enqueue_dma source(%dma_start3A_31 : memref<1x40xi32, #tpu.memory_space<hbm>>) target(%arg12 : memref<1x40xi32, #tpu.memory_space<vmem>>) target_semaphore(%arg20 : memref<!tpu.dma_semaphore, #tpu.memory_space<semaphore_mem>>)
    %dma_start3A_32 = arith.constant 0 : i32
    %dma_start3A_33 = tpu.memref_slice %arg2[%mul3A_16, %dma_start3A_32] : memref<320000x128xf32, #tpu.memory_space<hbm>> -> memref<40x128xf32, #tpu.memory_space<hbm>>
    %dma_start3A_34 = arith.constant 0 : i32
    %dma_start3A_35 = tpu.memref_slice %arg2[%mul3A_16, %dma_start3A_34] : memref<320000x128xf32, #tpu.memory_space<hbm>> -> memref<40x128xf32, #tpu.memory_space<hbm>>
    tpu.enqueue_dma source(%dma_start3A_35 : memref<40x128xf32, #tpu.memory_space<hbm>>) target(%arg13 : memref<40x128xf32, #tpu.memory_space<vmem>>) target_semaphore(%arg20 : memref<!tpu.dma_semaphore, #tpu.memory_space<semaphore_mem>>)
    %dma_start3A_36 = arith.constant 0 : i32
    %dma_start3A_37 = tpu.memref_slice %arg3[%mul3A_16, %dma_start3A_36] : memref<320000x128xf32, #tpu.memory_space<hbm>> -> memref<40x128xf32, #tpu.memory_space<hbm>>
    %dma_start3A_38 = arith.constant 0 : i32
    %dma_start3A_39 = tpu.memref_slice %arg3[%mul3A_16, %dma_start3A_38] : memref<320000x128xf32, #tpu.memory_space<hbm>> -> memref<40x128xf32, #tpu.memory_space<hbm>>
    tpu.enqueue_dma source(%dma_start3A_39 : memref<40x128xf32, #tpu.memory_space<hbm>>) target(%arg14 : memref<40x128xf32, #tpu.memory_space<vmem>>) target_semaphore(%arg20 : memref<!tpu.dma_semaphore, #tpu.memory_space<semaphore_mem>>)
    %scan3A_40 = arith.constant 0 : i32
    %scan3A_41 = arith.constant 125 : i32
    %scan3A_42 = arith.addi %scan3A_40, %scan3A_41 : i32
    %scan3A_43 = arith.constant 1 : i32
    scf.for %scan3A_74 = %scan3A_40 to %scan3A_42 step %scan3A_43  : i32 {
      %mul3A_75 = arith.constant 2 : i32
      %mul3A_76 = arith.muli %scan3A_74, %mul3A_75 : i32
      %add3A_77 = arith.constant 0 : i32
      %add3A_78 = arith.addi %add3A_77, %mul3A_76 : i32
      %add3A_79 = arith.addi %mul3A_14, %add3A_78 : i32
      %mul3A_80 = arith.constant 40 : i32
      %mul3A_81 = arith.muli %add3A_79, %mul3A_80 : i32
      %dma_wait3A = arith.constant 0 : i32
      %dma_wait3A_82 = arith.constant 0 : i32
      %dma_wait3A_83 = tpu.memref_slice %arg4[%add3A_79, %dma_wait3A, %dma_wait3A_82] : memref<8000x1x40xi32, #tpu.memory_space<hbm>> -> memref<1x1x40xi32, #tpu.memory_space<hbm>>
      %dma_wait3A_84 = tpu.memref_squeeze %dma_wait3A_83 : memref<1x1x40xi32, #tpu.memory_space<hbm>> -> memref<1x40xi32, #tpu.memory_space<hbm>>
      %dma_wait3A_85 = arith.constant 0 : i32
      %dma_wait3A_86 = arith.constant 0 : i32
      %dma_wait3A_87 = tpu.memref_slice %arg4[%add3A_79, %dma_wait3A_85, %dma_wait3A_86] : memref<8000x1x40xi32, #tpu.memory_space<hbm>> -> memref<1x1x40xi32, #tpu.memory_space<hbm>>
      %dma_wait3A_88 = tpu.memref_squeeze %dma_wait3A_87 : memref<1x1x40xi32, #tpu.memory_space<hbm>> -> memref<1x40xi32, #tpu.memory_space<hbm>>
      tpu.wait_dma2 semaphore(%arg20 : memref<!tpu.dma_semaphore, #tpu.memory_space<semaphore_mem>>) src(%dma_wait3A_88 : memref<1x40xi32, #tpu.memory_space<hbm>>) dst(%arg11 : memref<1x40xi32, #tpu.memory_space<vmem>>)
      %dma_wait3A_89 = arith.constant 0 : i32
      %dma_wait3A_90 = arith.constant 0 : i32
      %dma_wait3A_91 = tpu.memref_slice %arg5[%add3A_79, %dma_wait3A_89, %dma_wait3A_90] : memref<8000x1x40xi32, #tpu.memory_space<hbm>> -> memref<1x1x40xi32, #tpu.memory_space<hbm>>
      %dma_wait3A_92 = tpu.memref_squeeze %dma_wait3A_91 : memref<1x1x40xi32, #tpu.memory_space<hbm>> -> memref<1x40xi32, #tpu.memory_space<hbm>>
      %dma_wait3A_93 = arith.constant 0 : i32
      %dma_wait3A_94 = arith.constant 0 : i32
      %dma_wait3A_95 = tpu.memref_slice %arg5[%add3A_79, %dma_wait3A_93, %dma_wait3A_94] : memref<8000x1x40xi32, #tpu.memory_space<hbm>> -> memref<1x1x40xi32, #tpu.memory_space<hbm>>
      %dma_wait3A_96 = tpu.memref_squeeze %dma_wait3A_95 : memref<1x1x40xi32, #tpu.memory_space<hbm>> -> memref<1x40xi32, #tpu.memory_space<hbm>>
      tpu.wait_dma2 semaphore(%arg20 : memref<!tpu.dma_semaphore, #tpu.memory_space<semaphore_mem>>) src(%dma_wait3A_96 : memref<1x40xi32, #tpu.memory_space<hbm>>) dst(%arg12 : memref<1x40xi32, #tpu.memory_space<vmem>>)
      %dma_wait3A_97 = arith.constant 0 : i32
      %dma_wait3A_98 = tpu.memref_slice %arg2[%mul3A_81, %dma_wait3A_97] : memref<320000x128xf32, #tpu.memory_space<hbm>> -> memref<40x128xf32, #tpu.memory_space<hbm>>
      %dma_wait3A_99 = arith.constant 0 : i32
      %dma_wait3A_100 = tpu.memref_slice %arg2[%mul3A_81, %dma_wait3A_99] : memref<320000x128xf32, #tpu.memory_space<hbm>> -> memref<40x128xf32, #tpu.memory_space<hbm>>
      tpu.wait_dma2 semaphore(%arg20 : memref<!tpu.dma_semaphore, #tpu.memory_space<semaphore_mem>>) src(%dma_wait3A_100 : memref<40x128xf32, #tpu.memory_space<hbm>>) dst(%arg13 : memref<40x128xf32, #tpu.memory_space<vmem>>)
      %dma_wait3A_101 = arith.constant 0 : i32
      %dma_wait3A_102 = tpu.memref_slice %arg3[%mul3A_81, %dma_wait3A_101] : memref<320000x128xf32, #tpu.memory_space<hbm>> -> memref<40x128xf32, #tpu.memory_space<hbm>>
      %dma_wait3A_103 = arith.constant 0 : i32
      %dma_wait3A_104 = tpu.memref_slice %arg3[%mul3A_81, %dma_wait3A_103] : memref<320000x128xf32, #tpu.memory_space<hbm>> -> memref<40x128xf32, #tpu.memory_space<hbm>>
      tpu.wait_dma2 semaphore(%arg20 : memref<!tpu.dma_semaphore, #tpu.memory_space<semaphore_mem>>) src(%dma_wait3A_104 : memref<40x128xf32, #tpu.memory_space<hbm>>) dst(%arg14 : memref<40x128xf32, #tpu.memory_space<vmem>>)
      %add3A_105 = arith.constant 1 : i32
      %add3A_106 = arith.addi %add3A_79, %add3A_105 : i32
      %mul3A_107 = arith.constant 40 : i32
      %mul3A_108 = arith.muli %add3A_106, %mul3A_107 : i32
      %dma_start3A_109 = arith.constant 0 : i32
      %dma_start3A_110 = arith.constant 0 : i32
      %dma_start3A_111 = tpu.memref_slice %arg4[%add3A_106, %dma_start3A_109, %dma_start3A_110] : memref<8000x1x40xi32, #tpu.memory_space<hbm>> -> memref<1x1x40xi32, #tpu.memory_space<hbm>>
      %dma_start3A_112 = tpu.memref_squeeze %dma_start3A_111 : memref<1x1x40xi32, #tpu.memory_space<hbm>> -> memref<1x40xi32, #tpu.memory_space<hbm>>
      %dma_start3A_113 = arith.constant 0 : i32
      %dma_start3A_114 = arith.constant 0 : i32
      %dma_start3A_115 = tpu.memref_slice %arg4[%add3A_106, %dma_start3A_113, %dma_start3A_114] : memref<8000x1x40xi32, #tpu.memory_space<hbm>> -> memref<1x1x40xi32, #tpu.memory_space<hbm>>
      %dma_start3A_116 = tpu.memref_squeeze %dma_start3A_115 : memref<1x1x40xi32, #tpu.memory_space<hbm>> -> memref<1x40xi32, #tpu.memory_space<hbm>>
      tpu.enqueue_dma source(%dma_start3A_116 : memref<1x40xi32, #tpu.memory_space<hbm>>) target(%arg15 : memref<1x40xi32, #tpu.memory_space<vmem>>) target_semaphore(%arg21 : memref<!tpu.dma_semaphore, #tpu.memory_space<semaphore_mem>>)
      %dma_start3A_117 = arith.constant 0 : i32
      %dma_start3A_118 = arith.constant 0 : i32
      %dma_start3A_119 = tpu.memref_slice %arg5[%add3A_106, %dma_start3A_117, %dma_start3A_118] : memref<8000x1x40xi32, #tpu.memory_space<hbm>> -> memref<1x1x40xi32, #tpu.memory_space<hbm>>
      %dma_start3A_120 = tpu.memref_squeeze %dma_start3A_119 : memref<1x1x40xi32, #tpu.memory_space<hbm>> -> memref<1x40xi32, #tpu.memory_space<hbm>>
      %dma_start3A_121 = arith.constant 0 : i32
      %dma_start3A_122 = arith.constant 0 : i32
      %dma_start3A_123 = tpu.memref_slice %arg5[%add3A_106, %dma_start3A_121, %dma_start3A_122] : memref<8000x1x40xi32, #tpu.memory_space<hbm>> -> memref<1x1x40xi32, #tpu.memory_space<hbm>>
      %dma_start3A_124 = tpu.memref_squeeze %dma_start3A_123 : memref<1x1x40xi32, #tpu.memory_space<hbm>> -> memref<1x40xi32, #tpu.memory_space<hbm>>
      tpu.enqueue_dma source(%dma_start3A_124 : memref<1x40xi32, #tpu.memory_space<hbm>>) target(%arg16 : memref<1x40xi32, #tpu.memory_space<vmem>>) target_semaphore(%arg21 : memref<!tpu.dma_semaphore, #tpu.memory_space<semaphore_mem>>)
      %dma_start3A_125 = arith.constant 0 : i32
      %dma_start3A_126 = tpu.memref_slice %arg2[%mul3A_108, %dma_start3A_125] : memref<320000x128xf32, #tpu.memory_space<hbm>> -> memref<40x128xf32, #tpu.memory_space<hbm>>
      %dma_start3A_127 = arith.constant 0 : i32
      %dma_start3A_128 = tpu.memref_slice %arg2[%mul3A_108, %dma_start3A_127] : memref<320000x128xf32, #tpu.memory_space<hbm>> -> memref<40x128xf32, #tpu.memory_space<hbm>>
      tpu.enqueue_dma source(%dma_start3A_128 : memref<40x128xf32, #tpu.memory_space<hbm>>) target(%arg17 : memref<40x128xf32, #tpu.memory_space<vmem>>) target_semaphore(%arg21 : memref<!tpu.dma_semaphore, #tpu.memory_space<semaphore_mem>>)
      %dma_start3A_129 = arith.constant 0 : i32
      %dma_start3A_130 = tpu.memref_slice %arg3[%mul3A_108, %dma_start3A_129] : memref<320000x128xf32, #tpu.memory_space<hbm>> -> memref<40x128xf32, #tpu.memory_space<hbm>>
      %dma_start3A_131 = arith.constant 0 : i32
      %dma_start3A_132 = tpu.memref_slice %arg3[%mul3A_108, %dma_start3A_131] : memref<320000x128xf32, #tpu.memory_space<hbm>> -> memref<40x128xf32, #tpu.memory_space<hbm>>
      tpu.enqueue_dma source(%dma_start3A_132 : memref<40x128xf32, #tpu.memory_space<hbm>>) target(%arg18 : memref<40x128xf32, #tpu.memory_space<vmem>>) target_semaphore(%arg21 : memref<!tpu.dma_semaphore, #tpu.memory_space<semaphore_mem>>)
      %run_scoped3A = arith.constant 0 : i32
      "tpu.region"() ({
        %run_scoped3A_170 = tpu.sem_alloc : memref<!tpu.dma_semaphore, #tpu.memory_space<semaphore_mem>>
        %dma_start3A_171 = arith.constant 0 : i32
        %dma_start3A_172 = tpu.memref_slice %arg11[%run_scoped3A, %dma_start3A_171] : memref<1x40xi32, #tpu.memory_space<vmem>> -> memref<1x40xi32, #tpu.memory_space<vmem>>
        %dma_start3A_173 = tpu.memref_squeeze %dma_start3A_172 : memref<1x40xi32, #tpu.memory_space<vmem>> -> memref<40xi32, #tpu.memory_space<vmem>>
        %dma_start3A_174 = arith.constant 0 : i32
        %dma_start3A_175 = arith.constant 0 : i32
        %dma_start3A_176 = tpu.memref_slice %arg9[%dma_start3A_174, %dma_start3A_175] : memref<10000x128xf32, #tpu.memory_space<vmem_shared>> -> memref<10000x128xf32, #tpu.memory_space<vmem_shared>>
        tpu.enqueue_indirect_dma source(%arg13 : memref<40x128xf32, #tpu.memory_space<vmem>>) target(%dma_start3A_176 : memref<10000x128xf32, #tpu.memory_space<vmem_shared>>) offsets(%dma_start3A_173 : memref<40xi32, #tpu.memory_space<vmem>>) semaphore(%run_scoped3A_170 : memref<!tpu.dma_semaphore, #tpu.memory_space<semaphore_mem>>) {add = true}
        %dma_wait3A_177 = arith.constant 0 : i32
        %dma_wait3A_178 = tpu.memref_slice %arg11[%run_scoped3A, %dma_wait3A_177] : memref<1x40xi32, #tpu.memory_space<vmem>> -> memref<1x40xi32, #tpu.memory_space<vmem>>
        %dma_wait3A_179 = tpu.memref_squeeze %dma_wait3A_178 : memref<1x40xi32, #tpu.memory_space<vmem>> -> memref<40xi32, #tpu.memory_space<vmem>>
        %dma_wait3A_180 = arith.constant 0 : i32
        %dma_wait3A_181 = arith.constant 0 : i32
        %dma_wait3A_182 = tpu.memref_slice %arg9[%dma_wait3A_180, %dma_wait3A_181] : memref<10000x128xf32, #tpu.memory_space<vmem_shared>> -> memref<10000x128xf32, #tpu.memory_space<vmem_shared>>
        tpu.wait_indirect_dma semaphore(%run_scoped3A_170 : memref<!tpu.dma_semaphore, #tpu.memory_space<semaphore_mem>>) src(%arg13 : memref<40x128xf32, #tpu.memory_space<vmem>>) dst(%dma_wait3A_182 : memref<10000x128xf32, #tpu.memory_space<vmem_shared>>)
        tpu.yield
      }) : () -> ()
      %run_scoped3A_133 = arith.constant 0 : i32
      "tpu.region"() ({
        %run_scoped3A_170 = tpu.sem_alloc : memref<!tpu.dma_semaphore, #tpu.memory_space<semaphore_mem>>
        %dma_start3A_171 = arith.constant 0 : i32
        %dma_start3A_172 = tpu.memref_slice %arg12[%run_scoped3A_133, %dma_start3A_171] : memref<1x40xi32, #tpu.memory_space<vmem>> -> memref<1x40xi32, #tpu.memory_space<vmem>>
        %dma_start3A_173 = tpu.memref_squeeze %dma_start3A_172 : memref<1x40xi32, #tpu.memory_space<vmem>> -> memref<40xi32, #tpu.memory_space<vmem>>
        %dma_start3A_174 = arith.constant 0 : i32
        %dma_start3A_175 = arith.constant 0 : i32
        %dma_start3A_176 = tpu.memref_slice %arg10[%dma_start3A_174, %dma_start3A_175] : memref<1280x128xf32, #tpu.memory_space<vmem_shared>> -> memref<1280x128xf32, #tpu.memory_space<vmem_shared>>
        tpu.enqueue_indirect_dma source(%arg14 : memref<40x128xf32, #tpu.memory_space<vmem>>) target(%dma_start3A_176 : memref<1280x128xf32, #tpu.memory_space<vmem_shared>>) offsets(%dma_start3A_173 : memref<40xi32, #tpu.memory_space<vmem>>) semaphore(%run_scoped3A_170 : memref<!tpu.dma_semaphore, #tpu.memory_space<semaphore_mem>>) {add = true}
        %dma_wait3A_177 = arith.constant 0 : i32
        %dma_wait3A_178 = tpu.memref_slice %arg12[%run_scoped3A_133, %dma_wait3A_177] : memref<1x40xi32, #tpu.memory_space<vmem>> -> memref<1x40xi32, #tpu.memory_space<vmem>>
        %dma_wait3A_179 = tpu.memref_squeeze %dma_wait3A_178 : memref<1x40xi32, #tpu.memory_space<vmem>> -> memref<40xi32, #tpu.memory_space<vmem>>
        %dma_wait3A_180 = arith.constant 0 : i32
        %dma_wait3A_181 = arith.constant 0 : i32
        %dma_wait3A_182 = tpu.memref_slice %arg10[%dma_wait3A_180, %dma_wait3A_181] : memref<1280x128xf32, #tpu.memory_space<vmem_shared>> -> memref<1280x128xf32, #tpu.memory_space<vmem_shared>>
        tpu.wait_indirect_dma semaphore(%run_scoped3A_170 : memref<!tpu.dma_semaphore, #tpu.memory_space<semaphore_mem>>) src(%arg14 : memref<40x128xf32, #tpu.memory_space<vmem>>) dst(%dma_wait3A_182 : memref<1280x128xf32, #tpu.memory_space<vmem_shared>>)
        tpu.yield
      }) : () -> ()
      %add3A_134 = arith.constant 1 : i32
      %add3A_135 = arith.addi %add3A_79, %add3A_134 : i32
      %mul3A_136 = arith.constant 40 : i32
      %mul3A_137 = arith.muli %add3A_135, %mul3A_136 : i32
      %dma_wait3A_138 = arith.constant 0 : i32
      %dma_wait3A_139 = arith.constant 0 : i32
      %dma_wait3A_140 = tpu.memref_slice %arg4[%add3A_135, %dma_wait3A_138, %dma_wait3A_139] : memref<8000x1x40xi32, #tpu.memory_space<hbm>> -> memref<1x1x40xi32, #tpu.memory_space<hbm>>
      %dma_wait3A_141 = tpu.memref_squeeze %dma_wait3A_140 : memref<1x1x40xi32, #tpu.memory_space<hbm>> -> memref<1x40xi32, #tpu.memory_space<hbm>>
      %dma_wait3A_142 = arith.constant 0 : i32
      %dma_wait3A_143 = arith.constant 0 : i32
      %dma_wait3A_144 = tpu.memref_slice %arg4[%add3A_135, %dma_wait3A_142, %dma_wait3A_143] : memref<8000x1x40xi32, #tpu.memory_space<hbm>> -> memref<1x1x40xi32, #tpu.memory_space<hbm>>
      %dma_wait3A_145 = tpu.memref_squeeze %dma_wait3A_144 : memref<1x1x40xi32, #tpu.memory_space<hbm>> -> memref<1x40xi32, #tpu.memory_space<hbm>>
      tpu.wait_dma2 semaphore(%arg21 : memref<!tpu.dma_semaphore, #tpu.memory_space<semaphore_mem>>) src(%dma_wait3A_145 : memref<1x40xi32, #tpu.memory_space<hbm>>) dst(%arg15 : memref<1x40xi32, #tpu.memory_space<vmem>>)
      %dma_wait3A_146 = arith.constant 0 : i32
      %dma_wait3A_147 = arith.constant 0 : i32
      %dma_wait3A_148 = tpu.memref_slice %arg5[%add3A_135, %dma_wait3A_146, %dma_wait3A_147] : memref<8000x1x40xi32, #tpu.memory_space<hbm>> -> memref<1x1x40xi32, #tpu.memory_space<hbm>>
      %dma_wait3A_149 = tpu.memref_squeeze %dma_wait3A_148 : memref<1x1x40xi32, #tpu.memory_space<hbm>> -> memref<1x40xi32, #tpu.memory_space<hbm>>
      %dma_wait3A_150 = arith.constant 0 : i32
      %dma_wait3A_151 = arith.constant 0 : i32
      %dma_wait3A_152 = tpu.memref_slice %arg5[%add3A_135, %dma_wait3A_150, %dma_wait3A_151] : memref<8000x1x40xi32, #tpu.memory_space<hbm>> -> memref<1x1x40xi32, #tpu.memory_space<hbm>>
      %dma_wait3A_153 = tpu.memref_squeeze %dma_wait3A_152 : memref<1x1x40xi32, #tpu.memory_space<hbm>> -> memref<1x40xi32, #tpu.memory_space<hbm>>
      tpu.wait_dma2 semaphore(%arg21 : memref<!tpu.dma_semaphore, #tpu.memory_space<semaphore_mem>>) src(%dma_wait3A_153 : memref<1x40xi32, #tpu.memory_space<hbm>>) dst(%arg16 : memref<1x40xi32, #tpu.memory_space<vmem>>)
      %dma_wait3A_154 = arith.constant 0 : i32
      %dma_wait3A_155 = tpu.memref_slice %arg2[%mul3A_137, %dma_wait3A_154] : memref<320000x128xf32, #tpu.memory_space<hbm>> -> memref<40x128xf32, #tpu.memory_space<hbm>>
      %dma_wait3A_156 = arith.constant 0 : i32
      %dma_wait3A_157 = tpu.memref_slice %arg2[%mul3A_137, %dma_wait3A_156] : memref<320000x128xf32, #tpu.memory_space<hbm>> -> memref<40x128xf32, #tpu.memory_space<hbm>>
      tpu.wait_dma2 semaphore(%arg21 : memref<!tpu.dma_semaphore, #tpu.memory_space<semaphore_mem>>) src(%dma_wait3A_157 : memref<40x128xf32, #tpu.memory_space<hbm>>) dst(%arg17 : memref<40x128xf32, #tpu.memory_space<vmem>>)
      %dma_wait3A_158 = arith.constant 0 : i32
      %dma_wait3A_159 = tpu.memref_slice %arg3[%mul3A_137, %dma_wait3A_158] : memref<320000x128xf32, #tpu.memory_space<hbm>> -> memref<40x128xf32, #tpu.memory_space<hbm>>
      %dma_wait3A_160 = arith.constant 0 : i32
      %dma_wait3A_161 = tpu.memref_slice %arg3[%mul3A_137, %dma_wait3A_160] : memref<320000x128xf32, #tpu.memory_space<hbm>> -> memref<40x128xf32, #tpu.memory_space<hbm>>
      tpu.wait_dma2 semaphore(%arg21 : memref<!tpu.dma_semaphore, #tpu.memory_space<semaphore_mem>>) src(%dma_wait3A_161 : memref<40x128xf32, #tpu.memory_space<hbm>>) dst(%arg18 : memref<40x128xf32, #tpu.memory_space<vmem>>)
      %add3A_162 = arith.constant 2 : i32
      %add3A_163 = arith.addi %add3A_78, %add3A_162 : i32
      %lt3A = arith.constant 250 : i32
      %lt3A_164 = arith.cmpi slt, %add3A_163, %lt3A : i32
      %convert_element_type3A_165 = arith.extui %lt3A_164 : i1 to i32
      %cond3A_166 = arith.constant 0 : i32
      %cond3A_167 = arith.cmpi ne, %convert_element_type3A_165, %cond3A_166 : i32
      scf.if %cond3A_167 {
        %add3A_170 = arith.constant 2 : i32
        %add3A_171 = arith.addi %add3A_79, %add3A_170 : i32
        %mul3A_172 = arith.constant 40 : i32
        %mul3A_173 = arith.muli %add3A_171, %mul3A_172 : i32
        %dma_start3A_174 = arith.constant 0 : i32
        %dma_start3A_175 = arith.constant 0 : i32
        %dma_start3A_176 = tpu.memref_slice %arg4[%add3A_171, %dma_start3A_174, %dma_start3A_175] : memref<8000x1x40xi32, #tpu.memory_space<hbm>> -> memref<1x1x40xi32, #tpu.memory_space<hbm>>
        %dma_start3A_177 = tpu.memref_squeeze %dma_start3A_176 : memref<1x1x40xi32, #tpu.memory_space<hbm>> -> memref<1x40xi32, #tpu.memory_space<hbm>>
        %dma_start3A_178 = arith.constant 0 : i32
        %dma_start3A_179 = arith.constant 0 : i32
        %dma_start3A_180 = tpu.memref_slice %arg4[%add3A_171, %dma_start3A_178, %dma_start3A_179] : memref<8000x1x40xi32, #tpu.memory_space<hbm>> -> memref<1x1x40xi32, #tpu.memory_space<hbm>>
        %dma_start3A_181 = tpu.memref_squeeze %dma_start3A_180 : memref<1x1x40xi32, #tpu.memory_space<hbm>> -> memref<1x40xi32, #tpu.memory_space<hbm>>
        tpu.enqueue_dma source(%dma_start3A_181 : memref<1x40xi32, #tpu.memory_space<hbm>>) target(%arg11 : memref<1x40xi32, #tpu.memory_space<vmem>>) target_semaphore(%arg20 : memref<!tpu.dma_semaphore, #tpu.memory_space<semaphore_mem>>)
        %dma_start3A_182 = arith.constant 0 : i32
        %dma_start3A_183 = arith.constant 0 : i32
        %dma_start3A_184 = tpu.memref_slice %arg5[%add3A_171, %dma_start3A_182, %dma_start3A_183] : memref<8000x1x40xi32, #tpu.memory_space<hbm>> -> memref<1x1x40xi32, #tpu.memory_space<hbm>>
        %dma_start3A_185 = tpu.memref_squeeze %dma_start3A_184 : memref<1x1x40xi32, #tpu.memory_space<hbm>> -> memref<1x40xi32, #tpu.memory_space<hbm>>
        %dma_start3A_186 = arith.constant 0 : i32
        %dma_start3A_187 = arith.constant 0 : i32
        %dma_start3A_188 = tpu.memref_slice %arg5[%add3A_171, %dma_start3A_186, %dma_start3A_187] : memref<8000x1x40xi32, #tpu.memory_space<hbm>> -> memref<1x1x40xi32, #tpu.memory_space<hbm>>
        %dma_start3A_189 = tpu.memref_squeeze %dma_start3A_188 : memref<1x1x40xi32, #tpu.memory_space<hbm>> -> memref<1x40xi32, #tpu.memory_space<hbm>>
        tpu.enqueue_dma source(%dma_start3A_189 : memref<1x40xi32, #tpu.memory_space<hbm>>) target(%arg12 : memref<1x40xi32, #tpu.memory_space<vmem>>) target_semaphore(%arg20 : memref<!tpu.dma_semaphore, #tpu.memory_space<semaphore_mem>>)
        %dma_start3A_190 = arith.constant 0 : i32
        %dma_start3A_191 = tpu.memref_slice %arg2[%mul3A_173, %dma_start3A_190] : memref<320000x128xf32, #tpu.memory_space<hbm>> -> memref<40x128xf32, #tpu.memory_space<hbm>>
        %dma_start3A_192 = arith.constant 0 : i32
        %dma_start3A_193 = tpu.memref_slice %arg2[%mul3A_173, %dma_start3A_192] : memref<320000x128xf32, #tpu.memory_space<hbm>> -> memref<40x128xf32, #tpu.memory_space<hbm>>
        tpu.enqueue_dma source(%dma_start3A_193 : memref<40x128xf32, #tpu.memory_space<hbm>>) target(%arg13 : memref<40x128xf32, #tpu.memory_space<vmem>>) target_semaphore(%arg20 : memref<!tpu.dma_semaphore, #tpu.memory_space<semaphore_mem>>)
        %dma_start3A_194 = arith.constant 0 : i32
        %dma_start3A_195 = tpu.memref_slice %arg3[%mul3A_173, %dma_start3A_194] : memref<320000x128xf32, #tpu.memory_space<hbm>> -> memref<40x128xf32, #tpu.memory_space<hbm>>
        %dma_start3A_196 = arith.constant 0 : i32
        %dma_start3A_197 = tpu.memref_slice %arg3[%mul3A_173, %dma_start3A_196] : memref<320000x128xf32, #tpu.memory_space<hbm>> -> memref<40x128xf32, #tpu.memory_space<hbm>>
        tpu.enqueue_dma source(%dma_start3A_197 : memref<40x128xf32, #tpu.memory_space<hbm>>) target(%arg14 : memref<40x128xf32, #tpu.memory_space<vmem>>) target_semaphore(%arg20 : memref<!tpu.dma_semaphore, #tpu.memory_space<semaphore_mem>>)
      } else {
      }
      %run_scoped3A_168 = arith.constant 0 : i32
      "tpu.region"() ({
        %run_scoped3A_170 = tpu.sem_alloc : memref<!tpu.dma_semaphore, #tpu.memory_space<semaphore_mem>>
        %dma_start3A_171 = arith.constant 0 : i32
        %dma_start3A_172 = tpu.memref_slice %arg15[%run_scoped3A_168, %dma_start3A_171] : memref<1x40xi32, #tpu.memory_space<vmem>> -> memref<1x40xi32, #tpu.memory_space<vmem>>
        %dma_start3A_173 = tpu.memref_squeeze %dma_start3A_172 : memref<1x40xi32, #tpu.memory_space<vmem>> -> memref<40xi32, #tpu.memory_space<vmem>>
        %dma_start3A_174 = arith.constant 0 : i32
        %dma_start3A_175 = arith.constant 0 : i32
        %dma_start3A_176 = tpu.memref_slice %arg9[%dma_start3A_174, %dma_start3A_175] : memref<10000x128xf32, #tpu.memory_space<vmem_shared>> -> memref<10000x128xf32, #tpu.memory_space<vmem_shared>>
        tpu.enqueue_indirect_dma source(%arg17 : memref<40x128xf32, #tpu.memory_space<vmem>>) target(%dma_start3A_176 : memref<10000x128xf32, #tpu.memory_space<vmem_shared>>) offsets(%dma_start3A_173 : memref<40xi32, #tpu.memory_space<vmem>>) semaphore(%run_scoped3A_170 : memref<!tpu.dma_semaphore, #tpu.memory_space<semaphore_mem>>) {add = true}
        %dma_wait3A_177 = arith.constant 0 : i32
        %dma_wait3A_178 = tpu.memref_slice %arg15[%run_scoped3A_168, %dma_wait3A_177] : memref<1x40xi32, #tpu.memory_space<vmem>> -> memref<1x40xi32, #tpu.memory_space<vmem>>
        %dma_wait3A_179 = tpu.memref_squeeze %dma_wait3A_178 : memref<1x40xi32, #tpu.memory_space<vmem>> -> memref<40xi32, #tpu.memory_space<vmem>>
        %dma_wait3A_180 = arith.constant 0 : i32
        %dma_wait3A_181 = arith.constant 0 : i32
        %dma_wait3A_182 = tpu.memref_slice %arg9[%dma_wait3A_180, %dma_wait3A_181] : memref<10000x128xf32, #tpu.memory_space<vmem_shared>> -> memref<10000x128xf32, #tpu.memory_space<vmem_shared>>
        tpu.wait_indirect_dma semaphore(%run_scoped3A_170 : memref<!tpu.dma_semaphore, #tpu.memory_space<semaphore_mem>>) src(%arg17 : memref<40x128xf32, #tpu.memory_space<vmem>>) dst(%dma_wait3A_182 : memref<10000x128xf32, #tpu.memory_space<vmem_shared>>)
        tpu.yield
      }) : () -> ()
      %run_scoped3A_169 = arith.constant 0 : i32
      "tpu.region"() ({
        %run_scoped3A_170 = tpu.sem_alloc : memref<!tpu.dma_semaphore, #tpu.memory_space<semaphore_mem>>
        %dma_start3A_171 = arith.constant 0 : i32
        %dma_start3A_172 = tpu.memref_slice %arg16[%run_scoped3A_169, %dma_start3A_171] : memref<1x40xi32, #tpu.memory_space<vmem>> -> memref<1x40xi32, #tpu.memory_space<vmem>>
        %dma_start3A_173 = tpu.memref_squeeze %dma_start3A_172 : memref<1x40xi32, #tpu.memory_space<vmem>> -> memref<40xi32, #tpu.memory_space<vmem>>
        %dma_start3A_174 = arith.constant 0 : i32
        %dma_start3A_175 = arith.constant 0 : i32
        %dma_start3A_176 = tpu.memref_slice %arg10[%dma_start3A_174, %dma_start3A_175] : memref<1280x128xf32, #tpu.memory_space<vmem_shared>> -> memref<1280x128xf32, #tpu.memory_space<vmem_shared>>
        tpu.enqueue_indirect_dma source(%arg18 : memref<40x128xf32, #tpu.memory_space<vmem>>) target(%dma_start3A_176 : memref<1280x128xf32, #tpu.memory_space<vmem_shared>>) offsets(%dma_start3A_173 : memref<40xi32, #tpu.memory_space<vmem>>) semaphore(%run_scoped3A_170 : memref<!tpu.dma_semaphore, #tpu.memory_space<semaphore_mem>>) {add = true}
        %dma_wait3A_177 = arith.constant 0 : i32
        %dma_wait3A_178 = tpu.memref_slice %arg16[%run_scoped3A_169, %dma_wait3A_177] : memref<1x40xi32, #tpu.memory_space<vmem>> -> memref<1x40xi32, #tpu.memory_space<vmem>>
        %dma_wait3A_179 = tpu.memref_squeeze %dma_wait3A_178 : memref<1x40xi32, #tpu.memory_space<vmem>> -> memref<40xi32, #tpu.memory_space<vmem>>
        %dma_wait3A_180 = arith.constant 0 : i32
        %dma_wait3A_181 = arith.constant 0 : i32
        %dma_wait3A_182 = tpu.memref_slice %arg10[%dma_wait3A_180, %dma_wait3A_181] : memref<1280x128xf32, #tpu.memory_space<vmem_shared>> -> memref<1280x128xf32, #tpu.memory_space<vmem_shared>>
        tpu.wait_indirect_dma semaphore(%run_scoped3A_170 : memref<!tpu.dma_semaphore, #tpu.memory_space<semaphore_mem>>) src(%arg18 : memref<40x128xf32, #tpu.memory_space<vmem>>) dst(%dma_wait3A_182 : memref<1280x128xf32, #tpu.memory_space<vmem_shared>>)
        tpu.yield
      }) : () -> ()
    }
    %scan3A_44 = arith.constant 125 : i32
    %barrier3A_45 = arith.constant 0 : index
    tpu.barrier barrier_id(%barrier3A_45)
    %scan3A_46 = arith.constant 0 : i32
    %scan3A_47 = arith.constant 13 : i32
    %scan3A_48 = arith.addi %scan3A_46, %scan3A_47 : i32
    %scan3A_49 = arith.constant 1 : i32
    scf.for %scan3A_74 = %scan3A_46 to %scan3A_48 step %scan3A_49  : i32 {
      %mul3A_75 = arith.constant 1 : i32
      %mul3A_76 = arith.muli %scan3A_74, %mul3A_75 : i32
      %add3A_77 = arith.constant 0 : i32
      %add3A_78 = arith.addi %add3A_77, %mul3A_76 : i32
      %mul3A_79 = arith.constant 624 : i32
      %mul3A_80 = arith.muli %arg1, %mul3A_79 : i32
      %mul3A_81 = arith.constant 48 : i32
      %mul3A_82 = arith.muli %add3A_78, %mul3A_81 : i32
      %add3A_83 = arith.addi %mul3A_80, %mul3A_82 : i32
      "tpu.region"() ({
        %run_scoped3A = tpu.sem_alloc : memref<!tpu.dma_semaphore, #tpu.memory_space<semaphore_mem>>
        %dma_start3A_87 = arith.constant 0 : i32
        %dma_start3A_88 = tpu.memref_slice %arg9[%add3A_83, %dma_start3A_87] : memref<10000x128xf32, #tpu.memory_space<vmem_shared>> -> memref<48x128xf32, #tpu.memory_space<vmem_shared>>
        %dma_start3A_89 = arith.constant 0 : i32
        %dma_start3A_90 = tpu.memref_slice %arg9[%add3A_83, %dma_start3A_89] : memref<10000x128xf32, #tpu.memory_space<vmem_shared>> -> memref<48x128xf32, #tpu.memory_space<vmem_shared>>
        tpu.enqueue_dma source(%dma_start3A_90 : memref<48x128xf32, #tpu.memory_space<vmem_shared>>) target(%arg19 : memref<48x128xf32, #tpu.memory_space<vmem>>) target_semaphore(%run_scoped3A : memref<!tpu.dma_semaphore, #tpu.memory_space<semaphore_mem>>)
        %dma_wait3A = arith.constant 0 : i32
        %dma_wait3A_91 = tpu.memref_slice %arg9[%add3A_83, %dma_wait3A] : memref<10000x128xf32, #tpu.memory_space<vmem_shared>> -> memref<48x128xf32, #tpu.memory_space<vmem_shared>>
        %dma_wait3A_92 = arith.constant 0 : i32
        %dma_wait3A_93 = tpu.memref_slice %arg9[%add3A_83, %dma_wait3A_92] : memref<10000x128xf32, #tpu.memory_space<vmem_shared>> -> memref<48x128xf32, #tpu.memory_space<vmem_shared>>
        tpu.wait_dma2 semaphore(%run_scoped3A : memref<!tpu.dma_semaphore, #tpu.memory_space<semaphore_mem>>) src(%dma_wait3A_93 : memref<48x128xf32, #tpu.memory_space<vmem_shared>>) dst(%arg19 : memref<48x128xf32, #tpu.memory_space<vmem>>)
        tpu.yield
      }) : () -> ()
      %mul3A_84 = arith.constant 10000 : i32
      %mul3A_85 = arith.muli %arg0, %mul3A_84 : i32
      %add3A_86 = arith.addi %mul3A_85, %add3A_83 : i32
      "tpu.region"() ({
        %run_scoped3A = tpu.sem_alloc : memref<!tpu.dma_semaphore, #tpu.memory_space<semaphore_mem>>
        %dma_start3A_87 = arith.constant 0 : i32
        %dma_start3A_88 = tpu.memref_slice %arg7[%add3A_86, %dma_start3A_87] : memref<20000x128xf32, #tpu.memory_space<hbm>> -> memref<48x128xf32, #tpu.memory_space<hbm>>
        %dma_start3A_89 = arith.constant 0 : i32
        %dma_start3A_90 = tpu.memref_slice %arg7[%add3A_86, %dma_start3A_89] : memref<20000x128xf32, #tpu.memory_space<hbm>> -> memref<48x128xf32, #tpu.memory_space<hbm>>
        tpu.enqueue_dma source(%arg19 : memref<48x128xf32, #tpu.memory_space<vmem>>) target(%dma_start3A_90 : memref<48x128xf32, #tpu.memory_space<hbm>>) target_semaphore(%run_scoped3A : memref<!tpu.dma_semaphore, #tpu.memory_space<semaphore_mem>>)
        %dma_wait3A = arith.constant 0 : i32
        %dma_wait3A_91 = tpu.memref_slice %arg7[%add3A_86, %dma_wait3A] : memref<20000x128xf32, #tpu.memory_space<hbm>> -> memref<48x128xf32, #tpu.memory_space<hbm>>
        %dma_wait3A_92 = arith.constant 0 : i32
        %dma_wait3A_93 = tpu.memref_slice %arg7[%add3A_86, %dma_wait3A_92] : memref<20000x128xf32, #tpu.memory_space<hbm>> -> memref<48x128xf32, #tpu.memory_space<hbm>>
        tpu.wait_dma2 semaphore(%run_scoped3A : memref<!tpu.dma_semaphore, #tpu.memory_space<semaphore_mem>>) src(%arg19 : memref<48x128xf32, #tpu.memory_space<vmem>>) dst(%dma_wait3A_93 : memref<48x128xf32, #tpu.memory_space<hbm>>)
        tpu.yield
      }) : () -> ()
    }
    %scan3A_50 = arith.constant 13 : i32
    %mul3A_51 = arith.constant 80 : i32
    %mul3A_52 = arith.muli %arg1, %mul3A_51 : i32
    "tpu.region"() ({
      %run_scoped3A = tpu.sem_alloc : memref<!tpu.dma_semaphore, #tpu.memory_space<semaphore_mem>>
      %dma_start3A_74 = arith.constant 0 : i32
      %dma_start3A_75 = tpu.memref_slice %arg10[%mul3A_52, %dma_start3A_74] : memref<1280x128xf32, #tpu.memory_space<vmem_shared>> -> memref<48x128xf32, #tpu.memory_space<vmem_shared>>
      %dma_start3A_76 = arith.constant 0 : i32
      %dma_start3A_77 = tpu.memref_slice %arg10[%mul3A_52, %dma_start3A_76] : memref<1280x128xf32, #tpu.memory_space<vmem_shared>> -> memref<48x128xf32, #tpu.memory_space<vmem_shared>>
      tpu.enqueue_dma source(%dma_start3A_77 : memref<48x128xf32, #tpu.memory_space<vmem_shared>>) target(%arg19 : memref<48x128xf32, #tpu.memory_space<vmem>>) target_semaphore(%run_scoped3A : memref<!tpu.dma_semaphore, #tpu.memory_space<semaphore_mem>>)
      %dma_wait3A = arith.constant 0 : i32
      %dma_wait3A_78 = tpu.memref_slice %arg10[%mul3A_52, %dma_wait3A] : memref<1280x128xf32, #tpu.memory_space<vmem_shared>> -> memref<48x128xf32, #tpu.memory_space<vmem_shared>>
      %dma_wait3A_79 = arith.constant 0 : i32
      %dma_wait3A_80 = tpu.memref_slice %arg10[%mul3A_52, %dma_wait3A_79] : memref<1280x128xf32, #tpu.memory_space<vmem_shared>> -> memref<48x128xf32, #tpu.memory_space<vmem_shared>>
      tpu.wait_dma2 semaphore(%run_scoped3A : memref<!tpu.dma_semaphore, #tpu.memory_space<semaphore_mem>>) src(%dma_wait3A_80 : memref<48x128xf32, #tpu.memory_space<vmem_shared>>) dst(%arg19 : memref<48x128xf32, #tpu.memory_space<vmem>>)
      tpu.yield
    }) : () -> ()
    %mul3A_53 = arith.constant 1280 : i32
    %mul3A_54 = arith.muli %arg0, %mul3A_53 : i32
    %mul3A_55 = arith.constant 80 : i32
    %mul3A_56 = arith.muli %arg1, %mul3A_55 : i32
    %add3A_57 = arith.addi %mul3A_54, %mul3A_56 : i32
    "tpu.region"() ({
      %run_scoped3A = tpu.sem_alloc : memref<!tpu.dma_semaphore, #tpu.memory_space<semaphore_mem>>
      %dma_start3A_74 = arith.constant 0 : i32
      %dma_start3A_75 = tpu.memref_slice %arg8[%add3A_57, %dma_start3A_74] : memref<2560x128xf32, #tpu.memory_space<hbm>> -> memref<48x128xf32, #tpu.memory_space<hbm>>
      %dma_start3A_76 = arith.constant 0 : i32
      %dma_start3A_77 = tpu.memref_slice %arg8[%add3A_57, %dma_start3A_76] : memref<2560x128xf32, #tpu.memory_space<hbm>> -> memref<48x128xf32, #tpu.memory_space<hbm>>
      tpu.enqueue_dma source(%arg19 : memref<48x128xf32, #tpu.memory_space<vmem>>) target(%dma_start3A_77 : memref<48x128xf32, #tpu.memory_space<hbm>>) target_semaphore(%run_scoped3A : memref<!tpu.dma_semaphore, #tpu.memory_space<semaphore_mem>>)
      %dma_wait3A = arith.constant 0 : i32
      %dma_wait3A_78 = tpu.memref_slice %arg8[%add3A_57, %dma_wait3A] : memref<2560x128xf32, #tpu.memory_space<hbm>> -> memref<48x128xf32, #tpu.memory_space<hbm>>
      %dma_wait3A_79 = arith.constant 0 : i32
      %dma_wait3A_80 = tpu.memref_slice %arg8[%add3A_57, %dma_wait3A_79] : memref<2560x128xf32, #tpu.memory_space<hbm>> -> memref<48x128xf32, #tpu.memory_space<hbm>>
      tpu.wait_dma2 semaphore(%run_scoped3A : memref<!tpu.dma_semaphore, #tpu.memory_space<semaphore_mem>>) src(%arg19 : memref<48x128xf32, #tpu.memory_space<vmem>>) dst(%dma_wait3A_80 : memref<48x128xf32, #tpu.memory_space<hbm>>)
      tpu.yield
    }) : () -> ()
    %mul3A_58 = arith.constant 80 : i32
    %mul3A_59 = arith.muli %arg1, %mul3A_58 : i32
    %add3A_60 = arith.constant 48 : i32
    %add3A_61 = arith.addi %mul3A_59, %add3A_60 : i32
    "tpu.region"() ({
      %run_scoped3A = tpu.sem_alloc : memref<!tpu.dma_semaphore, #tpu.memory_space<semaphore_mem>>
      %dma_start3A_74 = arith.constant 0 : i32
      %dma_start3A_75 = arith.constant 0 : i32
      %dma_start3A_76 = tpu.memref_slice %arg19[%dma_start3A_74, %dma_start3A_75] : memref<48x128xf32, #tpu.memory_space<vmem>> -> memref<32x128xf32, #tpu.memory_space<vmem>>
      %dma_start3A_77 = arith.constant 0 : i32
      %dma_start3A_78 = tpu.memref_slice %arg10[%add3A_61, %dma_start3A_77] : memref<1280x128xf32, #tpu.memory_space<vmem_shared>> -> memref<32x128xf32, #tpu.memory_space<vmem_shared>>
      %dma_start3A_79 = arith.constant 0 : i32
      %dma_start3A_80 = arith.constant 0 : i32
      %dma_start3A_81 = tpu.memref_slice %arg19[%dma_start3A_79, %dma_start3A_80] : memref<48x128xf32, #tpu.memory_space<vmem>> -> memref<32x128xf32, #tpu.memory_space<vmem>>
      %dma_start3A_82 = arith.constant 0 : i32
      %dma_start3A_83 = tpu.memref_slice %arg10[%add3A_61, %dma_start3A_82] : memref<1280x128xf32, #tpu.memory_space<vmem_shared>> -> memref<32x128xf32, #tpu.memory_space<vmem_shared>>
      tpu.enqueue_dma source(%dma_start3A_83 : memref<32x128xf32, #tpu.memory_space<vmem_shared>>) target(%dma_start3A_81 : memref<32x128xf32, #tpu.memory_space<vmem>>) target_semaphore(%run_scoped3A : memref<!tpu.dma_semaphore, #tpu.memory_space<semaphore_mem>>)
      %dma_wait3A = arith.constant 0 : i32
      %dma_wait3A_84 = arith.constant 0 : i32
      %dma_wait3A_85 = tpu.memref_slice %arg19[%dma_wait3A, %dma_wait3A_84] : memref<48x128xf32, #tpu.memory_space<vmem>> -> memref<32x128xf32, #tpu.memory_space<vmem>>
      %dma_wait3A_86 = arith.constant 0 : i32
      %dma_wait3A_87 = tpu.memref_slice %arg10[%add3A_61, %dma_wait3A_86] : memref<1280x128xf32, #tpu.memory_space<vmem_shared>> -> memref<32x128xf32, #tpu.memory_space<vmem_shared>>
      %dma_wait3A_88 = arith.constant 0 : i32
      %dma_wait3A_89 = arith.constant 0 : i32
      %dma_wait3A_90 = tpu.memref_slice %arg19[%dma_wait3A_88, %dma_wait3A_89] : memref<48x128xf32, #tpu.memory_space<vmem>> -> memref<32x128xf32, #tpu.memory_space<vmem>>
      %dma_wait3A_91 = arith.constant 0 : i32
      %dma_wait3A_92 = tpu.memref_slice %arg10[%add3A_61, %dma_wait3A_91] : memref<1280x128xf32, #tpu.memory_space<vmem_shared>> -> memref<32x128xf32, #tpu.memory_space<vmem_shared>>
      tpu.wait_dma2 semaphore(%run_scoped3A : memref<!tpu.dma_semaphore, #tpu.memory_space<semaphore_mem>>) src(%dma_wait3A_92 : memref<32x128xf32, #tpu.memory_space<vmem_shared>>) dst(%dma_wait3A_90 : memref<32x128xf32, #tpu.memory_space<vmem>>)
      tpu.yield
    }) : () -> ()
    %mul3A_62 = arith.constant 1280 : i32
    %mul3A_63 = arith.muli %arg0, %mul3A_62 : i32
    %mul3A_64 = arith.constant 80 : i32
    %mul3A_65 = arith.muli %arg1, %mul3A_64 : i32
    %add3A_66 = arith.addi %mul3A_63, %mul3A_65 : i32
    %add3A_67 = arith.constant 48 : i32
    %add3A_68 = arith.addi %add3A_66, %add3A_67 : i32
    "tpu.region"() ({
      %run_scoped3A = tpu.sem_alloc : memref<!tpu.dma_semaphore, #tpu.memory_space<semaphore_mem>>
      %dma_start3A_74 = arith.constant 0 : i32
      %dma_start3A_75 = arith.constant 0 : i32
      %dma_start3A_76 = tpu.memref_slice %arg19[%dma_start3A_74, %dma_start3A_75] : memref<48x128xf32, #tpu.memory_space<vmem>> -> memref<32x128xf32, #tpu.memory_space<vmem>>
      %dma_start3A_77 = arith.constant 0 : i32
      %dma_start3A_78 = tpu.memref_slice %arg8[%add3A_68, %dma_start3A_77] : memref<2560x128xf32, #tpu.memory_space<hbm>> -> memref<32x128xf32, #tpu.memory_space<hbm>>
      %dma_start3A_79 = arith.constant 0 : i32
      %dma_start3A_80 = tpu.memref_slice %arg8[%add3A_68, %dma_start3A_79] : memref<2560x128xf32, #tpu.memory_space<hbm>> -> memref<32x128xf32, #tpu.memory_space<hbm>>
      %dma_start3A_81 = arith.constant 0 : i32
      %dma_start3A_82 = arith.constant 0 : i32
      %dma_start3A_83 = tpu.memref_slice %arg19[%dma_start3A_81, %dma_start3A_82] : memref<48x128xf32, #tpu.memory_space<vmem>> -> memref<32x128xf32, #tpu.memory_space<vmem>>
      tpu.enqueue_dma source(%dma_start3A_83 : memref<32x128xf32, #tpu.memory_space<vmem>>) target(%dma_start3A_80 : memref<32x128xf32, #tpu.memory_space<hbm>>) target_semaphore(%run_scoped3A : memref<!tpu.dma_semaphore, #tpu.memory_space<semaphore_mem>>)
      %dma_wait3A = arith.constant 0 : i32
      %dma_wait3A_84 = arith.constant 0 : i32
      %dma_wait3A_85 = tpu.memref_slice %arg19[%dma_wait3A, %dma_wait3A_84] : memref<48x128xf32, #tpu.memory_space<vmem>> -> memref<32x128xf32, #tpu.memory_space<vmem>>
      %dma_wait3A_86 = arith.constant 0 : i32
      %dma_wait3A_87 = tpu.memref_slice %arg8[%add3A_68, %dma_wait3A_86] : memref<2560x128xf32, #tpu.memory_space<hbm>> -> memref<32x128xf32, #tpu.memory_space<hbm>>
      %dma_wait3A_88 = arith.constant 0 : i32
      %dma_wait3A_89 = tpu.memref_slice %arg8[%add3A_68, %dma_wait3A_88] : memref<2560x128xf32, #tpu.memory_space<hbm>> -> memref<32x128xf32, #tpu.memory_space<hbm>>
      %dma_wait3A_90 = arith.constant 0 : i32
      %dma_wait3A_91 = arith.constant 0 : i32
      %dma_wait3A_92 = tpu.memref_slice %arg19[%dma_wait3A_90, %dma_wait3A_91] : memref<48x128xf32, #tpu.memory_space<vmem>> -> memref<32x128xf32, #tpu.memory_space<vmem>>
      tpu.wait_dma2 semaphore(%run_scoped3A : memref<!tpu.dma_semaphore, #tpu.memory_space<semaphore_mem>>) src(%dma_wait3A_92 : memref<32x128xf32, #tpu.memory_space<vmem>>) dst(%dma_wait3A_89 : memref<32x128xf32, #tpu.memory_space<hbm>>)
      tpu.yield
    }) : () -> ()
    %eq3A_69 = arith.constant 0 : i32
    %eq3A_70 = arith.cmpi eq, %arg1, %eq3A_69 : i32
    %convert_element_type3A_71 = arith.extui %eq3A_70 : i1 to i32
    %cond3A_72 = arith.constant 0 : i32
    %cond3A_73 = arith.cmpi ne, %convert_element_type3A_71, %cond3A_72 : i32
    scf.if %cond3A_73 {
      "tpu.region"() ({
        %run_scoped3A = tpu.sem_alloc : memref<!tpu.dma_semaphore, #tpu.memory_space<semaphore_mem>>
        %dma_start3A_78 = arith.constant 0 : i32
        %dma_start3A_79 = arith.constant 0 : i32
        %dma_start3A_80 = tpu.memref_slice %arg19[%dma_start3A_78, %dma_start3A_79] : memref<48x128xf32, #tpu.memory_space<vmem>> -> memref<16x128xf32, #tpu.memory_space<vmem>>
        %dma_start3A_81 = arith.constant 9984 : i32
        %dma_start3A_82 = arith.constant 0 : i32
        %dma_start3A_83 = tpu.memref_slice %arg9[%dma_start3A_81, %dma_start3A_82] : memref<10000x128xf32, #tpu.memory_space<vmem_shared>> -> memref<16x128xf32, #tpu.memory_space<vmem_shared>>
        %dma_start3A_84 = arith.constant 0 : i32
        %dma_start3A_85 = arith.constant 0 : i32
        %dma_start3A_86 = tpu.memref_slice %arg19[%dma_start3A_84, %dma_start3A_85] : memref<48x128xf32, #tpu.memory_space<vmem>> -> memref<16x128xf32, #tpu.memory_space<vmem>>
        %dma_start3A_87 = arith.constant 9984 : i32
        %dma_start3A_88 = arith.constant 0 : i32
        %dma_start3A_89 = tpu.memref_slice %arg9[%dma_start3A_87, %dma_start3A_88] : memref<10000x128xf32, #tpu.memory_space<vmem_shared>> -> memref<16x128xf32, #tpu.memory_space<vmem_shared>>
        tpu.enqueue_dma source(%dma_start3A_89 : memref<16x128xf32, #tpu.memory_space<vmem_shared>>) target(%dma_start3A_86 : memref<16x128xf32, #tpu.memory_space<vmem>>) target_semaphore(%run_scoped3A : memref<!tpu.dma_semaphore, #tpu.memory_space<semaphore_mem>>)
        %dma_wait3A = arith.constant 0 : i32
        %dma_wait3A_90 = arith.constant 0 : i32
        %dma_wait3A_91 = tpu.memref_slice %arg19[%dma_wait3A, %dma_wait3A_90] : memref<48x128xf32, #tpu.memory_space<vmem>> -> memref<16x128xf32, #tpu.memory_space<vmem>>
        %dma_wait3A_92 = arith.constant 9984 : i32
        %dma_wait3A_93 = arith.constant 0 : i32
        %dma_wait3A_94 = tpu.memref_slice %arg9[%dma_wait3A_92, %dma_wait3A_93] : memref<10000x128xf32, #tpu.memory_space<vmem_shared>> -> memref<16x128xf32, #tpu.memory_space<vmem_shared>>
        %dma_wait3A_95 = arith.constant 0 : i32
        %dma_wait3A_96 = arith.constant 0 : i32
        %dma_wait3A_97 = tpu.memref_slice %arg19[%dma_wait3A_95, %dma_wait3A_96] : memref<48x128xf32, #tpu.memory_space<vmem>> -> memref<16x128xf32, #tpu.memory_space<vmem>>
        %dma_wait3A_98 = arith.constant 9984 : i32
        %dma_wait3A_99 = arith.constant 0 : i32
        %dma_wait3A_100 = tpu.memref_slice %arg9[%dma_wait3A_98, %dma_wait3A_99] : memref<10000x128xf32, #tpu.memory_space<vmem_shared>> -> memref<16x128xf32, #tpu.memory_space<vmem_shared>>
        tpu.wait_dma2 semaphore(%run_scoped3A : memref<!tpu.dma_semaphore, #tpu.memory_space<semaphore_mem>>) src(%dma_wait3A_100 : memref<16x128xf32, #tpu.memory_space<vmem_shared>>) dst(%dma_wait3A_97 : memref<16x128xf32, #tpu.memory_space<vmem>>)
        tpu.yield
      }) : () -> ()
      %mul3A_74 = arith.constant 10000 : i32
      %mul3A_75 = arith.muli %arg0, %mul3A_74 : i32
      %add3A_76 = arith.constant 9984 : i32
      %add3A_77 = arith.addi %mul3A_75, %add3A_76 : i32
      "tpu.region"() ({
        %run_scoped3A = tpu.sem_alloc : memref<!tpu.dma_semaphore, #tpu.memory_space<semaphore_mem>>
        %dma_start3A_78 = arith.constant 0 : i32
        %dma_start3A_79 = arith.constant 0 : i32
        %dma_start3A_80 = tpu.memref_slice %arg19[%dma_start3A_78, %dma_start3A_79] : memref<48x128xf32, #tpu.memory_space<vmem>> -> memref<16x128xf32, #tpu.memory_space<vmem>>
        %dma_start3A_81 = arith.constant 0 : i32
        %dma_start3A_82 = tpu.memref_slice %arg7[%add3A_77, %dma_start3A_81] : memref<20000x128xf32, #tpu.memory_space<hbm>> -> memref<16x128xf32, #tpu.memory_space<hbm>>
        %dma_start3A_83 = arith.constant 0 : i32
        %dma_start3A_84 = tpu.memref_slice %arg7[%add3A_77, %dma_start3A_83] : memref<20000x128xf32, #tpu.memory_space<hbm>> -> memref<16x128xf32, #tpu.memory_space<hbm>>
        %dma_start3A_85 = arith.constant 0 : i32
        %dma_start3A_86 = arith.constant 0 : i32
        %dma_start3A_87 = tpu.memref_slice %arg19[%dma_start3A_85, %dma_start3A_86] : memref<48x128xf32, #tpu.memory_space<vmem>> -> memref<16x128xf32, #tpu.memory_space<vmem>>
        tpu.enqueue_dma source(%dma_start3A_87 : memref<16x128xf32, #tpu.memory_space<vmem>>) target(%dma_start3A_84 : memref<16x128xf32, #tpu.memory_space<hbm>>) target_semaphore(%run_scoped3A : memref<!tpu.dma_semaphore, #tpu.memory_space<semaphore_mem>>)
        %dma_wait3A = arith.constant 0 : i32
        %dma_wait3A_88 = arith.constant 0 : i32
        %dma_wait3A_89 = tpu.memref_slice %arg19[%dma_wait3A, %dma_wait3A_88] : memref<48x128xf32, #tpu.memory_space<vmem>> -> memref<16x128xf32, #tpu.memory_space<vmem>>
        %dma_wait3A_90 = arith.constant 0 : i32
        %dma_wait3A_91 = tpu.memref_slice %arg7[%add3A_77, %dma_wait3A_90] : memref<20000x128xf32, #tpu.memory_space<hbm>> -> memref<16x128xf32, #tpu.memory_space<hbm>>
        %dma_wait3A_92 = arith.constant 0 : i32
        %dma_wait3A_93 = tpu.memref_slice %arg7[%add3A_77, %dma_wait3A_92] : memref<20000x128xf32, #tpu.memory_space<hbm>> -> memref<16x128xf32, #tpu.memory_space<hbm>>
        %dma_wait3A_94 = arith.constant 0 : i32
        %dma_wait3A_95 = arith.constant 0 : i32
        %dma_wait3A_96 = tpu.memref_slice %arg19[%dma_wait3A_94, %dma_wait3A_95] : memref<48x128xf32, #tpu.memory_space<vmem>> -> memref<16x128xf32, #tpu.memory_space<vmem>>
        tpu.wait_dma2 semaphore(%run_scoped3A : memref<!tpu.dma_semaphore, #tpu.memory_space<semaphore_mem>>) src(%dma_wait3A_96 : memref<16x128xf32, #tpu.memory_space<vmem>>) dst(%dma_wait3A_93 : memref<16x128xf32, #tpu.memory_space<hbm>>)
        tpu.yield
      }) : () -> ()
    } else {
    }
    return
  }
}

#map = affine_map<(d0, d1) -> (0, 0)>
#map1 = affine_map<(d0, d1) -> (0, 0, 0)>
module attributes {stable_mosaic.version = 14 : i64} {
  func.func @k(%arg0: i32, %arg1: i32, %arg2: memref<10000x128xf32, #tpu.memory_space<hbm>>, %arg3: memref<10000x128xf32, #tpu.memory_space<hbm>>, %arg4: memref<4000x1x80xi32, #tpu.memory_space<hbm>>, %arg5: memref<4000x1x80xi32, #tpu.memory_space<hbm>>, %arg6: memref<320000x128xf32, #tpu.memory_space<hbm>>, %arg7: memref<320000x128xf32, #tpu.memory_space<hbm>>) attributes {dimension_semantics = [#tpu.dimension_semantics<core_parallel>, #tpu.dimension_semantics<subcore_parallel>], iteration_bounds = array<i64: 2, 16>, scalar_prefetch = 0 : i64, scratch_operands = 0 : i64, tpu.core_type = #tpu.core_type<sc_vector_subcore>, window_params = [{transform_indices = #map}, {transform_indices = #map}, {transform_indices = #map1}, {transform_indices = #map1}, {transform_indices = #map}, {transform_indices = #map}]} {
    %mul3A = arith.constant 1 : i32
    %mul3A_0 = arith.muli %arg1, %mul3A : i32
    %add3A = arith.constant 0 : i32
    %add3A_1 = arith.addi %add3A, %mul3A_0 : i32
    %mul3A_2 = arith.constant 16 : i32
    %mul3A_3 = arith.muli %arg0, %mul3A_2 : i32
    %add3A_4 = arith.addi %add3A_1, %mul3A_3 : i32
    %mul3A_5 = arith.constant 125 : i32
    %mul3A_6 = arith.muli %add3A_4, %mul3A_5 : i32
    "tpu.region"() ({
      %run_scoped3A = memref.alloca() : memref<2x1x1x80xi32, #tpu.memory_space<vmem>>
      %run_scoped3A_7 = tpu.sem_alloc : memref<2x!tpu.dma_semaphore, #tpu.memory_space<semaphore_mem>>
      %run_scoped3A_8 = memref.alloca() : memref<2x1x1x80xi32, #tpu.memory_space<vmem>>
      %run_scoped3A_9 = tpu.sem_alloc : memref<2x!tpu.dma_semaphore, #tpu.memory_space<semaphore_mem>>
      %run_scoped3A_10 = memref.alloca() : memref<2x80x128xf32, #tpu.memory_space<vmem>>
      %run_scoped3A_11 = tpu.sem_alloc : memref<2x!tpu.dma_semaphore, #tpu.memory_space<semaphore_mem>>
      %run_scoped3A_12 = memref.alloca() : memref<2x80x128xf32, #tpu.memory_space<vmem>>
      %run_scoped3A_13 = tpu.sem_alloc : memref<2x!tpu.dma_semaphore, #tpu.memory_space<semaphore_mem>>
      %add3A_14 = arith.constant 0 : i32
      %add3A_15 = arith.addi %add3A_14, %mul3A_6 : i32
      %select_n3A = arith.constant true
      %select_n3A_16 = arith.constant 0 : i32
      %select_n3A_17 = arith.constant -1 : i32
      %select_n3A_18 = arith.select %select_n3A, %select_n3A_17, %select_n3A_16 : i32
      %eq3A = arith.constant -1 : i32
      %eq3A_19 = arith.cmpi eq, %select_n3A_18, %eq3A : i32
      %select_n3A_20 = arith.constant 124 : i32
      %select_n3A_21 = arith.select %eq3A_19, %select_n3A_20, %select_n3A_18 : i32
      %add3A_22 = arith.addi %select_n3A_21, %mul3A_6 : i32
      %select_n3A_23 = arith.constant true
      %select_n3A_24 = arith.constant 0 : i32
      %select_n3A_25 = arith.constant 1 : i32
      %select_n3A_26 = arith.select %select_n3A_23, %select_n3A_25, %select_n3A_24 : i32
      %eq3A_27 = arith.constant 125 : i32
      %eq3A_28 = arith.cmpi eq, %select_n3A_26, %eq3A_27 : i32
      %select_n3A_29 = arith.constant 0 : i32
      %select_n3A_30 = arith.select %eq3A_28, %select_n3A_29, %select_n3A_26 : i32
      %add3A_31 = arith.addi %select_n3A_30, %mul3A_6 : i32
      %add3A_32 = arith.constant 1 : i32
      %add3A_33 = arith.addi %select_n3A_30, %add3A_32 : i32
      %select_n3A_34 = arith.constant true
      %select_n3A_35 = arith.select %select_n3A_34, %add3A_33, %select_n3A_30 : i32
      %eq3A_36 = arith.constant 125 : i32
      %eq3A_37 = arith.cmpi eq, %select_n3A_35, %eq3A_36 : i32
      %select_n3A_38 = arith.constant 0 : i32
      %select_n3A_39 = arith.select %eq3A_37, %select_n3A_38, %select_n3A_35 : i32
      %add3A_40 = arith.addi %select_n3A_39, %mul3A_6 : i32
      "tpu.trace_start"() <{level = 10 : i32, message = "ep_initialize_0"}> : () -> ()
      %rem3A = arith.constant 0 : i32
      %rem3A_41 = arith.constant 2 : i32
      %rem3A_42 = arith.remui %rem3A, %rem3A_41 : i32
      %mul3A_43 = arith.constant 1 : i32
      %mul3A_44 = arith.muli %mul3A_43, %add3A_15 : i32
      %dma_start3A = arith.constant 0 : i32
      %dma_start3A_45 = arith.constant 0 : i32
      %dma_start3A_46 = arith.constant 0 : i32
      %dma_start3A_47 = tpu.memref_slice %run_scoped3A[%rem3A_42, %dma_start3A, %dma_start3A_45, %dma_start3A_46] : memref<2x1x1x80xi32, #tpu.memory_space<vmem>> -> memref<1x1x1x80xi32, #tpu.memory_space<vmem>>
      %dma_start3A_48 = tpu.memref_squeeze %dma_start3A_47 : memref<1x1x1x80xi32, #tpu.memory_space<vmem>> -> memref<1x1x80xi32, #tpu.memory_space<vmem>>
      %dma_start3A_49 = arith.constant 0 : i32
      %dma_start3A_50 = arith.constant 0 : i32
      %dma_start3A_51 = tpu.memref_slice %arg4[%mul3A_44, %dma_start3A_49, %dma_start3A_50] : memref<4000x1x80xi32, #tpu.memory_space<hbm>> -> memref<1x1x80xi32, #tpu.memory_space<hbm>>
      %dma_start3A_52 = tpu.memref_slice %run_scoped3A_7[%rem3A_42] : memref<2x!tpu.dma_semaphore, #tpu.memory_space<semaphore_mem>> -> memref<1x!tpu.dma_semaphore, #tpu.memory_space<semaphore_mem>>
      %dma_start3A_53 = tpu.memref_squeeze %dma_start3A_52 : memref<1x!tpu.dma_semaphore, #tpu.memory_space<semaphore_mem>> -> memref<!tpu.dma_semaphore, #tpu.memory_space<semaphore_mem>>
      %dma_start3A_54 = arith.constant 0 : i32
      %dma_start3A_55 = arith.constant 0 : i32
      %dma_start3A_56 = arith.constant 0 : i32
      %dma_start3A_57 = tpu.memref_slice %run_scoped3A[%rem3A_42, %dma_start3A_54, %dma_start3A_55, %dma_start3A_56] : memref<2x1x1x80xi32, #tpu.memory_space<vmem>> -> memref<1x1x1x80xi32, #tpu.memory_space<vmem>>
      %dma_start3A_58 = tpu.memref_squeeze %dma_start3A_57 : memref<1x1x1x80xi32, #tpu.memory_space<vmem>> -> memref<1x1x80xi32, #tpu.memory_space<vmem>>
      %dma_start3A_59 = arith.constant 0 : i32
      %dma_start3A_60 = arith.constant 0 : i32
      %dma_start3A_61 = tpu.memref_slice %arg4[%mul3A_44, %dma_start3A_59, %dma_start3A_60] : memref<4000x1x80xi32, #tpu.memory_space<hbm>> -> memref<1x1x80xi32, #tpu.memory_space<hbm>>
      tpu.enqueue_dma source(%dma_start3A_61 : memref<1x1x80xi32, #tpu.memory_space<hbm>>) target(%dma_start3A_58 : memref<1x1x80xi32, #tpu.memory_space<vmem>>) target_semaphore(%dma_start3A_53 : memref<!tpu.dma_semaphore, #tpu.memory_space<semaphore_mem>>)
      %add3A_62 = arith.constant 0 : i32
      %add3A_63 = arith.constant 1 : i32
      %add3A_64 = arith.addi %add3A_62, %add3A_63 : i32
      %select_n3A_65 = arith.constant true
      %select_n3A_66 = arith.constant 0 : i32
      %select_n3A_67 = arith.select %select_n3A_65, %add3A_64, %select_n3A_66 : i32
      %rem3A_68 = arith.constant 0 : i32
      %rem3A_69 = arith.constant 2 : i32
      %rem3A_70 = arith.remui %rem3A_68, %rem3A_69 : i32
      %mul3A_71 = arith.constant 1 : i32
      %mul3A_72 = arith.muli %mul3A_71, %add3A_15 : i32
      %dma_start3A_73 = arith.constant 0 : i32
      %dma_start3A_74 = arith.constant 0 : i32
      %dma_start3A_75 = arith.constant 0 : i32
      %dma_start3A_76 = tpu.memref_slice %run_scoped3A_8[%rem3A_70, %dma_start3A_73, %dma_start3A_74, %dma_start3A_75] : memref<2x1x1x80xi32, #tpu.memory_space<vmem>> -> memref<1x1x1x80xi32, #tpu.memory_space<vmem>>
      %dma_start3A_77 = tpu.memref_squeeze %dma_start3A_76 : memref<1x1x1x80xi32, #tpu.memory_space<vmem>> -> memref<1x1x80xi32, #tpu.memory_space<vmem>>
      %dma_start3A_78 = arith.constant 0 : i32
      %dma_start3A_79 = arith.constant 0 : i32
      %dma_start3A_80 = tpu.memref_slice %arg5[%mul3A_72, %dma_start3A_78, %dma_start3A_79] : memref<4000x1x80xi32, #tpu.memory_space<hbm>> -> memref<1x1x80xi32, #tpu.memory_space<hbm>>
      %dma_start3A_81 = tpu.memref_slice %run_scoped3A_9[%rem3A_70] : memref<2x!tpu.dma_semaphore, #tpu.memory_space<semaphore_mem>> -> memref<1x!tpu.dma_semaphore, #tpu.memory_space<semaphore_mem>>
      %dma_start3A_82 = tpu.memref_squeeze %dma_start3A_81 : memref<1x!tpu.dma_semaphore, #tpu.memory_space<semaphore_mem>> -> memref<!tpu.dma_semaphore, #tpu.memory_space<semaphore_mem>>
      %dma_start3A_83 = arith.constant 0 : i32
      %dma_start3A_84 = arith.constant 0 : i32
      %dma_start3A_85 = arith.constant 0 : i32
      %dma_start3A_86 = tpu.memref_slice %run_scoped3A_8[%rem3A_70, %dma_start3A_83, %dma_start3A_84, %dma_start3A_85] : memref<2x1x1x80xi32, #tpu.memory_space<vmem>> -> memref<1x1x1x80xi32, #tpu.memory_space<vmem>>
      %dma_start3A_87 = tpu.memref_squeeze %dma_start3A_86 : memref<1x1x1x80xi32, #tpu.memory_space<vmem>> -> memref<1x1x80xi32, #tpu.memory_space<vmem>>
      %dma_start3A_88 = arith.constant 0 : i32
      %dma_start3A_89 = arith.constant 0 : i32
      %dma_start3A_90 = tpu.memref_slice %arg5[%mul3A_72, %dma_start3A_88, %dma_start3A_89] : memref<4000x1x80xi32, #tpu.memory_space<hbm>> -> memref<1x1x80xi32, #tpu.memory_space<hbm>>
      tpu.enqueue_dma source(%dma_start3A_90 : memref<1x1x80xi32, #tpu.memory_space<hbm>>) target(%dma_start3A_87 : memref<1x1x80xi32, #tpu.memory_space<vmem>>) target_semaphore(%dma_start3A_82 : memref<!tpu.dma_semaphore, #tpu.memory_space<semaphore_mem>>)
      %add3A_91 = arith.constant 0 : i32
      %add3A_92 = arith.constant 1 : i32
      %add3A_93 = arith.addi %add3A_91, %add3A_92 : i32
      %select_n3A_94 = arith.constant true
      %select_n3A_95 = arith.constant 0 : i32
      %select_n3A_96 = arith.select %select_n3A_94, %add3A_93, %select_n3A_95 : i32
      "tpu.trace_stop"() : () -> ()
      %scan3A = arith.constant 0 : i32
      %scan3A_97 = arith.constant 0 : i32
      %scan3A_98 = arith.constant 0 : i32
      %scan3A_99 = arith.constant 0 : i32
      %scan3A_100 = arith.constant 0 : i32
      %scan3A_101 = arith.constant 0 : i32
      %scan3A_102 = arith.constant 0 : i32
      %scan3A_103 = arith.constant 0 : i32
      %scan3A_104 = arith.constant 125 : i32
      %scan3A_105 = arith.addi %scan3A_103, %scan3A_104 : i32
      %scan3A_106 = arith.constant 1 : i32
      %scan3A_107:9 = scf.for %scan3A_179 = %scan3A_103 to %scan3A_105 step %scan3A_106 iter_args(%scan3A_180 = %select_n3A_67, %scan3A_181 = %scan3A, %scan3A_182 = %select_n3A_96, %scan3A_183 = %scan3A_97, %scan3A_184 = %scan3A_98, %scan3A_185 = %scan3A_99, %scan3A_186 = %scan3A_100, %scan3A_187 = %scan3A_101, %scan3A_188 = %scan3A_102) -> (i32, i32, i32, i32, i32, i32, i32, i32, i32)  : i32 {
        %eq3A_189 = arith.constant 0 : i32
        %eq3A_190 = arith.cmpi eq, %scan3A_179, %eq3A_189 : i32
        %eq3A_191 = arith.constant 124 : i32
        %eq3A_192 = arith.cmpi eq, %scan3A_179, %eq3A_191 : i32
        %add3A_193 = arith.addi %scan3A_188, %mul3A_6 : i32
        %sub3A_194 = arith.constant 1 : i32
        %sub3A_195 = arith.subi %scan3A_188, %sub3A_194 : i32
        %select_n3A_196 = arith.constant true
        %select_n3A_197 = arith.select %select_n3A_196, %sub3A_195, %scan3A_188 : i32
        %eq3A_198 = arith.constant -1 : i32
        %eq3A_199 = arith.cmpi eq, %select_n3A_197, %eq3A_198 : i32
        %select_n3A_200 = arith.constant 124 : i32
        %select_n3A_201 = arith.select %eq3A_199, %select_n3A_200, %select_n3A_197 : i32
        %add3A_202 = arith.addi %select_n3A_201, %mul3A_6 : i32
        %add3A_203 = arith.constant 1 : i32
        %add3A_204 = arith.addi %scan3A_188, %add3A_203 : i32
        %select_n3A_205 = arith.constant true
        %select_n3A_206 = arith.select %select_n3A_205, %add3A_204, %scan3A_188 : i32
        %eq3A_207 = arith.constant 125 : i32
        %eq3A_208 = arith.cmpi eq, %select_n3A_206, %eq3A_207 : i32
        %select_n3A_209 = arith.constant 0 : i32
        %select_n3A_210 = arith.select %eq3A_208, %select_n3A_209, %select_n3A_206 : i32
        %add3A_211 = arith.addi %select_n3A_210, %mul3A_6 : i32
        %add3A_212 = arith.constant 1 : i32
        %add3A_213 = arith.addi %select_n3A_210, %add3A_212 : i32
        %select_n3A_214 = arith.constant true
        %select_n3A_215 = arith.select %select_n3A_214, %add3A_213, %select_n3A_210 : i32
        %eq3A_216 = arith.constant 125 : i32
        %eq3A_217 = arith.cmpi eq, %select_n3A_215, %eq3A_216 : i32
        %select_n3A_218 = arith.constant 0 : i32
        %select_n3A_219 = arith.select %eq3A_217, %select_n3A_218, %select_n3A_215 : i32
        %add3A_220 = arith.addi %select_n3A_219, %mul3A_6 : i32
        %ne3A = arith.cmpi ne, %add3A_193, %add3A_211 : i32
        %or3A = arith.constant false
        %or3A_221 = arith.ori %or3A, %ne3A : i1
        %or3A_222 = arith.constant false
        %or3A_223 = arith.ori %or3A_221, %or3A_222 : i1
        %or3A_224 = arith.constant false
        %or3A_225 = arith.ori %or3A_223, %or3A_224 : i1
        %ge3A = arith.constant 124 : i32
        %ge3A_226 = arith.cmpi sge, %scan3A_179, %ge3A : i32
        %not3A = arith.constant true
        %not3A_227 = arith.xori %ge3A_226, %not3A : i1
        %and3A = arith.andi %or3A_225, %not3A_227 : i1
        %convert_element_type3A = arith.extui %and3A : i1 to i32
        %cond3A = arith.constant 0 : i32
        %cond3A_228 = arith.cmpi ne, %convert_element_type3A, %cond3A : i32
        scf.if %cond3A_228 {
          "tpu.trace_start"() <{level = 10 : i32, message = "ep_copy_in"}> : () -> ()
          %rem3A_472 = arith.constant 2 : i32
          %rem3A_473 = arith.remui %scan3A_180, %rem3A_472 : i32
          %mul3A_474 = arith.constant 1 : i32
          %mul3A_475 = arith.muli %mul3A_474, %add3A_211 : i32
          %dma_start3A_476 = arith.constant 0 : i32
          %dma_start3A_477 = arith.constant 0 : i32
          %dma_start3A_478 = arith.constant 0 : i32
          %dma_start3A_479 = tpu.memref_slice %run_scoped3A[%rem3A_473, %dma_start3A_476, %dma_start3A_477, %dma_start3A_478] : memref<2x1x1x80xi32, #tpu.memory_space<vmem>> -> memref<1x1x1x80xi32, #tpu.memory_space<vmem>>
          %dma_start3A_480 = tpu.memref_squeeze %dma_start3A_479 : memref<1x1x1x80xi32, #tpu.memory_space<vmem>> -> memref<1x1x80xi32, #tpu.memory_space<vmem>>
          %dma_start3A_481 = arith.constant 0 : i32
          %dma_start3A_482 = arith.constant 0 : i32
          %dma_start3A_483 = tpu.memref_slice %arg4[%mul3A_475, %dma_start3A_481, %dma_start3A_482] : memref<4000x1x80xi32, #tpu.memory_space<hbm>> -> memref<1x1x80xi32, #tpu.memory_space<hbm>>
          %dma_start3A_484 = tpu.memref_slice %run_scoped3A_7[%rem3A_473] : memref<2x!tpu.dma_semaphore, #tpu.memory_space<semaphore_mem>> -> memref<1x!tpu.dma_semaphore, #tpu.memory_space<semaphore_mem>>
          %dma_start3A_485 = tpu.memref_squeeze %dma_start3A_484 : memref<1x!tpu.dma_semaphore, #tpu.memory_space<semaphore_mem>> -> memref<!tpu.dma_semaphore, #tpu.memory_space<semaphore_mem>>
          %dma_start3A_486 = arith.constant 0 : i32
          %dma_start3A_487 = arith.constant 0 : i32
          %dma_start3A_488 = arith.constant 0 : i32
          %dma_start3A_489 = tpu.memref_slice %run_scoped3A[%rem3A_473, %dma_start3A_486, %dma_start3A_487, %dma_start3A_488] : memref<2x1x1x80xi32, #tpu.memory_space<vmem>> -> memref<1x1x1x80xi32, #tpu.memory_space<vmem>>
          %dma_start3A_490 = tpu.memref_squeeze %dma_start3A_489 : memref<1x1x1x80xi32, #tpu.memory_space<vmem>> -> memref<1x1x80xi32, #tpu.memory_space<vmem>>
          %dma_start3A_491 = arith.constant 0 : i32
          %dma_start3A_492 = arith.constant 0 : i32
          %dma_start3A_493 = tpu.memref_slice %arg4[%mul3A_475, %dma_start3A_491, %dma_start3A_492] : memref<4000x1x80xi32, #tpu.memory_space<hbm>> -> memref<1x1x80xi32, #tpu.memory_space<hbm>>
          tpu.enqueue_dma source(%dma_start3A_493 : memref<1x1x80xi32, #tpu.memory_space<hbm>>) target(%dma_start3A_490 : memref<1x1x80xi32, #tpu.memory_space<vmem>>) target_semaphore(%dma_start3A_485 : memref<!tpu.dma_semaphore, #tpu.memory_space<semaphore_mem>>)
          "tpu.trace_stop"() : () -> ()
        } else {
        }
        %and3A_229 = arith.constant true
        %and3A_230 = arith.andi %and3A, %and3A_229 : i1
        %add3A_231 = arith.constant 1 : i32
        %add3A_232 = arith.addi %scan3A_180, %add3A_231 : i32
        %select_n3A_233 = arith.select %and3A_230, %add3A_232, %scan3A_180 : i32
        %ne3A_234 = arith.cmpi ne, %add3A_193, %add3A_211 : i32
        %or3A_235 = arith.constant false
        %or3A_236 = arith.ori %or3A_235, %ne3A_234 : i1
        %or3A_237 = arith.constant false
        %or3A_238 = arith.ori %or3A_236, %or3A_237 : i1
        %or3A_239 = arith.constant false
        %or3A_240 = arith.ori %or3A_238, %or3A_239 : i1
        %ge3A_241 = arith.constant 124 : i32
        %ge3A_242 = arith.cmpi sge, %scan3A_179, %ge3A_241 : i32
        %not3A_243 = arith.constant true
        %not3A_244 = arith.xori %ge3A_242, %not3A_243 : i1
        %and3A_245 = arith.andi %or3A_240, %not3A_244 : i1
        %convert_element_type3A_246 = arith.extui %and3A_245 : i1 to i32
        %cond3A_247 = arith.constant 0 : i32
        %cond3A_248 = arith.cmpi ne, %convert_element_type3A_246, %cond3A_247 : i32
        scf.if %cond3A_248 {
          "tpu.trace_start"() <{level = 10 : i32, message = "ep_copy_in"}> : () -> ()
          %rem3A_472 = arith.constant 2 : i32
          %rem3A_473 = arith.remui %scan3A_182, %rem3A_472 : i32
          %mul3A_474 = arith.constant 1 : i32
          %mul3A_475 = arith.muli %mul3A_474, %add3A_211 : i32
          %dma_start3A_476 = arith.constant 0 : i32
          %dma_start3A_477 = arith.constant 0 : i32
          %dma_start3A_478 = arith.constant 0 : i32
          %dma_start3A_479 = tpu.memref_slice %run_scoped3A_8[%rem3A_473, %dma_start3A_476, %dma_start3A_477, %dma_start3A_478] : memref<2x1x1x80xi32, #tpu.memory_space<vmem>> -> memref<1x1x1x80xi32, #tpu.memory_space<vmem>>
          %dma_start3A_480 = tpu.memref_squeeze %dma_start3A_479 : memref<1x1x1x80xi32, #tpu.memory_space<vmem>> -> memref<1x1x80xi32, #tpu.memory_space<vmem>>
          %dma_start3A_481 = arith.constant 0 : i32
          %dma_start3A_482 = arith.constant 0 : i32
          %dma_start3A_483 = tpu.memref_slice %arg5[%mul3A_475, %dma_start3A_481, %dma_start3A_482] : memref<4000x1x80xi32, #tpu.memory_space<hbm>> -> memref<1x1x80xi32, #tpu.memory_space<hbm>>
          %dma_start3A_484 = tpu.memref_slice %run_scoped3A_9[%rem3A_473] : memref<2x!tpu.dma_semaphore, #tpu.memory_space<semaphore_mem>> -> memref<1x!tpu.dma_semaphore, #tpu.memory_space<semaphore_mem>>
          %dma_start3A_485 = tpu.memref_squeeze %dma_start3A_484 : memref<1x!tpu.dma_semaphore, #tpu.memory_space<semaphore_mem>> -> memref<!tpu.dma_semaphore, #tpu.memory_space<semaphore_mem>>
          %dma_start3A_486 = arith.constant 0 : i32
          %dma_start3A_487 = arith.constant 0 : i32
          %dma_start3A_488 = arith.constant 0 : i32
          %dma_start3A_489 = tpu.memref_slice %run_scoped3A_8[%rem3A_473, %dma_start3A_486, %dma_start3A_487, %dma_start3A_488] : memref<2x1x1x80xi32, #tpu.memory_space<vmem>> -> memref<1x1x1x80xi32, #tpu.memory_space<vmem>>
          %dma_start3A_490 = tpu.memref_squeeze %dma_start3A_489 : memref<1x1x1x80xi32, #tpu.memory_space<vmem>> -> memref<1x1x80xi32, #tpu.memory_space<vmem>>
          %dma_start3A_491 = arith.constant 0 : i32
          %dma_start3A_492 = arith.constant 0 : i32
          %dma_start3A_493 = tpu.memref_slice %arg5[%mul3A_475, %dma_start3A_491, %dma_start3A_492] : memref<4000x1x80xi32, #tpu.memory_space<hbm>> -> memref<1x1x80xi32, #tpu.memory_space<hbm>>
          tpu.enqueue_dma source(%dma_start3A_493 : memref<1x1x80xi32, #tpu.memory_space<hbm>>) target(%dma_start3A_490 : memref<1x1x80xi32, #tpu.memory_space<vmem>>) target_semaphore(%dma_start3A_485 : memref<!tpu.dma_semaphore, #tpu.memory_space<semaphore_mem>>)
          "tpu.trace_stop"() : () -> ()
        } else {
        }
        %and3A_249 = arith.constant true
        %and3A_250 = arith.andi %and3A_245, %and3A_249 : i1
        %add3A_251 = arith.constant 1 : i32
        %add3A_252 = arith.addi %scan3A_182, %add3A_251 : i32
        %select_n3A_253 = arith.select %and3A_250, %add3A_252, %scan3A_182 : i32
        %ne3A_254 = arith.cmpi ne, %add3A_193, %add3A_211 : i32
        %or3A_255 = arith.constant false
        %or3A_256 = arith.ori %or3A_255, %ne3A_254 : i1
        %or3A_257 = arith.constant false
        %or3A_258 = arith.ori %or3A_256, %or3A_257 : i1
        %ge3A_259 = arith.constant 124 : i32
        %ge3A_260 = arith.cmpi sge, %scan3A_179, %ge3A_259 : i32
        %not3A_261 = arith.constant true
        %not3A_262 = arith.xori %ge3A_260, %not3A_261 : i1
        %and3A_263 = arith.andi %or3A_258, %not3A_262 : i1
        %ne3A_264 = arith.cmpi ne, %add3A_193, %add3A_211 : i32
        %or3A_265 = arith.constant false
        %or3A_266 = arith.ori %or3A_265, %ne3A_264 : i1
        %or3A_267 = arith.constant false
        %or3A_268 = arith.ori %or3A_266, %or3A_267 : i1
        %ge3A_269 = arith.constant 124 : i32
        %ge3A_270 = arith.cmpi sge, %scan3A_179, %ge3A_269 : i32
        %not3A_271 = arith.constant true
        %not3A_272 = arith.xori %ge3A_270, %not3A_271 : i1
        %and3A_273 = arith.andi %or3A_268, %not3A_272 : i1
        %ne3A_274 = arith.cmpi ne, %add3A_193, %add3A_202 : i32
        %or3A_275 = arith.constant false
        %or3A_276 = arith.ori %or3A_275, %ne3A_274 : i1
        %or3A_277 = arith.constant false
        %or3A_278 = arith.ori %or3A_276, %or3A_277 : i1
        %or3A_279 = arith.constant false
        %or3A_280 = arith.ori %or3A_278, %or3A_279 : i1
        %or3A_281 = arith.ori %or3A_280, %eq3A_190 : i1
        %convert_element_type3A_282 = arith.extui %or3A_281 : i1 to i32
        %cond3A_283 = arith.constant 0 : i32
        %cond3A_284 = arith.cmpi ne, %convert_element_type3A_282, %cond3A_283 : i32
        scf.if %cond3A_284 {
          "tpu.trace_start"() <{level = 10 : i32, message = "ep_wait_in"}> : () -> ()
          %mul3A_472 = arith.constant 1 : i32
          %mul3A_473 = arith.muli %mul3A_472, %add3A_193 : i32
          %rem3A_474 = arith.constant 2 : i32
          %rem3A_475 = arith.remui %scan3A_181, %rem3A_474 : i32
          %dma_wait3A_476 = arith.constant 0 : i32
          %dma_wait3A_477 = arith.constant 0 : i32
          %dma_wait3A_478 = arith.constant 0 : i32
          %dma_wait3A_479 = tpu.memref_slice %run_scoped3A[%rem3A_475, %dma_wait3A_476, %dma_wait3A_477, %dma_wait3A_478] : memref<2x1x1x80xi32, #tpu.memory_space<vmem>> -> memref<1x1x1x80xi32, #tpu.memory_space<vmem>>
          %dma_wait3A_480 = tpu.memref_squeeze %dma_wait3A_479 : memref<1x1x1x80xi32, #tpu.memory_space<vmem>> -> memref<1x1x80xi32, #tpu.memory_space<vmem>>
          %dma_wait3A_481 = arith.constant 0 : i32
          %dma_wait3A_482 = arith.constant 0 : i32
          %dma_wait3A_483 = tpu.memref_slice %arg4[%mul3A_473, %dma_wait3A_481, %dma_wait3A_482] : memref<4000x1x80xi32, #tpu.memory_space<hbm>> -> memref<1x1x80xi32, #tpu.memory_space<hbm>>
          %dma_wait3A_484 = tpu.memref_slice %run_scoped3A_7[%rem3A_475] : memref<2x!tpu.dma_semaphore, #tpu.memory_space<semaphore_mem>> -> memref<1x!tpu.dma_semaphore, #tpu.memory_space<semaphore_mem>>
          %dma_wait3A_485 = tpu.memref_squeeze %dma_wait3A_484 : memref<1x!tpu.dma_semaphore, #tpu.memory_space<semaphore_mem>> -> memref<!tpu.dma_semaphore, #tpu.memory_space<semaphore_mem>>
          %dma_wait3A_486 = arith.constant 0 : i32
          %dma_wait3A_487 = arith.constant 0 : i32
          %dma_wait3A_488 = arith.constant 0 : i32
          %dma_wait3A_489 = tpu.memref_slice %run_scoped3A[%rem3A_475, %dma_wait3A_486, %dma_wait3A_487, %dma_wait3A_488] : memref<2x1x1x80xi32, #tpu.memory_space<vmem>> -> memref<1x1x1x80xi32, #tpu.memory_space<vmem>>
          %dma_wait3A_490 = tpu.memref_squeeze %dma_wait3A_489 : memref<1x1x1x80xi32, #tpu.memory_space<vmem>> -> memref<1x1x80xi32, #tpu.memory_space<vmem>>
          %dma_wait3A_491 = arith.constant 0 : i32
          %dma_wait3A_492 = arith.constant 0 : i32
          %dma_wait3A_493 = tpu.memref_slice %arg4[%mul3A_473, %dma_wait3A_491, %dma_wait3A_492] : memref<4000x1x80xi32, #tpu.memory_space<hbm>> -> memref<1x1x80xi32, #tpu.memory_space<hbm>>
          tpu.wait_dma2 semaphore(%dma_wait3A_485 : memref<!tpu.dma_semaphore, #tpu.memory_space<semaphore_mem>>) src(%dma_wait3A_493 : memref<1x1x80xi32, #tpu.memory_space<hbm>>) dst(%dma_wait3A_490 : memref<1x1x80xi32, #tpu.memory_space<vmem>>)
          "tpu.trace_stop"() : () -> ()
        } else {
        }
        %ne3A_285 = arith.cmpi ne, %add3A_193, %add3A_202 : i32
        %or3A_286 = arith.constant false
        %or3A_287 = arith.ori %or3A_286, %ne3A_285 : i1
        %or3A_288 = arith.constant false
        %or3A_289 = arith.ori %or3A_287, %or3A_288 : i1
        %or3A_290 = arith.constant false
        %or3A_291 = arith.ori %or3A_289, %or3A_290 : i1
        %or3A_292 = arith.ori %or3A_291, %eq3A_190 : i1
        %convert_element_type3A_293 = arith.extui %or3A_292 : i1 to i32
        %cond3A_294 = arith.constant 0 : i32
        %cond3A_295 = arith.cmpi ne, %convert_element_type3A_293, %cond3A_294 : i32
        scf.if %cond3A_295 {
          "tpu.trace_start"() <{level = 10 : i32, message = "ep_wait_in"}> : () -> ()
          %mul3A_472 = arith.constant 1 : i32
          %mul3A_473 = arith.muli %mul3A_472, %add3A_193 : i32
          %rem3A_474 = arith.constant 2 : i32
          %rem3A_475 = arith.remui %scan3A_183, %rem3A_474 : i32
          %dma_wait3A_476 = arith.constant 0 : i32
          %dma_wait3A_477 = arith.constant 0 : i32
          %dma_wait3A_478 = arith.constant 0 : i32
          %dma_wait3A_479 = tpu.memref_slice %run_scoped3A_8[%rem3A_475, %dma_wait3A_476, %dma_wait3A_477, %dma_wait3A_478] : memref<2x1x1x80xi32, #tpu.memory_space<vmem>> -> memref<1x1x1x80xi32, #tpu.memory_space<vmem>>
          %dma_wait3A_480 = tpu.memref_squeeze %dma_wait3A_479 : memref<1x1x1x80xi32, #tpu.memory_space<vmem>> -> memref<1x1x80xi32, #tpu.memory_space<vmem>>
          %dma_wait3A_481 = arith.constant 0 : i32
          %dma_wait3A_482 = arith.constant 0 : i32
          %dma_wait3A_483 = tpu.memref_slice %arg5[%mul3A_473, %dma_wait3A_481, %dma_wait3A_482] : memref<4000x1x80xi32, #tpu.memory_space<hbm>> -> memref<1x1x80xi32, #tpu.memory_space<hbm>>
          %dma_wait3A_484 = tpu.memref_slice %run_scoped3A_9[%rem3A_475] : memref<2x!tpu.dma_semaphore, #tpu.memory_space<semaphore_mem>> -> memref<1x!tpu.dma_semaphore, #tpu.memory_space<semaphore_mem>>
          %dma_wait3A_485 = tpu.memref_squeeze %dma_wait3A_484 : memref<1x!tpu.dma_semaphore, #tpu.memory_space<semaphore_mem>> -> memref<!tpu.dma_semaphore, #tpu.memory_space<semaphore_mem>>
          %dma_wait3A_486 = arith.constant 0 : i32
          %dma_wait3A_487 = arith.constant 0 : i32
          %dma_wait3A_488 = arith.constant 0 : i32
          %dma_wait3A_489 = tpu.memref_slice %run_scoped3A_8[%rem3A_475, %dma_wait3A_486, %dma_wait3A_487, %dma_wait3A_488] : memref<2x1x1x80xi32, #tpu.memory_space<vmem>> -> memref<1x1x1x80xi32, #tpu.memory_space<vmem>>
          %dma_wait3A_490 = tpu.memref_squeeze %dma_wait3A_489 : memref<1x1x1x80xi32, #tpu.memory_space<vmem>> -> memref<1x1x80xi32, #tpu.memory_space<vmem>>
          %dma_wait3A_491 = arith.constant 0 : i32
          %dma_wait3A_492 = arith.constant 0 : i32
          %dma_wait3A_493 = tpu.memref_slice %arg5[%mul3A_473, %dma_wait3A_491, %dma_wait3A_492] : memref<4000x1x80xi32, #tpu.memory_space<hbm>> -> memref<1x1x80xi32, #tpu.memory_space<hbm>>
          tpu.wait_dma2 semaphore(%dma_wait3A_485 : memref<!tpu.dma_semaphore, #tpu.memory_space<semaphore_mem>>) src(%dma_wait3A_493 : memref<1x1x80xi32, #tpu.memory_space<hbm>>) dst(%dma_wait3A_490 : memref<1x1x80xi32, #tpu.memory_space<vmem>>)
          "tpu.trace_stop"() : () -> ()
        } else {
        }
        %ne3A_296 = arith.cmpi ne, %add3A_193, %add3A_202 : i32
        %or3A_297 = arith.constant false
        %or3A_298 = arith.ori %or3A_297, %ne3A_296 : i1
        %or3A_299 = arith.constant false
        %or3A_300 = arith.ori %or3A_298, %or3A_299 : i1
        %or3A_301 = arith.ori %or3A_300, %eq3A_190 : i1
        %convert_element_type3A_302 = arith.extui %or3A_301 : i1 to i32
        %cond3A_303 = arith.constant 0 : i32
        %cond3A_304 = arith.cmpi ne, %convert_element_type3A_302, %cond3A_303 : i32
        scf.if %cond3A_304 {
        } else {
        }
        %ne3A_305 = arith.cmpi ne, %add3A_193, %add3A_202 : i32
        %or3A_306 = arith.constant false
        %or3A_307 = arith.ori %or3A_306, %ne3A_305 : i1
        %or3A_308 = arith.constant false
        %or3A_309 = arith.ori %or3A_307, %or3A_308 : i1
        %or3A_310 = arith.ori %or3A_309, %eq3A_190 : i1
        %convert_element_type3A_311 = arith.extui %or3A_310 : i1 to i32
        %cond3A_312 = arith.constant 0 : i32
        %cond3A_313 = arith.cmpi ne, %convert_element_type3A_311, %cond3A_312 : i32
        scf.if %cond3A_313 {
        } else {
        }
        %rem3A_314 = arith.constant 2 : i32
        %rem3A_315 = arith.remui %scan3A_181, %rem3A_314 : i32
        %rem3A_316 = arith.constant 2 : i32
        %rem3A_317 = arith.remui %scan3A_183, %rem3A_316 : i32
        %rem3A_318 = arith.constant 2 : i32
        %rem3A_319 = arith.remui %scan3A_184, %rem3A_318 : i32
        %rem3A_320 = arith.constant 2 : i32
        %rem3A_321 = arith.remui %scan3A_186, %rem3A_320 : i32
        %run_scoped3A_322 = arith.constant 0 : i32
        %run_scoped3A_323 = arith.constant 0 : i32
        "tpu.trace_start"() <{level = 10 : i32, message = "ep_run_kernel"}> : () -> ()
        "tpu.region"() ({
          %run_scoped3A_472 = tpu.sem_alloc : memref<!tpu.dma_semaphore, #tpu.memory_space<semaphore_mem>>
          %dma_start3A_473 = arith.constant 0 : i32
          %dma_start3A_474 = arith.constant 0 : i32
          %dma_start3A_475 = tpu.memref_slice %run_scoped3A_10[%rem3A_319, %dma_start3A_473, %dma_start3A_474] : memref<2x80x128xf32, #tpu.memory_space<vmem>> -> memref<1x80x128xf32, #tpu.memory_space<vmem>>
          %dma_start3A_476 = tpu.memref_squeeze %dma_start3A_475 : memref<1x80x128xf32, #tpu.memory_space<vmem>> -> memref<80x128xf32, #tpu.memory_space<vmem>>
          %dma_start3A_477 = arith.constant 0 : i32
          %dma_start3A_478 = arith.constant 0 : i32
          %dma_start3A_479 = arith.constant 0 : i32
          %dma_start3A_480 = tpu.memref_slice %run_scoped3A[%rem3A_315, %dma_start3A_477, %dma_start3A_478, %dma_start3A_479] : memref<2x1x1x80xi32, #tpu.memory_space<vmem>> -> memref<1x1x1x80xi32, #tpu.memory_space<vmem>>
          %dma_start3A_481 = tpu.memref_squeeze %dma_start3A_480 : memref<1x1x1x80xi32, #tpu.memory_space<vmem>> -> memref<1x1x80xi32, #tpu.memory_space<vmem>>
          %dma_start3A_482 = arith.constant 0 : i32
          %dma_start3A_483 = tpu.memref_slice %dma_start3A_481[%run_scoped3A_322, %run_scoped3A_323, %dma_start3A_482] : memref<1x1x80xi32, #tpu.memory_space<vmem>> -> memref<1x1x80xi32, #tpu.memory_space<vmem>>
          %dma_start3A_484 = tpu.memref_squeeze %dma_start3A_483 : memref<1x1x80xi32, #tpu.memory_space<vmem>> -> memref<80xi32, #tpu.memory_space<vmem>>
          %dma_start3A_485 = arith.constant 0 : i32
          %dma_start3A_486 = arith.constant 0 : i32
          %dma_start3A_487 = tpu.memref_slice %arg2[%dma_start3A_485, %dma_start3A_486] : memref<10000x128xf32, #tpu.memory_space<hbm>> -> memref<10000x128xf32, #tpu.memory_space<hbm>>
          tpu.enqueue_indirect_dma source(%dma_start3A_487 : memref<10000x128xf32, #tpu.memory_space<hbm>>) target(%dma_start3A_476 : memref<80x128xf32, #tpu.memory_space<vmem>>) offsets(%dma_start3A_484 : memref<80xi32, #tpu.memory_space<vmem>>) semaphore(%run_scoped3A_472 : memref<!tpu.dma_semaphore, #tpu.memory_space<semaphore_mem>>)
          %dma_wait3A_488 = arith.constant 0 : i32
          %dma_wait3A_489 = arith.constant 0 : i32
          %dma_wait3A_490 = tpu.memref_slice %run_scoped3A_10[%rem3A_319, %dma_wait3A_488, %dma_wait3A_489] : memref<2x80x128xf32, #tpu.memory_space<vmem>> -> memref<1x80x128xf32, #tpu.memory_space<vmem>>
          %dma_wait3A_491 = tpu.memref_squeeze %dma_wait3A_490 : memref<1x80x128xf32, #tpu.memory_space<vmem>> -> memref<80x128xf32, #tpu.memory_space<vmem>>
          %dma_wait3A_492 = arith.constant 0 : i32
          %dma_wait3A_493 = arith.constant 0 : i32
          %dma_wait3A_494 = arith.constant 0 : i32
          %dma_wait3A_495 = tpu.memref_slice %run_scoped3A[%rem3A_315, %dma_wait3A_492, %dma_wait3A_493, %dma_wait3A_494] : memref<2x1x1x80xi32, #tpu.memory_space<vmem>> -> memref<1x1x1x80xi32, #tpu.memory_space<vmem>>
          %dma_wait3A_496 = tpu.memref_squeeze %dma_wait3A_495 : memref<1x1x1x80xi32, #tpu.memory_space<vmem>> -> memref<1x1x80xi32, #tpu.memory_space<vmem>>
          %dma_wait3A_497 = arith.constant 0 : i32
          %dma_wait3A_498 = tpu.memref_slice %dma_wait3A_496[%run_scoped3A_322, %run_scoped3A_323, %dma_wait3A_497] : memref<1x1x80xi32, #tpu.memory_space<vmem>> -> memref<1x1x80xi32, #tpu.memory_space<vmem>>
          %dma_wait3A_499 = tpu.memref_squeeze %dma_wait3A_498 : memref<1x1x80xi32, #tpu.memory_space<vmem>> -> memref<80xi32, #tpu.memory_space<vmem>>
          %dma_wait3A_500 = arith.constant 0 : i32
          %dma_wait3A_501 = arith.constant 0 : i32
          %dma_wait3A_502 = tpu.memref_slice %arg2[%dma_wait3A_500, %dma_wait3A_501] : memref<10000x128xf32, #tpu.memory_space<hbm>> -> memref<10000x128xf32, #tpu.memory_space<hbm>>
          tpu.wait_indirect_dma semaphore(%run_scoped3A_472 : memref<!tpu.dma_semaphore, #tpu.memory_space<semaphore_mem>>) src(%dma_wait3A_502 : memref<10000x128xf32, #tpu.memory_space<hbm>>) dst(%dma_wait3A_491 : memref<80x128xf32, #tpu.memory_space<vmem>>)
          tpu.yield
        }) : () -> ()
        %run_scoped3A_324 = arith.constant 0 : i32
        %run_scoped3A_325 = arith.constant 0 : i32
        "tpu.region"() ({
          %run_scoped3A_472 = tpu.sem_alloc : memref<!tpu.dma_semaphore, #tpu.memory_space<semaphore_mem>>
          %dma_start3A_473 = arith.constant 0 : i32
          %dma_start3A_474 = arith.constant 0 : i32
          %dma_start3A_475 = tpu.memref_slice %run_scoped3A_12[%rem3A_321, %dma_start3A_473, %dma_start3A_474] : memref<2x80x128xf32, #tpu.memory_space<vmem>> -> memref<1x80x128xf32, #tpu.memory_space<vmem>>
          %dma_start3A_476 = tpu.memref_squeeze %dma_start3A_475 : memref<1x80x128xf32, #tpu.memory_space<vmem>> -> memref<80x128xf32, #tpu.memory_space<vmem>>
          %dma_start3A_477 = arith.constant 0 : i32
          %dma_start3A_478 = arith.constant 0 : i32
          %dma_start3A_479 = arith.constant 0 : i32
          %dma_start3A_480 = tpu.memref_slice %run_scoped3A_8[%rem3A_317, %dma_start3A_477, %dma_start3A_478, %dma_start3A_479] : memref<2x1x1x80xi32, #tpu.memory_space<vmem>> -> memref<1x1x1x80xi32, #tpu.memory_space<vmem>>
          %dma_start3A_481 = tpu.memref_squeeze %dma_start3A_480 : memref<1x1x1x80xi32, #tpu.memory_space<vmem>> -> memref<1x1x80xi32, #tpu.memory_space<vmem>>
          %dma_start3A_482 = arith.constant 0 : i32
          %dma_start3A_483 = tpu.memref_slice %dma_start3A_481[%run_scoped3A_324, %run_scoped3A_325, %dma_start3A_482] : memref<1x1x80xi32, #tpu.memory_space<vmem>> -> memref<1x1x80xi32, #tpu.memory_space<vmem>>
          %dma_start3A_484 = tpu.memref_squeeze %dma_start3A_483 : memref<1x1x80xi32, #tpu.memory_space<vmem>> -> memref<80xi32, #tpu.memory_space<vmem>>
          %dma_start3A_485 = arith.constant 0 : i32
          %dma_start3A_486 = arith.constant 0 : i32
          %dma_start3A_487 = tpu.memref_slice %arg3[%dma_start3A_485, %dma_start3A_486] : memref<10000x128xf32, #tpu.memory_space<hbm>> -> memref<10000x128xf32, #tpu.memory_space<hbm>>
          tpu.enqueue_indirect_dma source(%dma_start3A_487 : memref<10000x128xf32, #tpu.memory_space<hbm>>) target(%dma_start3A_476 : memref<80x128xf32, #tpu.memory_space<vmem>>) offsets(%dma_start3A_484 : memref<80xi32, #tpu.memory_space<vmem>>) semaphore(%run_scoped3A_472 : memref<!tpu.dma_semaphore, #tpu.memory_space<semaphore_mem>>)
          %dma_wait3A_488 = arith.constant 0 : i32
          %dma_wait3A_489 = arith.constant 0 : i32
          %dma_wait3A_490 = tpu.memref_slice %run_scoped3A_12[%rem3A_321, %dma_wait3A_488, %dma_wait3A_489] : memref<2x80x128xf32, #tpu.memory_space<vmem>> -> memref<1x80x128xf32, #tpu.memory_space<vmem>>
          %dma_wait3A_491 = tpu.memref_squeeze %dma_wait3A_490 : memref<1x80x128xf32, #tpu.memory_space<vmem>> -> memref<80x128xf32, #tpu.memory_space<vmem>>
          %dma_wait3A_492 = arith.constant 0 : i32
          %dma_wait3A_493 = arith.constant 0 : i32
          %dma_wait3A_494 = arith.constant 0 : i32
          %dma_wait3A_495 = tpu.memref_slice %run_scoped3A_8[%rem3A_317, %dma_wait3A_492, %dma_wait3A_493, %dma_wait3A_494] : memref<2x1x1x80xi32, #tpu.memory_space<vmem>> -> memref<1x1x1x80xi32, #tpu.memory_space<vmem>>
          %dma_wait3A_496 = tpu.memref_squeeze %dma_wait3A_495 : memref<1x1x1x80xi32, #tpu.memory_space<vmem>> -> memref<1x1x80xi32, #tpu.memory_space<vmem>>
          %dma_wait3A_497 = arith.constant 0 : i32
          %dma_wait3A_498 = tpu.memref_slice %dma_wait3A_496[%run_scoped3A_324, %run_scoped3A_325, %dma_wait3A_497] : memref<1x1x80xi32, #tpu.memory_space<vmem>> -> memref<1x1x80xi32, #tpu.memory_space<vmem>>
          %dma_wait3A_499 = tpu.memref_squeeze %dma_wait3A_498 : memref<1x1x80xi32, #tpu.memory_space<vmem>> -> memref<80xi32, #tpu.memory_space<vmem>>
          %dma_wait3A_500 = arith.constant 0 : i32
          %dma_wait3A_501 = arith.constant 0 : i32
          %dma_wait3A_502 = tpu.memref_slice %arg3[%dma_wait3A_500, %dma_wait3A_501] : memref<10000x128xf32, #tpu.memory_space<hbm>> -> memref<10000x128xf32, #tpu.memory_space<hbm>>
          tpu.wait_indirect_dma semaphore(%run_scoped3A_472 : memref<!tpu.dma_semaphore, #tpu.memory_space<semaphore_mem>>) src(%dma_wait3A_502 : memref<10000x128xf32, #tpu.memory_space<hbm>>) dst(%dma_wait3A_491 : memref<80x128xf32, #tpu.memory_space<vmem>>)
          tpu.yield
        }) : () -> ()
        "tpu.trace_stop"() : () -> ()
        %ne3A_326 = arith.cmpi ne, %add3A_193, %add3A_211 : i32
        %or3A_327 = arith.constant false
        %or3A_328 = arith.ori %or3A_327, %ne3A_326 : i1
        %or3A_329 = arith.constant false
        %or3A_330 = arith.ori %or3A_328, %or3A_329 : i1
        %or3A_331 = arith.constant false
        %or3A_332 = arith.ori %or3A_330, %or3A_331 : i1
        %or3A_333 = arith.ori %or3A_332, %eq3A_192 : i1
        %convert_element_type3A_334 = arith.extui %or3A_333 : i1 to i32
        %cond3A_335 = arith.constant 0 : i32
        %cond3A_336 = arith.cmpi ne, %convert_element_type3A_334, %cond3A_335 : i32
        scf.if %cond3A_336 {
        } else {
        }
        %and3A_337 = arith.constant false
        %and3A_338 = arith.andi %or3A_333, %and3A_337 : i1
        %ne3A_339 = arith.cmpi ne, %add3A_193, %add3A_211 : i32
        %or3A_340 = arith.constant false
        %or3A_341 = arith.ori %or3A_340, %ne3A_339 : i1
        %or3A_342 = arith.constant false
        %or3A_343 = arith.ori %or3A_341, %or3A_342 : i1
        %or3A_344 = arith.constant false
        %or3A_345 = arith.ori %or3A_343, %or3A_344 : i1
        %or3A_346 = arith.ori %or3A_345, %eq3A_192 : i1
        %convert_element_type3A_347 = arith.extui %or3A_346 : i1 to i32
        %cond3A_348 = arith.constant 0 : i32
        %cond3A_349 = arith.cmpi ne, %convert_element_type3A_347, %cond3A_348 : i32
        scf.if %cond3A_349 {
        } else {
        }
        %and3A_350 = arith.constant false
        %and3A_351 = arith.andi %or3A_346, %and3A_350 : i1
        %ne3A_352 = arith.cmpi ne, %add3A_193, %add3A_211 : i32
        %or3A_353 = arith.constant false
        %or3A_354 = arith.ori %or3A_353, %ne3A_352 : i1
        %or3A_355 = arith.constant false
        %or3A_356 = arith.ori %or3A_354, %or3A_355 : i1
        %or3A_357 = arith.ori %or3A_356, %eq3A_192 : i1
        %convert_element_type3A_358 = arith.extui %or3A_357 : i1 to i32
        %cond3A_359 = arith.constant 0 : i32
        %cond3A_360 = arith.cmpi ne, %convert_element_type3A_358, %cond3A_359 : i32
        scf.if %cond3A_360 {
          "tpu.trace_start"() <{level = 10 : i32, message = "ep_copy_out"}> : () -> ()
          %rem3A_472 = arith.constant 2 : i32
          %rem3A_473 = arith.remui %scan3A_184, %rem3A_472 : i32
          %mul3A_474 = arith.constant 80 : i32
          %mul3A_475 = arith.muli %mul3A_474, %add3A_193 : i32
          %dma_start3A_476 = arith.constant 0 : i32
          %dma_start3A_477 = arith.constant 0 : i32
          %dma_start3A_478 = tpu.memref_slice %run_scoped3A_10[%rem3A_473, %dma_start3A_476, %dma_start3A_477] : memref<2x80x128xf32, #tpu.memory_space<vmem>> -> memref<1x80x128xf32, #tpu.memory_space<vmem>>
          %dma_start3A_479 = tpu.memref_squeeze %dma_start3A_478 : memref<1x80x128xf32, #tpu.memory_space<vmem>> -> memref<80x128xf32, #tpu.memory_space<vmem>>
          %dma_start3A_480 = arith.constant 0 : i32
          %dma_start3A_481 = tpu.memref_slice %arg6[%mul3A_475, %dma_start3A_480] : memref<320000x128xf32, #tpu.memory_space<hbm>> -> memref<80x128xf32, #tpu.memory_space<hbm>>
          %dma_start3A_482 = tpu.memref_slice %run_scoped3A_11[%rem3A_473] : memref<2x!tpu.dma_semaphore, #tpu.memory_space<semaphore_mem>> -> memref<1x!tpu.dma_semaphore, #tpu.memory_space<semaphore_mem>>
          %dma_start3A_483 = tpu.memref_squeeze %dma_start3A_482 : memref<1x!tpu.dma_semaphore, #tpu.memory_space<semaphore_mem>> -> memref<!tpu.dma_semaphore, #tpu.memory_space<semaphore_mem>>
          %dma_start3A_484 = arith.constant 0 : i32
          %dma_start3A_485 = tpu.memref_slice %arg6[%mul3A_475, %dma_start3A_484] : memref<320000x128xf32, #tpu.memory_space<hbm>> -> memref<80x128xf32, #tpu.memory_space<hbm>>
          %dma_start3A_486 = arith.constant 0 : i32
          %dma_start3A_487 = arith.constant 0 : i32
          %dma_start3A_488 = tpu.memref_slice %run_scoped3A_10[%rem3A_473, %dma_start3A_486, %dma_start3A_487] : memref<2x80x128xf32, #tpu.memory_space<vmem>> -> memref<1x80x128xf32, #tpu.memory_space<vmem>>
          %dma_start3A_489 = tpu.memref_squeeze %dma_start3A_488 : memref<1x80x128xf32, #tpu.memory_space<vmem>> -> memref<80x128xf32, #tpu.memory_space<vmem>>
          tpu.enqueue_dma source(%dma_start3A_489 : memref<80x128xf32, #tpu.memory_space<vmem>>) target(%dma_start3A_485 : memref<80x128xf32, #tpu.memory_space<hbm>>) target_semaphore(%dma_start3A_483 : memref<!tpu.dma_semaphore, #tpu.memory_space<semaphore_mem>>)
          "tpu.trace_stop"() : () -> ()
        } else {
        }
        %and3A_361 = arith.constant true
        %and3A_362 = arith.andi %or3A_357, %and3A_361 : i1
        %add3A_363 = arith.constant 1 : i32
        %add3A_364 = arith.addi %scan3A_184, %add3A_363 : i32
        %select_n3A_365 = arith.select %and3A_362, %add3A_364, %scan3A_184 : i32
        %ne3A_366 = arith.cmpi ne, %add3A_193, %add3A_211 : i32
        %or3A_367 = arith.constant false
        %or3A_368 = arith.ori %or3A_367, %ne3A_366 : i1
        %or3A_369 = arith.constant false
        %or3A_370 = arith.ori %or3A_368, %or3A_369 : i1
        %or3A_371 = arith.ori %or3A_370, %eq3A_192 : i1
        %convert_element_type3A_372 = arith.extui %or3A_371 : i1 to i32
        %cond3A_373 = arith.constant 0 : i32
        %cond3A_374 = arith.cmpi ne, %convert_element_type3A_372, %cond3A_373 : i32
        scf.if %cond3A_374 {
          "tpu.trace_start"() <{level = 10 : i32, message = "ep_copy_out"}> : () -> ()
          %rem3A_472 = arith.constant 2 : i32
          %rem3A_473 = arith.remui %scan3A_186, %rem3A_472 : i32
          %mul3A_474 = arith.constant 80 : i32
          %mul3A_475 = arith.muli %mul3A_474, %add3A_193 : i32
          %dma_start3A_476 = arith.constant 0 : i32
          %dma_start3A_477 = arith.constant 0 : i32
          %dma_start3A_478 = tpu.memref_slice %run_scoped3A_12[%rem3A_473, %dma_start3A_476, %dma_start3A_477] : memref<2x80x128xf32, #tpu.memory_space<vmem>> -> memref<1x80x128xf32, #tpu.memory_space<vmem>>
          %dma_start3A_479 = tpu.memref_squeeze %dma_start3A_478 : memref<1x80x128xf32, #tpu.memory_space<vmem>> -> memref<80x128xf32, #tpu.memory_space<vmem>>
          %dma_start3A_480 = arith.constant 0 : i32
          %dma_start3A_481 = tpu.memref_slice %arg7[%mul3A_475, %dma_start3A_480] : memref<320000x128xf32, #tpu.memory_space<hbm>> -> memref<80x128xf32, #tpu.memory_space<hbm>>
          %dma_start3A_482 = tpu.memref_slice %run_scoped3A_13[%rem3A_473] : memref<2x!tpu.dma_semaphore, #tpu.memory_space<semaphore_mem>> -> memref<1x!tpu.dma_semaphore, #tpu.memory_space<semaphore_mem>>
          %dma_start3A_483 = tpu.memref_squeeze %dma_start3A_482 : memref<1x!tpu.dma_semaphore, #tpu.memory_space<semaphore_mem>> -> memref<!tpu.dma_semaphore, #tpu.memory_space<semaphore_mem>>
          %dma_start3A_484 = arith.constant 0 : i32
          %dma_start3A_485 = tpu.memref_slice %arg7[%mul3A_475, %dma_start3A_484] : memref<320000x128xf32, #tpu.memory_space<hbm>> -> memref<80x128xf32, #tpu.memory_space<hbm>>
          %dma_start3A_486 = arith.constant 0 : i32
          %dma_start3A_487 = arith.constant 0 : i32
          %dma_start3A_488 = tpu.memref_slice %run_scoped3A_12[%rem3A_473, %dma_start3A_486, %dma_start3A_487] : memref<2x80x128xf32, #tpu.memory_space<vmem>> -> memref<1x80x128xf32, #tpu.memory_space<vmem>>
          %dma_start3A_489 = tpu.memref_squeeze %dma_start3A_488 : memref<1x80x128xf32, #tpu.memory_space<vmem>> -> memref<80x128xf32, #tpu.memory_space<vmem>>
          tpu.enqueue_dma source(%dma_start3A_489 : memref<80x128xf32, #tpu.memory_space<vmem>>) target(%dma_start3A_485 : memref<80x128xf32, #tpu.memory_space<hbm>>) target_semaphore(%dma_start3A_483 : memref<!tpu.dma_semaphore, #tpu.memory_space<semaphore_mem>>)
          "tpu.trace_stop"() : () -> ()
        } else {
        }
        %and3A_375 = arith.constant true
        %and3A_376 = arith.andi %or3A_371, %and3A_375 : i1
        %add3A_377 = arith.constant 1 : i32
        %add3A_378 = arith.addi %scan3A_186, %add3A_377 : i32
        %select_n3A_379 = arith.select %and3A_376, %add3A_378, %scan3A_186 : i32
        %ne3A_380 = arith.cmpi ne, %add3A_193, %add3A_202 : i32
        %or3A_381 = arith.constant false
        %or3A_382 = arith.ori %or3A_381, %ne3A_380 : i1
        %or3A_383 = arith.constant false
        %or3A_384 = arith.ori %or3A_382, %or3A_383 : i1
        %or3A_385 = arith.constant false
        %or3A_386 = arith.ori %or3A_384, %or3A_385 : i1
        %not3A_387 = arith.constant true
        %not3A_388 = arith.xori %eq3A_190, %not3A_387 : i1
        %and3A_389 = arith.andi %or3A_386, %not3A_388 : i1
        %convert_element_type3A_390 = arith.extui %and3A_389 : i1 to i32
        %cond3A_391 = arith.constant 0 : i32
        %cond3A_392 = arith.cmpi ne, %convert_element_type3A_390, %cond3A_391 : i32
        scf.if %cond3A_392 {
        } else {
        }
        %and3A_393 = arith.constant false
        %and3A_394 = arith.andi %and3A_389, %and3A_393 : i1
        %ne3A_395 = arith.cmpi ne, %add3A_193, %add3A_202 : i32
        %or3A_396 = arith.constant false
        %or3A_397 = arith.ori %or3A_396, %ne3A_395 : i1
        %or3A_398 = arith.constant false
        %or3A_399 = arith.ori %or3A_397, %or3A_398 : i1
        %or3A_400 = arith.constant false
        %or3A_401 = arith.ori %or3A_399, %or3A_400 : i1
        %not3A_402 = arith.constant true
        %not3A_403 = arith.xori %eq3A_190, %not3A_402 : i1
        %and3A_404 = arith.andi %or3A_401, %not3A_403 : i1
        %convert_element_type3A_405 = arith.extui %and3A_404 : i1 to i32
        %cond3A_406 = arith.constant 0 : i32
        %cond3A_407 = arith.cmpi ne, %convert_element_type3A_405, %cond3A_406 : i32
        scf.if %cond3A_407 {
        } else {
        }
        %and3A_408 = arith.constant false
        %and3A_409 = arith.andi %and3A_404, %and3A_408 : i1
        %ne3A_410 = arith.cmpi ne, %add3A_193, %add3A_202 : i32
        %or3A_411 = arith.constant false
        %or3A_412 = arith.ori %or3A_411, %ne3A_410 : i1
        %or3A_413 = arith.constant false
        %or3A_414 = arith.ori %or3A_412, %or3A_413 : i1
        %not3A_415 = arith.constant true
        %not3A_416 = arith.xori %eq3A_190, %not3A_415 : i1
        %and3A_417 = arith.andi %or3A_414, %not3A_416 : i1
        %convert_element_type3A_418 = arith.extui %and3A_417 : i1 to i32
        %cond3A_419 = arith.constant 0 : i32
        %cond3A_420 = arith.cmpi ne, %convert_element_type3A_418, %cond3A_419 : i32
        scf.if %cond3A_420 {
          "tpu.trace_start"() <{level = 10 : i32, message = "ep_wait_out"}> : () -> ()
          %rem3A_472 = arith.constant 2 : i32
          %rem3A_473 = arith.remui %scan3A_185, %rem3A_472 : i32
          %mul3A_474 = arith.constant 80 : i32
          %mul3A_475 = arith.muli %mul3A_474, %add3A_202 : i32
          %dma_wait3A_476 = arith.constant 0 : i32
          %dma_wait3A_477 = arith.constant 0 : i32
          %dma_wait3A_478 = tpu.memref_slice %run_scoped3A_10[%rem3A_473, %dma_wait3A_476, %dma_wait3A_477] : memref<2x80x128xf32, #tpu.memory_space<vmem>> -> memref<1x80x128xf32, #tpu.memory_space<vmem>>
          %dma_wait3A_479 = tpu.memref_squeeze %dma_wait3A_478 : memref<1x80x128xf32, #tpu.memory_space<vmem>> -> memref<80x128xf32, #tpu.memory_space<vmem>>
          %dma_wait3A_480 = arith.constant 0 : i32
          %dma_wait3A_481 = tpu.memref_slice %arg6[%mul3A_475, %dma_wait3A_480] : memref<320000x128xf32, #tpu.memory_space<hbm>> -> memref<80x128xf32, #tpu.memory_space<hbm>>
          %dma_wait3A_482 = tpu.memref_slice %run_scoped3A_11[%rem3A_473] : memref<2x!tpu.dma_semaphore, #tpu.memory_space<semaphore_mem>> -> memref<1x!tpu.dma_semaphore, #tpu.memory_space<semaphore_mem>>
          %dma_wait3A_483 = tpu.memref_squeeze %dma_wait3A_482 : memref<1x!tpu.dma_semaphore, #tpu.memory_space<semaphore_mem>> -> memref<!tpu.dma_semaphore, #tpu.memory_space<semaphore_mem>>
          %dma_wait3A_484 = arith.constant 0 : i32
          %dma_wait3A_485 = tpu.memref_slice %arg6[%mul3A_475, %dma_wait3A_484] : memref<320000x128xf32, #tpu.memory_space<hbm>> -> memref<80x128xf32, #tpu.memory_space<hbm>>
          %dma_wait3A_486 = arith.constant 0 : i32
          %dma_wait3A_487 = arith.constant 0 : i32
          %dma_wait3A_488 = tpu.memref_slice %run_scoped3A_10[%rem3A_473, %dma_wait3A_486, %dma_wait3A_487] : memref<2x80x128xf32, #tpu.memory_space<vmem>> -> memref<1x80x128xf32, #tpu.memory_space<vmem>>
          %dma_wait3A_489 = tpu.memref_squeeze %dma_wait3A_488 : memref<1x80x128xf32, #tpu.memory_space<vmem>> -> memref<80x128xf32, #tpu.memory_space<vmem>>
          tpu.wait_dma2 semaphore(%dma_wait3A_483 : memref<!tpu.dma_semaphore, #tpu.memory_space<semaphore_mem>>) src(%dma_wait3A_489 : memref<80x128xf32, #tpu.memory_space<vmem>>) dst(%dma_wait3A_485 : memref<80x128xf32, #tpu.memory_space<hbm>>)
          "tpu.trace_stop"() : () -> ()
        } else {
        }
        %and3A_421 = arith.constant true
        %and3A_422 = arith.andi %and3A_417, %and3A_421 : i1
        %add3A_423 = arith.constant 1 : i32
        %add3A_424 = arith.addi %scan3A_185, %add3A_423 : i32
        %select_n3A_425 = arith.select %and3A_422, %add3A_424, %scan3A_185 : i32
        %ne3A_426 = arith.cmpi ne, %add3A_193, %add3A_202 : i32
        %or3A_427 = arith.constant false
        %or3A_428 = arith.ori %or3A_427, %ne3A_426 : i1
        %or3A_429 = arith.constant false
        %or3A_430 = arith.ori %or3A_428, %or3A_429 : i1
        %not3A_431 = arith.constant true
        %not3A_432 = arith.xori %eq3A_190, %not3A_431 : i1
        %and3A_433 = arith.andi %or3A_430, %not3A_432 : i1
        %convert_element_type3A_434 = arith.extui %and3A_433 : i1 to i32
        %cond3A_435 = arith.constant 0 : i32
        %cond3A_436 = arith.cmpi ne, %convert_element_type3A_434, %cond3A_435 : i32
        scf.if %cond3A_436 {
          "tpu.trace_start"() <{level = 10 : i32, message = "ep_wait_out"}> : () -> ()
          %rem3A_472 = arith.constant 2 : i32
          %rem3A_473 = arith.remui %scan3A_187, %rem3A_472 : i32
          %mul3A_474 = arith.constant 80 : i32
          %mul3A_475 = arith.muli %mul3A_474, %add3A_202 : i32
          %dma_wait3A_476 = arith.constant 0 : i32
          %dma_wait3A_477 = arith.constant 0 : i32
          %dma_wait3A_478 = tpu.memref_slice %run_scoped3A_12[%rem3A_473, %dma_wait3A_476, %dma_wait3A_477] : memref<2x80x128xf32, #tpu.memory_space<vmem>> -> memref<1x80x128xf32, #tpu.memory_space<vmem>>
          %dma_wait3A_479 = tpu.memref_squeeze %dma_wait3A_478 : memref<1x80x128xf32, #tpu.memory_space<vmem>> -> memref<80x128xf32, #tpu.memory_space<vmem>>
          %dma_wait3A_480 = arith.constant 0 : i32
          %dma_wait3A_481 = tpu.memref_slice %arg7[%mul3A_475, %dma_wait3A_480] : memref<320000x128xf32, #tpu.memory_space<hbm>> -> memref<80x128xf32, #tpu.memory_space<hbm>>
          %dma_wait3A_482 = tpu.memref_slice %run_scoped3A_13[%rem3A_473] : memref<2x!tpu.dma_semaphore, #tpu.memory_space<semaphore_mem>> -> memref<1x!tpu.dma_semaphore, #tpu.memory_space<semaphore_mem>>
          %dma_wait3A_483 = tpu.memref_squeeze %dma_wait3A_482 : memref<1x!tpu.dma_semaphore, #tpu.memory_space<semaphore_mem>> -> memref<!tpu.dma_semaphore, #tpu.memory_space<semaphore_mem>>
          %dma_wait3A_484 = arith.constant 0 : i32
          %dma_wait3A_485 = tpu.memref_slice %arg7[%mul3A_475, %dma_wait3A_484] : memref<320000x128xf32, #tpu.memory_space<hbm>> -> memref<80x128xf32, #tpu.memory_space<hbm>>
          %dma_wait3A_486 = arith.constant 0 : i32
          %dma_wait3A_487 = arith.constant 0 : i32
          %dma_wait3A_488 = tpu.memref_slice %run_scoped3A_12[%rem3A_473, %dma_wait3A_486, %dma_wait3A_487] : memref<2x80x128xf32, #tpu.memory_space<vmem>> -> memref<1x80x128xf32, #tpu.memory_space<vmem>>
          %dma_wait3A_489 = tpu.memref_squeeze %dma_wait3A_488 : memref<1x80x128xf32, #tpu.memory_space<vmem>> -> memref<80x128xf32, #tpu.memory_space<vmem>>
          tpu.wait_dma2 semaphore(%dma_wait3A_483 : memref<!tpu.dma_semaphore, #tpu.memory_space<semaphore_mem>>) src(%dma_wait3A_489 : memref<80x128xf32, #tpu.memory_space<vmem>>) dst(%dma_wait3A_485 : memref<80x128xf32, #tpu.memory_space<hbm>>)
          "tpu.trace_stop"() : () -> ()
        } else {
        }
        %and3A_437 = arith.constant true
        %and3A_438 = arith.andi %and3A_433, %and3A_437 : i1
        %add3A_439 = arith.constant 1 : i32
        %add3A_440 = arith.addi %scan3A_187, %add3A_439 : i32
        %select_n3A_441 = arith.select %and3A_438, %add3A_440, %scan3A_187 : i32
        %ne3A_442 = arith.cmpi ne, %add3A_193, %add3A_211 : i32
        %or3A_443 = arith.constant false
        %or3A_444 = arith.ori %or3A_443, %ne3A_442 : i1
        %or3A_445 = arith.constant false
        %or3A_446 = arith.ori %or3A_444, %or3A_445 : i1
        %or3A_447 = arith.constant false
        %or3A_448 = arith.ori %or3A_446, %or3A_447 : i1
        %or3A_449 = arith.ori %or3A_448, %eq3A_192 : i1
        %add3A_450 = arith.constant 1 : i32
        %add3A_451 = arith.addi %scan3A_181, %add3A_450 : i32
        %select_n3A_452 = arith.select %or3A_449, %add3A_451, %scan3A_181 : i32
        %ne3A_453 = arith.cmpi ne, %add3A_193, %add3A_211 : i32
        %or3A_454 = arith.constant false
        %or3A_455 = arith.ori %or3A_454, %ne3A_453 : i1
        %or3A_456 = arith.constant false
        %or3A_457 = arith.ori %or3A_455, %or3A_456 : i1
        %or3A_458 = arith.constant false
        %or3A_459 = arith.ori %or3A_457, %or3A_458 : i1
        %or3A_460 = arith.ori %or3A_459, %eq3A_192 : i1
        %add3A_461 = arith.constant 1 : i32
        %add3A_462 = arith.addi %scan3A_183, %add3A_461 : i32
        %select_n3A_463 = arith.select %or3A_460, %add3A_462, %scan3A_183 : i32
        %add3A_464 = arith.constant 1 : i32
        %add3A_465 = arith.addi %scan3A_188, %add3A_464 : i32
        %select_n3A_466 = arith.constant true
        %select_n3A_467 = arith.select %select_n3A_466, %add3A_465, %scan3A_188 : i32
        %eq3A_468 = arith.constant 125 : i32
        %eq3A_469 = arith.cmpi eq, %select_n3A_467, %eq3A_468 : i32
        %select_n3A_470 = arith.constant 0 : i32
        %select_n3A_471 = arith.select %eq3A_469, %select_n3A_470, %select_n3A_467 : i32
        scf.yield %select_n3A_233, %select_n3A_452, %select_n3A_253, %select_n3A_463, %select_n3A_365, %select_n3A_425, %select_n3A_379, %select_n3A_441, %select_n3A_471 : i32, i32, i32, i32, i32, i32, i32, i32, i32
      }
      %scan3A_108 = arith.constant 125 : i32
      %sub3A = arith.constant 1 : i32
      %sub3A_109 = arith.subi %scan3A_107#8, %sub3A : i32
      %select_n3A_110 = arith.constant true
      %select_n3A_111 = arith.select %select_n3A_110, %sub3A_109, %scan3A_107#8 : i32
      %eq3A_112 = arith.constant -1 : i32
      %eq3A_113 = arith.cmpi eq, %select_n3A_111, %eq3A_112 : i32
      %select_n3A_114 = arith.constant 124 : i32
      %select_n3A_115 = arith.select %eq3A_113, %select_n3A_114, %select_n3A_111 : i32
      %add3A_116 = arith.addi %select_n3A_115, %mul3A_6 : i32
      %sub3A_117 = arith.constant 1 : i32
      %sub3A_118 = arith.subi %select_n3A_115, %sub3A_117 : i32
      %select_n3A_119 = arith.constant true
      %select_n3A_120 = arith.select %select_n3A_119, %sub3A_118, %select_n3A_115 : i32
      %eq3A_121 = arith.constant -1 : i32
      %eq3A_122 = arith.cmpi eq, %select_n3A_120, %eq3A_121 : i32
      %select_n3A_123 = arith.constant 124 : i32
      %select_n3A_124 = arith.select %eq3A_122, %select_n3A_123, %select_n3A_120 : i32
      %add3A_125 = arith.addi %select_n3A_124, %mul3A_6 : i32
      %add3A_126 = arith.constant 1 : i32
      %add3A_127 = arith.addi %select_n3A_115, %add3A_126 : i32
      %select_n3A_128 = arith.constant true
      %select_n3A_129 = arith.select %select_n3A_128, %add3A_127, %select_n3A_115 : i32
      %eq3A_130 = arith.constant 125 : i32
      %eq3A_131 = arith.cmpi eq, %select_n3A_129, %eq3A_130 : i32
      %select_n3A_132 = arith.constant 0 : i32
      %select_n3A_133 = arith.select %eq3A_131, %select_n3A_132, %select_n3A_129 : i32
      %add3A_134 = arith.addi %select_n3A_133, %mul3A_6 : i32
      %add3A_135 = arith.constant 1 : i32
      %add3A_136 = arith.addi %select_n3A_133, %add3A_135 : i32
      %select_n3A_137 = arith.constant true
      %select_n3A_138 = arith.select %select_n3A_137, %add3A_136, %select_n3A_133 : i32
      %eq3A_139 = arith.constant 125 : i32
      %eq3A_140 = arith.cmpi eq, %select_n3A_138, %eq3A_139 : i32
      %select_n3A_141 = arith.constant 0 : i32
      %select_n3A_142 = arith.select %eq3A_140, %select_n3A_141, %select_n3A_138 : i32
      %add3A_143 = arith.addi %select_n3A_142, %mul3A_6 : i32
      "tpu.trace_start"() <{level = 10 : i32, message = "ep_finalize"}> : () -> ()
      %rem3A_144 = arith.constant 2 : i32
      %rem3A_145 = arith.remui %scan3A_107#5, %rem3A_144 : i32
      %mul3A_146 = arith.constant 80 : i32
      %mul3A_147 = arith.muli %mul3A_146, %add3A_116 : i32
      %dma_wait3A = arith.constant 0 : i32
      %dma_wait3A_148 = arith.constant 0 : i32
      %dma_wait3A_149 = tpu.memref_slice %run_scoped3A_10[%rem3A_145, %dma_wait3A, %dma_wait3A_148] : memref<2x80x128xf32, #tpu.memory_space<vmem>> -> memref<1x80x128xf32, #tpu.memory_space<vmem>>
      %dma_wait3A_150 = tpu.memref_squeeze %dma_wait3A_149 : memref<1x80x128xf32, #tpu.memory_space<vmem>> -> memref<80x128xf32, #tpu.memory_space<vmem>>
      %dma_wait3A_151 = arith.constant 0 : i32
      %dma_wait3A_152 = tpu.memref_slice %arg6[%mul3A_147, %dma_wait3A_151] : memref<320000x128xf32, #tpu.memory_space<hbm>> -> memref<80x128xf32, #tpu.memory_space<hbm>>
      %dma_wait3A_153 = tpu.memref_slice %run_scoped3A_11[%rem3A_145] : memref<2x!tpu.dma_semaphore, #tpu.memory_space<semaphore_mem>> -> memref<1x!tpu.dma_semaphore, #tpu.memory_space<semaphore_mem>>
      %dma_wait3A_154 = tpu.memref_squeeze %dma_wait3A_153 : memref<1x!tpu.dma_semaphore, #tpu.memory_space<semaphore_mem>> -> memref<!tpu.dma_semaphore, #tpu.memory_space<semaphore_mem>>
      %dma_wait3A_155 = arith.constant 0 : i32
      %dma_wait3A_156 = tpu.memref_slice %arg6[%mul3A_147, %dma_wait3A_155] : memref<320000x128xf32, #tpu.memory_space<hbm>> -> memref<80x128xf32, #tpu.memory_space<hbm>>
      %dma_wait3A_157 = arith.constant 0 : i32
      %dma_wait3A_158 = arith.constant 0 : i32
      %dma_wait3A_159 = tpu.memref_slice %run_scoped3A_10[%rem3A_145, %dma_wait3A_157, %dma_wait3A_158] : memref<2x80x128xf32, #tpu.memory_space<vmem>> -> memref<1x80x128xf32, #tpu.memory_space<vmem>>
      %dma_wait3A_160 = tpu.memref_squeeze %dma_wait3A_159 : memref<1x80x128xf32, #tpu.memory_space<vmem>> -> memref<80x128xf32, #tpu.memory_space<vmem>>
      tpu.wait_dma2 semaphore(%dma_wait3A_154 : memref<!tpu.dma_semaphore, #tpu.memory_space<semaphore_mem>>) src(%dma_wait3A_160 : memref<80x128xf32, #tpu.memory_space<vmem>>) dst(%dma_wait3A_156 : memref<80x128xf32, #tpu.memory_space<hbm>>)
      %rem3A_161 = arith.constant 2 : i32
      %rem3A_162 = arith.remui %scan3A_107#7, %rem3A_161 : i32
      %mul3A_163 = arith.constant 80 : i32
      %mul3A_164 = arith.muli %mul3A_163, %add3A_116 : i32
      %dma_wait3A_165 = arith.constant 0 : i32
      %dma_wait3A_166 = arith.constant 0 : i32
      %dma_wait3A_167 = tpu.memref_slice %run_scoped3A_12[%rem3A_162, %dma_wait3A_165, %dma_wait3A_166] : memref<2x80x128xf32, #tpu.memory_space<vmem>> -> memref<1x80x128xf32, #tpu.memory_space<vmem>>
      %dma_wait3A_168 = tpu.memref_squeeze %dma_wait3A_167 : memref<1x80x128xf32, #tpu.memory_space<vmem>> -> memref<80x128xf32, #tpu.memory_space<vmem>>
      %dma_wait3A_169 = arith.constant 0 : i32
      %dma_wait3A_170 = tpu.memref_slice %arg7[%mul3A_164, %dma_wait3A_169] : memref<320000x128xf32, #tpu.memory_space<hbm>> -> memref<80x128xf32, #tpu.memory_space<hbm>>
      %dma_wait3A_171 = tpu.memref_slice %run_scoped3A_13[%rem3A_162] : memref<2x!tpu.dma_semaphore, #tpu.memory_space<semaphore_mem>> -> memref<1x!tpu.dma_semaphore, #tpu.memory_space<semaphore_mem>>
      %dma_wait3A_172 = tpu.memref_squeeze %dma_wait3A_171 : memref<1x!tpu.dma_semaphore, #tpu.memory_space<semaphore_mem>> -> memref<!tpu.dma_semaphore, #tpu.memory_space<semaphore_mem>>
      %dma_wait3A_173 = arith.constant 0 : i32
      %dma_wait3A_174 = tpu.memref_slice %arg7[%mul3A_164, %dma_wait3A_173] : memref<320000x128xf32, #tpu.memory_space<hbm>> -> memref<80x128xf32, #tpu.memory_space<hbm>>
      %dma_wait3A_175 = arith.constant 0 : i32
      %dma_wait3A_176 = arith.constant 0 : i32
      %dma_wait3A_177 = tpu.memref_slice %run_scoped3A_12[%rem3A_162, %dma_wait3A_175, %dma_wait3A_176] : memref<2x80x128xf32, #tpu.memory_space<vmem>> -> memref<1x80x128xf32, #tpu.memory_space<vmem>>
      %dma_wait3A_178 = tpu.memref_squeeze %dma_wait3A_177 : memref<1x80x128xf32, #tpu.memory_space<vmem>> -> memref<80x128xf32, #tpu.memory_space<vmem>>
      tpu.wait_dma2 semaphore(%dma_wait3A_172 : memref<!tpu.dma_semaphore, #tpu.memory_space<semaphore_mem>>) src(%dma_wait3A_178 : memref<80x128xf32, #tpu.memory_space<vmem>>) dst(%dma_wait3A_174 : memref<80x128xf32, #tpu.memory_space<hbm>>)
      "tpu.trace_stop"() : () -> ()
      tpu.yield
    }) : () -> ()
    return
  }
}

module attributes {stable_mosaic.version = 14 : i64} {
  func.func @_proj_body(%arg0: i32, %arg1: memref<2000x128xf32, #tpu.memory_space<vmem>>, %arg2: memref<128x128xf32, #tpu.memory_space<vmem>>, %arg3: memref<128x128xf32, #tpu.memory_space<vmem>>, %arg4: memref<1x128xf32, #tpu.memory_space<vmem>>, %arg5: memref<2000x128xf32, #tpu.memory_space<vmem>>, %arg6: memref<2000x128xf32, #tpu.memory_space<vmem>>) attributes {dimension_semantics = [#tpu.dimension_semantics<arbitrary>], iteration_bounds = array<i64: 5>, scalar_prefetch = 0 : i64, scratch_operands = 0 : i64, tpu.core_type = #tpu.core_type<tc>, window_params = [{transform_indices = @transform_0, window_bounds = array<i64: 2000, 128>}, {pipeline_mode = #tpu.pipeline_mode<synchronous>, transform_indices = @transform_1, window_bounds = array<i64: 128, 128>}, {pipeline_mode = #tpu.pipeline_mode<synchronous>, transform_indices = @transform_2, window_bounds = array<i64: 128, 128>}, {pipeline_mode = #tpu.pipeline_mode<synchronous>, transform_indices = @transform_3, window_bounds = array<i64: 1, 128>}, {transform_indices = @transform_4, window_bounds = array<i64: 2000, 128>}, {transform_indices = @transform_5, window_bounds = array<i64: 2000, 128>}]} {
    %get3A = arith.constant 0 : index
    %get3A_0 = arith.constant 0 : index
    %get3A_1 = vector.load %arg1[%get3A, %get3A_0] : memref<2000x128xf32, #tpu.memory_space<vmem>>, vector<2000x128xf32>
    %get3A_2 = arith.constant 0 : index
    %get3A_3 = arith.constant 0 : index
    %get3A_4 = vector.load %arg2[%get3A_2, %get3A_3] : memref<128x128xf32, #tpu.memory_space<vmem>>, vector<128x128xf32>
    %dot_general3A = arith.constant dense<0.000000e+00> : vector<2000x128xf32>
    %dot_general3A_5 = tpu.matmul %get3A_1, %get3A_4, %dot_general3A {dimension_numbers = #tpu.dot_dimension_numbers<[1], [0], [0], [1], [0, 0, 1, 1], [], []>, transpose_lhs_hint = false} : vector<2000x128xf32>, vector<128x128xf32>, vector<2000x128xf32> -> vector<2000x128xf32>
    %swap3A = arith.constant 0 : index
    %swap3A_6 = arith.constant 0 : index
    %swap3A_7 = vector.load %arg5[%swap3A, %swap3A_6] : memref<2000x128xf32, #tpu.memory_space<vmem>>, vector<2000x128xf32>
    tpu.vector_store %arg5[%swap3A, %swap3A_6], %dot_general3A_5 {strides = array<i32>} : memref<2000x128xf32, #tpu.memory_space<vmem>>, vector<2000x128xf32>,
    %get3A_8 = arith.constant 0 : index
    %get3A_9 = arith.constant 0 : index
    %get3A_10 = vector.load %arg3[%get3A_8, %get3A_9] : memref<128x128xf32, #tpu.memory_space<vmem>>, vector<128x128xf32>
    %dot_general3A_11 = arith.constant dense<0.000000e+00> : vector<2000x128xf32>
    %dot_general3A_12 = tpu.matmul %get3A_1, %get3A_10, %dot_general3A_11 {dimension_numbers = #tpu.dot_dimension_numbers<[1], [0], [0], [1], [0, 0, 1, 1], [], []>, transpose_lhs_hint = false} : vector<2000x128xf32>, vector<128x128xf32>, vector<2000x128xf32> -> vector<2000x128xf32>
    %get3A_13 = arith.constant 0 : index
    %get3A_14 = arith.constant 0 : index
    %get3A_15 = vector.load %arg4[%get3A_13, %get3A_14] : memref<1x128xf32, #tpu.memory_space<vmem>>, vector<1x128xf32>
    %add3A = vector.broadcast %get3A_15 : vector<1x128xf32> to vector<2000x128xf32>
    %add3A_16 = arith.addf %dot_general3A_12, %add3A : vector<2000x128xf32>
    %swap3A_17 = arith.constant 0 : index
    %swap3A_18 = arith.constant 0 : index
    %swap3A_19 = vector.load %arg6[%swap3A_17, %swap3A_18] : memref<2000x128xf32, #tpu.memory_space<vmem>>, vector<2000x128xf32>
    tpu.vector_store %arg6[%swap3A_17, %swap3A_18], %add3A_16 {strides = array<i32>} : memref<2000x128xf32, #tpu.memory_space<vmem>>, vector<2000x128xf32>,
    return
  }
  func.func @transform_0(%arg0: i32) -> (i32, i32) {
    %c0_i32 = arith.constant 0 : i32
    %c0_i32_0 = arith.constant 0 : i32
    return %arg0, %c0_i32 : i32, i32
  }
  func.func @transform_1(%arg0: i32) -> (i32, i32) {
    %c0_i32 = arith.constant 0 : i32
    %c0_i32_0 = arith.constant 0 : i32
    %c0_i32_1 = arith.constant 0 : i32
    return %c0_i32, %c0_i32_0 : i32, i32
  }
  func.func @transform_2(%arg0: i32) -> (i32, i32) {
    %c0_i32 = arith.constant 0 : i32
    %c0_i32_0 = arith.constant 0 : i32
    %c0_i32_1 = arith.constant 0 : i32
    return %c0_i32, %c0_i32_0 : i32, i32
  }
  func.func @transform_3(%arg0: i32) -> (i32, i32) {
    %c0_i32 = arith.constant 0 : i32
    %c0_i32_0 = arith.constant 0 : i32
    %c0_i32_1 = arith.constant 0 : i32
    return %c0_i32, %c0_i32_0 : i32, i32
  }
  func.func @transform_4(%arg0: i32) -> (i32, i32) {
    %c0_i32 = arith.constant 0 : i32
    %c0_i32_0 = arith.constant 0 : i32
    return %arg0, %c0_i32 : i32, i32
  }
  func.func @transform_5(%arg0: i32) -> (i32, i32) {
    %c0_i32 = arith.constant 0 : i32
    %c0_i32_0 = arith.constant 0 : i32
    return %arg0, %c0_i32 : i32, i32
  }
}

module attributes {stable_mosaic.version = 14 : i64} {
  func.func @_edge_body(%arg0: i32, %arg1: memref<1280x128xf32, #tpu.memory_space<vmem>>, %arg2: memref<1280x128xf32, #tpu.memory_space<vmem>>, %arg3: memref<1280x128xf32, #tpu.memory_space<vmem>>, %arg4: memref<1280x16xf32, #tpu.memory_space<vmem>>, %arg5: memref<1280x1xi32, #tpu.memory_space<vmem>>, %arg6: memref<128x128xbf16, #tpu.memory_space<vmem>>, %arg7: memref<128x128xbf16, #tpu.memory_space<vmem>>, %arg8: memref<128x128xbf16, #tpu.memory_space<vmem>>, %arg9: memref<1x128xf32, #tpu.memory_space<vmem>>, %arg10: memref<1x128xf32, #tpu.memory_space<vmem>>, %arg11: memref<1x128xf32, #tpu.memory_space<vmem>>, %arg12: memref<1x128xf32, #tpu.memory_space<vmem>>, %arg13: memref<1280x128xf32, #tpu.memory_space<vmem>>, %arg14: memref<1280x128xf32, #tpu.memory_space<vmem>>, %arg15: memref<1280x128xf32, #tpu.memory_space<vmem>>) attributes {dimension_semantics = [#tpu.dimension_semantics<arbitrary>], iteration_bounds = array<i64: 250>, scalar_prefetch = 0 : i64, scratch_operands = 0 : i64, tpu.core_type = #tpu.core_type<tc>, window_params = [{transform_indices = @transform_0, window_bounds = array<i64: 1280, 128>}, {transform_indices = @transform_1, window_bounds = array<i64: 1280, 128>}, {transform_indices = @transform_2, window_bounds = array<i64: 1280, 128>}, {transform_indices = @transform_3, window_bounds = array<i64: 1280, 16>}, {transform_indices = @transform_4, window_bounds = array<i64: 1280, 1>}, {pipeline_mode = #tpu.pipeline_mode<synchronous>, transform_indices = @transform_5, window_bounds = array<i64: 128, 128>}, {pipeline_mode = #tpu.pipeline_mode<synchronous>, transform_indices = @transform_6, window_bounds = array<i64: 128, 128>}, {pipeline_mode = #tpu.pipeline_mode<synchronous>, transform_indices = @transform_7, window_bounds = array<i64: 128, 128>}, {pipeline_mode = #tpu.pipeline_mode<synchronous>, transform_indices = @transform_8, window_bounds = array<i64: 1, 128>}, {pipeline_mode = #tpu.pipeline_mode<synchronous>, transform_indices = @transform_9, window_bounds = array<i64: 1, 128>}, {pipeline_mode = #tpu.pipeline_mode<synchronous>, transform_indices = @transform_10, window_bounds = array<i64: 1, 128>}, {pipeline_mode = #tpu.pipeline_mode<synchronous>, transform_indices = @transform_11, window_bounds = array<i64: 1, 128>}, {transform_indices = @transform_12, window_bounds = array<i64: 1280, 128>}, {transform_indices = @transform_13, window_bounds = array<i64: 1280, 128>}, {transform_indices = @transform_14, window_bounds = array<i64: 1280, 128>}]} {
    %get3A = arith.constant 0 : index
    %get3A_0 = arith.constant 0 : index
    %get3A_1 = vector.load %arg1[%get3A, %get3A_0] : memref<1280x128xf32, #tpu.memory_space<vmem>>, vector<1280x128xf32>
    %get3A_2 = arith.constant 0 : index
    %get3A_3 = arith.constant 0 : index
    %get3A_4 = vector.load %arg2[%get3A_2, %get3A_3] : memref<1280x128xf32, #tpu.memory_space<vmem>>, vector<1280x128xf32>
    %get3A_5 = arith.constant 0 : index
    %get3A_6 = arith.constant 0 : index
    %get3A_7 = vector.load %arg3[%get3A_5, %get3A_6] : memref<1280x128xf32, #tpu.memory_space<vmem>>, vector<1280x128xf32>
    %get3A_8 = arith.constant 0 : index
    %get3A_9 = arith.constant 0 : index
    %get3A_10 = vector.load %arg4[%get3A_8, %get3A_9] : memref<1280x16xf32, #tpu.memory_space<vmem>>, vector<1280x16xf32>
    %slice3A = vector.extract_strided_slice %get3A_10 {offsets = [0, 3], sizes = [1280, 1], strides = [1, 1]} : vector<1280x16xf32> to vector<1280x1xf32>
    %add3A = arith.addf %get3A_1, %get3A_4 : vector<1280x128xf32>
    %convert_element_type3A = arith.truncf %get3A_7 : vector<1280x128xf32> to vector<1280x128xbf16>
    %get3A_11 = arith.constant 0 : index
    %get3A_12 = arith.constant 0 : index
    %get3A_13 = vector.load %arg6[%get3A_11, %get3A_12] : memref<128x128xbf16, #tpu.memory_space<vmem>>, vector<128x128xbf16>
    %dot_general3A = arith.constant dense<0.000000e+00> : vector<1280x128xf32>
    %dot_general3A_14 = tpu.matmul %convert_element_type3A, %get3A_13, %dot_general3A {dimension_numbers = #tpu.dot_dimension_numbers<[1], [0], [0], [1], [0, 0, 1, 1], [], []>, transpose_lhs_hint = false} : vector<1280x128xbf16>, vector<128x128xbf16>, vector<1280x128xf32> -> vector<1280x128xf32>
    %add3A_15 = arith.addf %add3A, %dot_general3A_14 : vector<1280x128xf32>
    %get3A_16 = arith.constant 0 : index
    %get3A_17 = arith.constant 0 : index
    %get3A_18 = vector.load %arg10[%get3A_16, %get3A_17] : memref<1x128xf32, #tpu.memory_space<vmem>>, vector<1x128xf32>
    %mul3A = vector.broadcast %slice3A : vector<1280x1xf32> to vector<1280x128xf32>
    %mul3A_19 = vector.broadcast %get3A_18 : vector<1x128xf32> to vector<1280x128xf32>
    %mul3A_20 = arith.mulf %mul3A, %mul3A_19 : vector<1280x128xf32>
    %add3A_21 = arith.addf %add3A_15, %mul3A_20 : vector<1280x128xf32>
    %logistic3A = arith.negf %add3A_21 : vector<1280x128xf32>
    %logistic3A_22 = math.exp %logistic3A : vector<1280x128xf32>
    %logistic3A_23 = arith.constant 1.000000e+00 : f32
    %logistic3A_24 = vector.broadcast %logistic3A_23 : f32 to vector<1280x128xf32>
    %logistic3A_25 = arith.addf %logistic3A_24, %logistic3A_22 : vector<1280x128xf32>
    %logistic3A_26 = arith.divf %logistic3A_24, %logistic3A_25 : vector<1280x128xf32>
    %mul3A_27 = arith.mulf %add3A_21, %logistic3A_26 : vector<1280x128xf32>
    %convert_element_type3A_28 = arith.truncf %mul3A_27 : vector<1280x128xf32> to vector<1280x128xbf16>
    %get3A_29 = arith.constant 0 : index
    %get3A_30 = arith.constant 0 : index
    %get3A_31 = vector.load %arg7[%get3A_29, %get3A_30] : memref<128x128xbf16, #tpu.memory_space<vmem>>, vector<128x128xbf16>
    %dot_general3A_32 = arith.constant dense<0.000000e+00> : vector<1280x128xf32>
    %dot_general3A_33 = tpu.matmul %convert_element_type3A_28, %get3A_31, %dot_general3A_32 {dimension_numbers = #tpu.dot_dimension_numbers<[1], [0], [0], [1], [0, 0, 1, 1], [], []>, transpose_lhs_hint = false} : vector<1280x128xbf16>, vector<128x128xbf16>, vector<1280x128xf32> -> vector<1280x128xf32>
    %get3A_34 = arith.constant 0 : index
    %get3A_35 = arith.constant 0 : index
    %get3A_36 = vector.load %arg11[%get3A_34, %get3A_35] : memref<1x128xf32, #tpu.memory_space<vmem>>, vector<1x128xf32>
    %add3A_37 = vector.broadcast %get3A_36 : vector<1x128xf32> to vector<1280x128xf32>
    %add3A_38 = arith.addf %dot_general3A_33, %add3A_37 : vector<1280x128xf32>
    %logistic3A_39 = arith.negf %add3A_38 : vector<1280x128xf32>
    %logistic3A_40 = math.exp %logistic3A_39 : vector<1280x128xf32>
    %logistic3A_41 = arith.constant 1.000000e+00 : f32
    %logistic3A_42 = vector.broadcast %logistic3A_41 : f32 to vector<1280x128xf32>
    %logistic3A_43 = arith.addf %logistic3A_42, %logistic3A_40 : vector<1280x128xf32>
    %logistic3A_44 = arith.divf %logistic3A_42, %logistic3A_43 : vector<1280x128xf32>
    %mul3A_45 = arith.mulf %add3A_38, %logistic3A_44 : vector<1280x128xf32>
    %swap3A = arith.constant 0 : index
    %swap3A_46 = arith.constant 0 : index
    %swap3A_47 = vector.load %arg13[%swap3A, %swap3A_46] : memref<1280x128xf32, #tpu.memory_space<vmem>>, vector<1280x128xf32>
    tpu.vector_store %arg13[%swap3A, %swap3A_46], %mul3A_45 {strides = array<i32>} : memref<1280x128xf32, #tpu.memory_space<vmem>>, vector<1280x128xf32>,
    %convert_element_type3A_48 = arith.truncf %mul3A_45 : vector<1280x128xf32> to vector<1280x128xbf16>
    %get3A_49 = arith.constant 0 : index
    %get3A_50 = arith.constant 0 : index
    %get3A_51 = vector.load %arg8[%get3A_49, %get3A_50] : memref<128x128xbf16, #tpu.memory_space<vmem>>, vector<128x128xbf16>
    %dot_general3A_52 = arith.constant dense<0.000000e+00> : vector<1280x128xf32>
    %dot_general3A_53 = tpu.matmul %convert_element_type3A_48, %get3A_51, %dot_general3A_52 {dimension_numbers = #tpu.dot_dimension_numbers<[1], [0], [0], [1], [0, 0, 1, 1], [], []>, transpose_lhs_hint = false} : vector<1280x128xbf16>, vector<128x128xbf16>, vector<1280x128xf32> -> vector<1280x128xf32>
    %get3A_54 = arith.constant 0 : index
    %get3A_55 = arith.constant 0 : index
    %get3A_56 = vector.load %arg12[%get3A_54, %get3A_55] : memref<1x128xf32, #tpu.memory_space<vmem>>, vector<1x128xf32>
    %add3A_57 = vector.broadcast %get3A_56 : vector<1x128xf32> to vector<1280x128xf32>
    %add3A_58 = arith.addf %dot_general3A_53, %add3A_57 : vector<1280x128xf32>
    %logistic3A_59 = arith.negf %add3A_58 : vector<1280x128xf32>
    %logistic3A_60 = math.exp %logistic3A_59 : vector<1280x128xf32>
    %logistic3A_61 = arith.constant 1.000000e+00 : f32
    %logistic3A_62 = vector.broadcast %logistic3A_61 : f32 to vector<1280x128xf32>
    %logistic3A_63 = arith.addf %logistic3A_62, %logistic3A_60 : vector<1280x128xf32>
    %logistic3A_64 = arith.divf %logistic3A_62, %logistic3A_63 : vector<1280x128xf32>
    %mul3A_65 = arith.mulf %add3A_58, %logistic3A_64 : vector<1280x128xf32>
    %add3A_66 = arith.addf %get3A_7, %mul3A_65 : vector<1280x128xf32>
    %swap3A_67 = arith.constant 0 : index
    %swap3A_68 = arith.constant 0 : index
    %swap3A_69 = vector.load %arg14[%swap3A_67, %swap3A_68] : memref<1280x128xf32, #tpu.memory_space<vmem>>, vector<1280x128xf32>
    tpu.vector_store %arg14[%swap3A_67, %swap3A_68], %add3A_66 {strides = array<i32>} : memref<1280x128xf32, #tpu.memory_space<vmem>>, vector<1280x128xf32>,
    %get3A_70 = arith.constant 0 : index
    %get3A_71 = arith.constant 0 : index
    %get3A_72 = vector.load %arg9[%get3A_70, %get3A_71] : memref<1x128xf32, #tpu.memory_space<vmem>>, vector<1x128xf32>
    %mul3A_73 = vector.broadcast %get3A_72 : vector<1x128xf32> to vector<1280x128xf32>
    %mul3A_74 = arith.mulf %mul3A_45, %mul3A_73 : vector<1280x128xf32>
    %reduce_sum3A = arith.constant dense<0.000000e+00> : vector<1280xf32>
    %reduce_sum3A_75 = vector.multi_reduction <add>, %mul3A_74, %reduce_sum3A [1] : vector<1280x128xf32> to vector<1280xf32>
    %broadcast_in_dim3A = vector.shape_cast %reduce_sum3A_75 : vector<1280xf32> to vector<1280x1xf32>
    %tanh3A = math.tanh %broadcast_in_dim3A : vector<1280x1xf32>
    %iota3A = tpu.iota {dimensions = array<i32: 1>} : vector<1280x128xi32>
    %jit3A = arith.constant 16 : i32
    %eq3A = arith.constant 0 : i32
    %eq3A_76 = arith.cmpi eq, %jit3A, %eq3A : i32
    %jit3A_77 = arith.constant 1 : i32
    %select_n3A = arith.select %eq3A_76, %jit3A_77, %jit3A : i32
    %rem3A = vector.broadcast %select_n3A : i32 to vector<1280x128xi32>
    %rem3A_78 = arith.remsi %iota3A, %rem3A : vector<1280x128xi32>
    %ne3A = arith.constant 0 : i32
    %ne3A_79 = vector.broadcast %ne3A : i32 to vector<1280x128xi32>
    %ne3A_80 = arith.cmpi ne, %rem3A_78, %ne3A_79 : vector<1280x128xi32>
    %lt3A = arith.constant 0 : i32
    %lt3A_81 = vector.broadcast %lt3A : i32 to vector<1280x128xi32>
    %lt3A_82 = arith.cmpi slt, %rem3A_78, %lt3A_81 : vector<1280x128xi32>
    %lt3A_83 = arith.constant 0 : i32
    %lt3A_84 = arith.cmpi slt, %select_n3A, %lt3A_83 : i32
    %ne3A_85 = vector.broadcast %lt3A_84 : i1 to vector<1280x128xi1>
    %ne3A_86 = vector.broadcast %ne3A_85 : vector<1280x128xi1> to vector<1280x128xi1>
    %ne3A_87 = arith.xori %lt3A_82, %ne3A_86 : vector<1280x128xi1>
    %and3A = arith.andi %ne3A_87, %ne3A_80 : vector<1280x128xi1>
    %add3A_88 = vector.broadcast %select_n3A : i32 to vector<1280x128xi32>
    %add3A_89 = arith.addi %rem3A_78, %add3A_88 : vector<1280x128xi32>
    %select_n3A_90 = arith.select %and3A, %add3A_89, %rem3A_78 : vector<1280x128xi1>, vector<1280x128xi32>
    %jit3A_91 = arith.constant 16 : i32
    %div3A = vector.broadcast %jit3A_91 : i32 to vector<1280x128xi32>
    %div3A_92 = arith.divsi %iota3A, %div3A : vector<1280x128xi32>
    %sign3A = arith.constant 0 : i32
    %sign3A_93 = vector.broadcast %sign3A : i32 to vector<1280x128xi32>
    %sign3A_94 = arith.cmpi sgt, %iota3A, %sign3A_93 : vector<1280x128xi32>
    %sign3A_95 = arith.extui %sign3A_94 : vector<1280x128xi1> to vector<1280x128xi32>
    %sign3A_96 = arith.constant 0 : i32
    %sign3A_97 = vector.broadcast %sign3A_96 : i32 to vector<1280x128xi32>
    %sign3A_98 = arith.cmpi slt, %iota3A, %sign3A_97 : vector<1280x128xi32>
    %sign3A_99 = arith.extui %sign3A_98 : vector<1280x128xi1> to vector<1280x128xi32>
    %sign3A_100 = arith.subi %sign3A_95, %sign3A_99 : vector<1280x128xi32>
    %sign3A_101 = arith.constant 0 : i32
    %sign3A_102 = arith.cmpi sgt, %jit3A_91, %sign3A_101 : i32
    %sign3A_103 = arith.extui %sign3A_102 : i1 to i32
    %sign3A_104 = arith.constant 0 : i32
    %sign3A_105 = arith.cmpi slt, %jit3A_91, %sign3A_104 : i32
    %sign3A_106 = arith.extui %sign3A_105 : i1 to i32
    %sign3A_107 = arith.subi %sign3A_103, %sign3A_106 : i32
    %ne3A_108 = vector.broadcast %sign3A_107 : i32 to vector<1280x128xi32>
    %ne3A_109 = arith.cmpi ne, %sign3A_100, %ne3A_108 : vector<1280x128xi32>
    %rem3A_110 = vector.broadcast %jit3A_91 : i32 to vector<1280x128xi32>
    %rem3A_111 = arith.remsi %iota3A, %rem3A_110 : vector<1280x128xi32>
    %ne3A_112 = arith.constant 0 : i32
    %ne3A_113 = vector.broadcast %ne3A_112 : i32 to vector<1280x128xi32>
    %ne3A_114 = arith.cmpi ne, %rem3A_111, %ne3A_113 : vector<1280x128xi32>
    %and3A_115 = arith.andi %ne3A_109, %ne3A_114 : vector<1280x128xi1>
    %sub3A = arith.constant 1 : i32
    %sub3A_116 = vector.broadcast %sub3A : i32 to vector<1280x128xi32>
    %sub3A_117 = arith.subi %div3A_92, %sub3A_116 : vector<1280x128xi32>
    %select_n3A_118 = arith.select %and3A_115, %sub3A_117, %div3A_92 : vector<1280x128xi1>, vector<1280x128xi32>
    %slice3A_119 = vector.extract_strided_slice %get3A_10 {offsets = [0, 0], sizes = [1280, 1], strides = [1, 1]} : vector<1280x16xf32> to vector<1280x1xf32>
    %mul3A_120 = arith.mulf %slice3A_119, %tanh3A : vector<1280x1xf32>
    %eq3A_121 = arith.constant 0 : i32
    %eq3A_122 = vector.broadcast %eq3A_121 : i32 to vector<1280x128xi32>
    %eq3A_123 = arith.cmpi eq, %select_n3A_90, %eq3A_122 : vector<1280x128xi32>
    %convert_element_type3A_124 = arith.extui %eq3A_123 : vector<1280x128xi1> to vector<1280x128xi32>
    %convert_element_type3A_125 = arith.sitofp %convert_element_type3A_124 : vector<1280x128xi32> to vector<1280x128xf32>
    %mul3A_126 = vector.broadcast %mul3A_120 : vector<1280x1xf32> to vector<1280x128xf32>
    %mul3A_127 = arith.mulf %mul3A_126, %convert_element_type3A_125 : vector<1280x128xf32>
    %slice3A_128 = vector.extract_strided_slice %get3A_10 {offsets = [0, 1], sizes = [1280, 1], strides = [1, 1]} : vector<1280x16xf32> to vector<1280x1xf32>
    %mul3A_129 = arith.mulf %slice3A_128, %tanh3A : vector<1280x1xf32>
    %eq3A_130 = arith.constant 1 : i32
    %eq3A_131 = vector.broadcast %eq3A_130 : i32 to vector<1280x128xi32>
    %eq3A_132 = arith.cmpi eq, %select_n3A_90, %eq3A_131 : vector<1280x128xi32>
    %convert_element_type3A_133 = arith.extui %eq3A_132 : vector<1280x128xi1> to vector<1280x128xi32>
    %convert_element_type3A_134 = arith.sitofp %convert_element_type3A_133 : vector<1280x128xi32> to vector<1280x128xf32>
    %mul3A_135 = vector.broadcast %mul3A_129 : vector<1280x1xf32> to vector<1280x128xf32>
    %mul3A_136 = arith.mulf %mul3A_135, %convert_element_type3A_134 : vector<1280x128xf32>
    %add3A_137 = arith.addf %mul3A_127, %mul3A_136 : vector<1280x128xf32>
    %slice3A_138 = vector.extract_strided_slice %get3A_10 {offsets = [0, 2], sizes = [1280, 1], strides = [1, 1]} : vector<1280x16xf32> to vector<1280x1xf32>
    %mul3A_139 = arith.mulf %slice3A_138, %tanh3A : vector<1280x1xf32>
    %eq3A_140 = arith.constant 2 : i32
    %eq3A_141 = vector.broadcast %eq3A_140 : i32 to vector<1280x128xi32>
    %eq3A_142 = arith.cmpi eq, %select_n3A_90, %eq3A_141 : vector<1280x128xi32>
    %convert_element_type3A_143 = arith.extui %eq3A_142 : vector<1280x128xi1> to vector<1280x128xi32>
    %convert_element_type3A_144 = arith.sitofp %convert_element_type3A_143 : vector<1280x128xi32> to vector<1280x128xf32>
    %mul3A_145 = vector.broadcast %mul3A_139 : vector<1280x1xf32> to vector<1280x128xf32>
    %mul3A_146 = arith.mulf %mul3A_145, %convert_element_type3A_144 : vector<1280x128xf32>
    %add3A_147 = arith.addf %add3A_137, %mul3A_146 : vector<1280x128xf32>
    %eq3A_148 = arith.constant 3 : i32
    %eq3A_149 = vector.broadcast %eq3A_148 : i32 to vector<1280x128xi32>
    %eq3A_150 = arith.cmpi eq, %select_n3A_90, %eq3A_149 : vector<1280x128xi32>
    %convert_element_type3A_151 = arith.extui %eq3A_150 : vector<1280x128xi1> to vector<1280x128xi32>
    %convert_element_type3A_152 = arith.sitofp %convert_element_type3A_151 : vector<1280x128xi32> to vector<1280x128xf32>
    %mul3A_153 = vector.broadcast %tanh3A : vector<1280x1xf32> to vector<1280x128xf32>
    %mul3A_154 = arith.mulf %mul3A_153, %convert_element_type3A_152 : vector<1280x128xf32>
    %add3A_155 = arith.addf %add3A_147, %mul3A_154 : vector<1280x128xf32>
    %eq3A_156 = arith.constant 4 : i32
    %eq3A_157 = vector.broadcast %eq3A_156 : i32 to vector<1280x128xi32>
    %eq3A_158 = arith.cmpi eq, %select_n3A_90, %eq3A_157 : vector<1280x128xi32>
    %convert_element_type3A_159 = arith.extui %eq3A_158 : vector<1280x128xi1> to vector<1280x128xi32>
    %convert_element_type3A_160 = arith.sitofp %convert_element_type3A_159 : vector<1280x128xi32> to vector<1280x128xf32>
    %add3A_161 = arith.addf %add3A_155, %convert_element_type3A_160 : vector<1280x128xf32>
    %get3A_162 = arith.constant 0 : index
    %get3A_163 = arith.constant 0 : index
    %get3A_164 = vector.load %arg5[%get3A_162, %get3A_163] : memref<1280x1xi32, #tpu.memory_space<vmem>>, vector<1280x1xi32>
    %eq3A_165 = vector.broadcast %get3A_164 : vector<1280x1xi32> to vector<1280x128xi32>
    %eq3A_166 = arith.cmpi eq, %select_n3A_118, %eq3A_165 : vector<1280x128xi32>
    %convert_element_type3A_167 = arith.extui %eq3A_166 : vector<1280x128xi1> to vector<1280x128xi32>
    %convert_element_type3A_168 = arith.sitofp %convert_element_type3A_167 : vector<1280x128xi32> to vector<1280x128xf32>
    %mul3A_169 = arith.mulf %add3A_161, %convert_element_type3A_168 : vector<1280x128xf32>
    %swap3A_170 = arith.constant 0 : index
    %swap3A_171 = arith.constant 0 : index
    %swap3A_172 = vector.load %arg15[%swap3A_170, %swap3A_171] : memref<1280x128xf32, #tpu.memory_space<vmem>>, vector<1280x128xf32>
    tpu.vector_store %arg15[%swap3A_170, %swap3A_171], %mul3A_169 {strides = array<i32>} : memref<1280x128xf32, #tpu.memory_space<vmem>>, vector<1280x128xf32>,
    return
  }
  func.func @transform_0(%arg0: i32) -> (i32, i32) {
    %c0_i32 = arith.constant 0 : i32
    %c0_i32_0 = arith.constant 0 : i32
    return %arg0, %c0_i32 : i32, i32
  }
  func.func @transform_1(%arg0: i32) -> (i32, i32) {
    %c0_i32 = arith.constant 0 : i32
    %c0_i32_0 = arith.constant 0 : i32
    return %arg0, %c0_i32 : i32, i32
  }
  func.func @transform_2(%arg0: i32) -> (i32, i32) {
    %c0_i32 = arith.constant 0 : i32
    %c0_i32_0 = arith.constant 0 : i32
    return %arg0, %c0_i32 : i32, i32
  }
  func.func @transform_3(%arg0: i32) -> (i32, i32) {
    %c0_i32 = arith.constant 0 : i32
    %c0_i32_0 = arith.constant 0 : i32
    return %arg0, %c0_i32 : i32, i32
  }
  func.func @transform_4(%arg0: i32) -> (i32, i32) {
    %c0_i32 = arith.constant 0 : i32
    %c0_i32_0 = arith.constant 0 : i32
    return %arg0, %c0_i32 : i32, i32
  }
  func.func @transform_5(%arg0: i32) -> (i32, i32) {
    %c0_i32 = arith.constant 0 : i32
    %c0_i32_0 = arith.constant 0 : i32
    %c0_i32_1 = arith.constant 0 : i32
    return %c0_i32, %c0_i32_0 : i32, i32
  }
  func.func @transform_6(%arg0: i32) -> (i32, i32) {
    %c0_i32 = arith.constant 0 : i32
    %c0_i32_0 = arith.constant 0 : i32
    %c0_i32_1 = arith.constant 0 : i32
    return %c0_i32, %c0_i32_0 : i32, i32
  }
  func.func @transform_7(%arg0: i32) -> (i32, i32) {
    %c0_i32 = arith.constant 0 : i32
    %c0_i32_0 = arith.constant 0 : i32
    %c0_i32_1 = arith.constant 0 : i32
    return %c0_i32, %c0_i32_0 : i32, i32
  }
  func.func @transform_8(%arg0: i32) -> (i32, i32) {
    %c0_i32 = arith.constant 0 : i32
    %c0_i32_0 = arith.constant 0 : i32
    %c0_i32_1 = arith.constant 0 : i32
    return %c0_i32, %c0_i32_0 : i32, i32
  }
  func.func @transform_9(%arg0: i32) -> (i32, i32) {
    %c0_i32 = arith.constant 0 : i32
    %c0_i32_0 = arith.constant 0 : i32
    %c0_i32_1 = arith.constant 0 : i32
    return %c0_i32, %c0_i32_0 : i32, i32
  }
  func.func @transform_10(%arg0: i32) -> (i32, i32) {
    %c0_i32 = arith.constant 0 : i32
    %c0_i32_0 = arith.constant 0 : i32
    %c0_i32_1 = arith.constant 0 : i32
    return %c0_i32, %c0_i32_0 : i32, i32
  }
  func.func @transform_11(%arg0: i32) -> (i32, i32) {
    %c0_i32 = arith.constant 0 : i32
    %c0_i32_0 = arith.constant 0 : i32
    %c0_i32_1 = arith.constant 0 : i32
    return %c0_i32, %c0_i32_0 : i32, i32
  }
  func.func @transform_12(%arg0: i32) -> (i32, i32) {
    %c0_i32 = arith.constant 0 : i32
    %c0_i32_0 = arith.constant 0 : i32
    return %arg0, %c0_i32 : i32, i32
  }
  func.func @transform_13(%arg0: i32) -> (i32, i32) {
    %c0_i32 = arith.constant 0 : i32
    %c0_i32_0 = arith.constant 0 : i32
    return %arg0, %c0_i32 : i32, i32
  }
  func.func @transform_14(%arg0: i32) -> (i32, i32) {
    %c0_i32 = arith.constant 0 : i32
    %c0_i32_0 = arith.constant 0 : i32
    return %arg0, %c0_i32 : i32, i32
  }
}

module attributes {stable_mosaic.version = 14 : i64} {
  func.func @_node_body(%arg0: i32, %arg1: memref<2000x128xf32, #tpu.memory_space<vmem>>, %arg2: memref<2000x3xf32, #tpu.memory_space<vmem>>, %arg3: memref<2x2000x128xf32, #tpu.memory_space<vmem>>, %arg4: memref<2x2000x16xf32, #tpu.memory_space<vmem>>, %arg5: memref<128x128xf32, #tpu.memory_space<vmem>>, %arg6: memref<128x128xf32, #tpu.memory_space<vmem>>, %arg7: memref<128x128xf32, #tpu.memory_space<vmem>>, %arg8: memref<1x128xf32, #tpu.memory_space<vmem>>, %arg9: memref<1x128xf32, #tpu.memory_space<vmem>>, %arg10: memref<2000x128xf32, #tpu.memory_space<vmem>>, %arg11: memref<2000x3xf32, #tpu.memory_space<vmem>>) attributes {dimension_semantics = [#tpu.dimension_semantics<arbitrary>], iteration_bounds = array<i64: 5>, scalar_prefetch = 0 : i64, scratch_operands = 0 : i64, tpu.core_type = #tpu.core_type<tc>, window_params = [{transform_indices = @transform_0, window_bounds = array<i64: 2000, 128>}, {transform_indices = @transform_1, window_bounds = array<i64: 2000, 3>}, {transform_indices = @transform_2, window_bounds = array<i64: 2, 2000, 128>}, {transform_indices = @transform_3, window_bounds = array<i64: 2, 2000, 16>}, {pipeline_mode = #tpu.pipeline_mode<synchronous>, transform_indices = @transform_4, window_bounds = array<i64: 128, 128>}, {pipeline_mode = #tpu.pipeline_mode<synchronous>, transform_indices = @transform_5, window_bounds = array<i64: 128, 128>}, {pipeline_mode = #tpu.pipeline_mode<synchronous>, transform_indices = @transform_6, window_bounds = array<i64: 128, 128>}, {pipeline_mode = #tpu.pipeline_mode<synchronous>, transform_indices = @transform_7, window_bounds = array<i64: 1, 128>}, {pipeline_mode = #tpu.pipeline_mode<synchronous>, transform_indices = @transform_8, window_bounds = array<i64: 1, 128>}, {transform_indices = @transform_9, window_bounds = array<i64: 2000, 128>}, {transform_indices = @transform_10, window_bounds = array<i64: 2000, 3>}]} {
    %get3A = arith.constant 0 : index
    %get3A_0 = arith.constant 0 : index
    %get3A_1 = vector.load %arg1[%get3A, %get3A_0] : memref<2000x128xf32, #tpu.memory_space<vmem>>, vector<2000x128xf32>
    %get3A_2 = arith.constant 0 : index
    %get3A_3 = arith.constant 0 : index
    %get3A_4 = arith.constant 0 : index
    %get3A_5 = vector.load %arg3[%get3A_2, %get3A_3, %get3A_4] : memref<2x2000x128xf32, #tpu.memory_space<vmem>>, vector<1x2000x128xf32>
    %get3A_6 = vector.shape_cast %get3A_5 : vector<1x2000x128xf32> to vector<2000x128xf32>
    %get3A_7 = arith.constant 1 : index
    %get3A_8 = arith.constant 0 : index
    %get3A_9 = arith.constant 0 : index
    %get3A_10 = vector.load %arg3[%get3A_7, %get3A_8, %get3A_9] : memref<2x2000x128xf32, #tpu.memory_space<vmem>>, vector<1x2000x128xf32>
    %get3A_11 = vector.shape_cast %get3A_10 : vector<1x2000x128xf32> to vector<2000x128xf32>
    %add3A = arith.addf %get3A_6, %get3A_11 : vector<2000x128xf32>
    %get3A_12 = arith.constant 0 : index
    %get3A_13 = arith.constant 0 : index
    %get3A_14 = vector.load %arg5[%get3A_12, %get3A_13] : memref<128x128xf32, #tpu.memory_space<vmem>>, vector<128x128xf32>
    %dot_general3A = arith.constant dense<0.000000e+00> : vector<2000x128xf32>
    %dot_general3A_15 = tpu.matmul %get3A_1, %get3A_14, %dot_general3A {dimension_numbers = #tpu.dot_dimension_numbers<[1], [0], [0], [1], [0, 0, 1, 1], [], []>, transpose_lhs_hint = false} : vector<2000x128xf32>, vector<128x128xf32>, vector<2000x128xf32> -> vector<2000x128xf32>
    %get3A_16 = arith.constant 0 : index
    %get3A_17 = arith.constant 0 : index
    %get3A_18 = vector.load %arg6[%get3A_16, %get3A_17] : memref<128x128xf32, #tpu.memory_space<vmem>>, vector<128x128xf32>
    %dot_general3A_19 = arith.constant dense<0.000000e+00> : vector<2000x128xf32>
    %dot_general3A_20 = tpu.matmul %add3A, %get3A_18, %dot_general3A_19 {dimension_numbers = #tpu.dot_dimension_numbers<[1], [0], [0], [1], [0, 0, 1, 1], [], []>, transpose_lhs_hint = false} : vector<2000x128xf32>, vector<128x128xf32>, vector<2000x128xf32> -> vector<2000x128xf32>
    %add3A_21 = arith.addf %dot_general3A_15, %dot_general3A_20 : vector<2000x128xf32>
    %get3A_22 = arith.constant 0 : index
    %get3A_23 = arith.constant 0 : index
    %get3A_24 = vector.load %arg8[%get3A_22, %get3A_23] : memref<1x128xf32, #tpu.memory_space<vmem>>, vector<1x128xf32>
    %add3A_25 = vector.broadcast %get3A_24 : vector<1x128xf32> to vector<2000x128xf32>
    %add3A_26 = arith.addf %add3A_21, %add3A_25 : vector<2000x128xf32>
    %logistic3A = arith.negf %add3A_26 : vector<2000x128xf32>
    %logistic3A_27 = math.exp %logistic3A : vector<2000x128xf32>
    %logistic3A_28 = arith.constant 1.000000e+00 : f32
    %logistic3A_29 = vector.broadcast %logistic3A_28 : f32 to vector<2000x128xf32>
    %logistic3A_30 = arith.addf %logistic3A_29, %logistic3A_27 : vector<2000x128xf32>
    %logistic3A_31 = arith.divf %logistic3A_29, %logistic3A_30 : vector<2000x128xf32>
    %mul3A = arith.mulf %add3A_26, %logistic3A_31 : vector<2000x128xf32>
    %get3A_32 = arith.constant 0 : index
    %get3A_33 = arith.constant 0 : index
    %get3A_34 = vector.load %arg7[%get3A_32, %get3A_33] : memref<128x128xf32, #tpu.memory_space<vmem>>, vector<128x128xf32>
    %dot_general3A_35 = arith.constant dense<0.000000e+00> : vector<2000x128xf32>
    %dot_general3A_36 = tpu.matmul %mul3A, %get3A_34, %dot_general3A_35 {dimension_numbers = #tpu.dot_dimension_numbers<[1], [0], [0], [1], [0, 0, 1, 1], [], []>, transpose_lhs_hint = false} : vector<2000x128xf32>, vector<128x128xf32>, vector<2000x128xf32> -> vector<2000x128xf32>
    %add3A_37 = arith.addf %get3A_1, %dot_general3A_36 : vector<2000x128xf32>
    %get3A_38 = arith.constant 0 : index
    %get3A_39 = arith.constant 0 : index
    %get3A_40 = vector.load %arg9[%get3A_38, %get3A_39] : memref<1x128xf32, #tpu.memory_space<vmem>>, vector<1x128xf32>
    %add3A_41 = vector.broadcast %get3A_40 : vector<1x128xf32> to vector<2000x128xf32>
    %add3A_42 = arith.addf %add3A_37, %add3A_41 : vector<2000x128xf32>
    %swap3A = arith.constant 0 : index
    %swap3A_43 = arith.constant 0 : index
    %swap3A_44 = vector.load %arg10[%swap3A, %swap3A_43] : memref<2000x128xf32, #tpu.memory_space<vmem>>, vector<2000x128xf32>
    tpu.vector_store %arg10[%swap3A, %swap3A_43], %add3A_42 {strides = array<i32>} : memref<2000x128xf32, #tpu.memory_space<vmem>>, vector<2000x128xf32>,
    %get3A_45 = arith.constant 0 : index
    %get3A_46 = arith.constant 0 : index
    %get3A_47 = vector.load %arg2[%get3A_45, %get3A_46] : memref<2000x3xf32, #tpu.memory_space<vmem>>, vector<2000x3xf32>
    %get3A_48 = arith.constant 0 : index
    %get3A_49 = arith.constant 0 : index
    %get3A_50 = arith.constant 0 : index
    %get3A_51 = vector.load %arg4[%get3A_48, %get3A_49, %get3A_50] : memref<2x2000x16xf32, #tpu.memory_space<vmem>>, vector<1x2000x16xf32>
    %get3A_52 = vector.shape_cast %get3A_51 : vector<1x2000x16xf32> to vector<2000x16xf32>
    %get3A_53 = arith.constant 1 : index
    %get3A_54 = arith.constant 0 : index
    %get3A_55 = arith.constant 0 : index
    %get3A_56 = vector.load %arg4[%get3A_53, %get3A_54, %get3A_55] : memref<2x2000x16xf32, #tpu.memory_space<vmem>>, vector<1x2000x16xf32>
    %get3A_57 = vector.shape_cast %get3A_56 : vector<1x2000x16xf32> to vector<2000x16xf32>
    %add3A_58 = arith.addf %get3A_52, %get3A_57 : vector<2000x16xf32>
    %slice3A = vector.extract_strided_slice %add3A_58 {offsets = [0, 4], sizes = [2000, 1], strides = [1, 1]} : vector<2000x16xf32> to vector<2000x1xf32>
    %slice3A_59 = vector.extract_strided_slice %add3A_58 {offsets = [0, 0], sizes = [2000, 3], strides = [1, 1]} : vector<2000x16xf32> to vector<2000x3xf32>
    %slice3A_60 = vector.extract_strided_slice %add3A_58 {offsets = [0, 3], sizes = [2000, 1], strides = [1, 1]} : vector<2000x16xf32> to vector<2000x1xf32>
    %mul3A_61 = vector.broadcast %slice3A_60 : vector<2000x1xf32> to vector<2000x3xf32>
    %mul3A_62 = arith.mulf %get3A_47, %mul3A_61 : vector<2000x3xf32>
    %sub3A = arith.subf %slice3A_59, %mul3A_62 : vector<2000x3xf32>
    %max3A = arith.constant 1.000000e+00 : f32
    %max3A_63 = vector.broadcast %max3A : f32 to vector<2000x1xf32>
    %max3A_64 = arith.maximumf %slice3A, %max3A_63 : vector<2000x1xf32>
    %div3A = vector.broadcast %max3A_64 : vector<2000x1xf32> to vector<2000x3xf32>
    %div3A_65 = arith.divf %sub3A, %div3A : vector<2000x3xf32>
    %add3A_66 = arith.addf %get3A_47, %div3A_65 : vector<2000x3xf32>
    %swap3A_67 = arith.constant 0 : index
    %swap3A_68 = arith.constant 0 : index
    %swap3A_69 = vector.load %arg11[%swap3A_67, %swap3A_68] : memref<2000x3xf32, #tpu.memory_space<vmem>>, vector<2000x3xf32>
    tpu.vector_store %arg11[%swap3A_67, %swap3A_68], %add3A_66 {strides = array<i32>} : memref<2000x3xf32, #tpu.memory_space<vmem>>, vector<2000x3xf32>,
    return
  }
  func.func @transform_0(%arg0: i32) -> (i32, i32) {
    %c0_i32 = arith.constant 0 : i32
    %c0_i32_0 = arith.constant 0 : i32
    return %arg0, %c0_i32 : i32, i32
  }
  func.func @transform_1(%arg0: i32) -> (i32, i32) {
    %c0_i32 = arith.constant 0 : i32
    %c0_i32_0 = arith.constant 0 : i32
    return %arg0, %c0_i32 : i32, i32
  }
  func.func @transform_2(%arg0: i32) -> (i32, i32, i32) {
    %c0_i32 = arith.constant 0 : i32
    %c0_i32_0 = arith.constant 0 : i32
    %c0_i32_1 = arith.constant 0 : i32
    return %c0_i32, %arg0, %c0_i32_0 : i32, i32, i32
  }
  func.func @transform_3(%arg0: i32) -> (i32, i32, i32) {
    %c0_i32 = arith.constant 0 : i32
    %c0_i32_0 = arith.constant 0 : i32
    %c0_i32_1 = arith.constant 0 : i32
    return %c0_i32, %arg0, %c0_i32_0 : i32, i32, i32
  }
  func.func @transform_4(%arg0: i32) -> (i32, i32) {
    %c0_i32 = arith.constant 0 : i32
    %c0_i32_0 = arith.constant 0 : i32
    %c0_i32_1 = arith.constant 0 : i32
    return %c0_i32, %c0_i32_0 : i32, i32
  }
  func.func @transform_5(%arg0: i32) -> (i32, i32) {
    %c0_i32 = arith.constant 0 : i32
    %c0_i32_0 = arith.constant 0 : i32
    %c0_i32_1 = arith.constant 0 : i32
    return %c0_i32, %c0_i32_0 : i32, i32
  }
  func.func @transform_6(%arg0: i32) -> (i32, i32) {
    %c0_i32 = arith.constant 0 : i32
    %c0_i32_0 = arith.constant 0 : i32
    %c0_i32_1 = arith.constant 0 : i32
    return %c0_i32, %c0_i32_0 : i32, i32
  }
  func.func @transform_7(%arg0: i32) -> (i32, i32) {
    %c0_i32 = arith.constant 0 : i32
    %c0_i32_0 = arith.constant 0 : i32
    %c0_i32_1 = arith.constant 0 : i32
    return %c0_i32, %c0_i32_0 : i32, i32
  }
  func.func @transform_8(%arg0: i32) -> (i32, i32) {
    %c0_i32 = arith.constant 0 : i32
    %c0_i32_0 = arith.constant 0 : i32
    %c0_i32_1 = arith.constant 0 : i32
    return %c0_i32, %c0_i32_0 : i32, i32
  }
  func.func @transform_9(%arg0: i32) -> (i32, i32) {
    %c0_i32 = arith.constant 0 : i32
    %c0_i32_0 = arith.constant 0 : i32
    return %arg0, %c0_i32 : i32, i32
  }
  func.func @transform_10(%arg0: i32) -> (i32, i32) {
    %c0_i32 = arith.constant 0 : i32
    %c0_i32_0 = arith.constant 0 : i32
    return %arg0, %c0_i32 : i32, i32
  }
}

</mosaic_0001>

<sc_bundles>
// kernel: kernel.11.cloned.1.call-start
scs
__scs_entry_jumppad:
0x0: {  	(pc) =	sbr.rel $0x88, $3  }
0x1: {  	(tag) =	ssettag $0x0;
	lr =	simm.s32 $0x1  }
0x2: {  	[smem:$0x3F92] =	sst lr;
	_ =	strace $0xD0000000  }
0x3: {  	_ = 	snop  }
0x4: {  	_ = 	snop  }
0x5: {  	_ = 	snop  }
0x6: {  	_ = 	snop  }
0x7: {  	_ = 	snop  }
__scs_overlays_trampoline_lowered:
0x8: {  	[smem:$0x3FA1] =	sst s0  }
0x9: {  	[smem:$0x3FA2] =	sst s1  }
0xa: {  	[smem:$0x3FA3] =	sst s2  }
0xb: {  	[smem:$0x3FA4] =	sst s3  }
0xc: {  	[smem:$0x3FA5] =	sst s4  }
0xd: {  	[smem:$0x3FA6] =	sst s5  }
0xe: {  	[smem:$0x3FA7] =	sst s6  }
0xf: {  	[smem:$0x3FA8] =	sst s7  }
0x10: {  	[smem:$0x3FA9] =	sst s8  }
0x11: {  	[smem:$0x3FAA] =	sst s9;
	s0 =	simm.s32 @!p0 $0x0  }
0x12: {  	s1 =	sld [smem:$0x3F90];
	s0 =	simm.s32 @p0 $0x1  }
0x13: {  	[smem:$0x3FAB] =	sst s0;
	s0 =	simm.s32 @!p1 $0x0  }
0x14: {  	s2 =	sld [smem:$0x3F8F];
	s0 =	simm.s32 @p1 $0x1  }
0x15: {  	[smem:$0x3FAC] =	sst s0;
	s0 =	simm.s32 @!p2 $0x0  }
0x16: {  	s3 =	sld [smem:$0x3FDB];
	s0 =	simm.s32 @p2 $0x1  }
0x17: {  	s4 =	simm.s32 $0x1BF5;
	[smem:$0x3FAE] =	sst s0  }
0x18: {  	s0 =	sld [smem:$0x3F91];
	_ =	swait.ge [sflag:s4], $0x0  }
0x19: {  	s7 =	sld [smem:$0x3F92]  }
0x1a: {  	s8 =	sadd.s32 $0xFFFFE003, lr  }
0x1b: {  	s9 =	sadd.s32 $0xFFFFFEF7, lr;
	s5 =	simm.s32 $0xFFFFFFFF;
	p2 =	slt.u32 s8, $0xFFFFF086  }
0x1c: {  	p1 =	slt.u32 s9, $0xF7A;
	s5 =	simm.s32 @!p2 $0x0  }
0x1d: {  	s5 =	simm.s32 @p1 $0x1;
	p0 =	seq.s32 s7, s2  }
0x1e: {  	s7 =	smul.u32 @!p0 $0xF7A, s2;
	p2 =	seq.s32 @!p0 s5, $0x0  }
0x1f: {  	s9 =	smul.u32 $0xF7A, s1;
	s8 =	simm.s32 @!p0 $0x1BF5;
	p2 =	por !p2, p0  }
0x20: {  	[sflag:s8] =	ssyncset.s32 @!p0 $0xFFFFF086;
	s6 =	sadd.s32 @!p0 s3, s7;
	s7 =	simm.s32 @!p0 $0x108  }
0x21: {  	s3 =	sadd.s32 s3, s9;
	s6 =	sadd.s32 @!p0 $0x88, s6;
	s7 =	simm.s32 @p2 $0x1082  }
0x22: {  	[simem:s7], [sflag:s8] =	dma.local @!p0 [hbm:s6], $0xF7A  }
0x23: {  	s9 =	sor.u32 $0xD0000000, s2;
	s6 =	simm.s32 $0x108;
	_ =	swait.ge @!p0 [sflag:s8], $0x0  }
0x24: {  	s3 =	sadd.s32 $0x88, s3;
	s6 =	simm.s32 @!p1 $0x1082;
	[sflag:s4] =	ssyncset.s32 $0xFFFFF086  }
0x25: {  	[simem:s6], [sflag:s4] =	dma.local [hbm:s3], $0xF7A  }
0x26: {  	[smem:$0x3F92] =	sst s1;
	(tag) =	ssettag s2;
	_ =	strace s9  }
0x27: {  	s1 =	sld [smem:$0x3FA2]  }
0x28: {  	s2 =	sld [smem:$0x3FA3]  }
0x29: {  	s4 =	sld [smem:$0x3FA5]  }
0x2a: {  	p0 =	seq.s32 s5, $0x0;
	s5 =	sld [smem:$0x3FA6]  }
0x2b: {  	s6 =	sld [smem:$0x3FA7]  }
0x2c: {  	s7 =	sld [smem:$0x3FA8]  }
0x2d: {  	s3 =	simm.s32 $0x108;
	s8 =	sld [smem:$0x3FA9]  }
0x2e: {  	s3 =	simm.s32 @!p0 $0x1082;
	s9 =	sld [smem:$0x3FAA]  }
0x2f: {  	lr =	sadd.s32 s0, s3;
	s0 =	sld [smem:$0x3FA1]  }
0x30: {  	s3 =	sld [smem:$0x3FA4]  }
0x31: {  	[smem:$0x3FAD] =	sst s10  }
0x32: {  	s10 =	sld [smem:$0x3FAB];
	_ =	sdelay $0x3  }
0x33: {  	p0 =	seq.s32 s10, $0x1;
	s10 =	sld [smem:$0x3FAD];
	_ =	sdelay $0x3  }
0x34: {  	[smem:$0x3FAD] =	sst s10  }
0x35: {  	s10 =	sld [smem:$0x3FAC];
	_ =	sdelay $0x3  }
0x36: {  	p1 =	seq.s32 s10, $0x1;
	s10 =	sld [smem:$0x3FAD];
	_ =	sdelay $0x3  }
0x37: {  	[smem:$0x3FAD] =	sst s10  }
0x38: {  	s10 =	sld [smem:$0x3FAE]  }
0x39: {  	_ = 	snop;
	(pc) =	sbr.ind lr, $3  }
0x3a: {  	_ = 	snop  }
0x3b: {  	_ = 	snop  }
0x3c: {  	p2 =	seq.s32 s10, $0x1;
	s10 =	sld [smem:$0x3FAD]  }
0x3d: {  	_ =	shalt  }
0x3e: {  	_ =	shalt  }
0x3f: {  	_ =	shalt  }
0x40: {  	_ =	shalt  }
0x41: {  	_ =	shalt  }
0x42: {  	_ =	shalt  }
0x43: {  	_ =	shalt  }
0x44: {  	_ =	shalt  }
0x45: {  	_ =	shalt  }
0x46: {  	_ =	shalt  }
0x47: {  	_ =	shalt  }
0x48: {  	_ =	shalt  }
0x49: {  	_ =	shalt  }
0x4a: {  	_ =	shalt  }
0x4b: {  	_ =	shalt  }
0x4c: {  	_ =	shalt  }
0x4d: {  	_ =	shalt  }
0x4e: {  	_ =	shalt  }
0x4f: {  	_ =	shalt  }
0x50: {  	_ =	shalt  }
0x51: {  	_ =	shalt  }
0x52: {  	_ =	shalt  }
0x53: {  	_ =	shalt  }
0x54: {  	_ =	shalt  }
0x55: {  	_ =	shalt  }
0x56: {  	_ =	shalt  }
0x57: {  	_ =	shalt  }
0x58: {  	_ =	shalt  }
0x59: {  	_ =	shalt  }
0x5a: {  	_ =	shalt  }
0x5b: {  	_ =	shalt  }
0x5c: {  	_ =	shalt  }
0x5d: {  	_ =	shalt  }
0x5e: {  	_ =	shalt  }
0x5f: {  	_ =	shalt  }
0x60: {  	_ =	shalt  }
0x61: {  	_ =	shalt  }
0x62: {  	_ =	shalt  }
0x63: {  	_ =	shalt  }
0x64: {  	_ =	shalt  }
0x65: {  	_ =	shalt  }
0x66: {  	_ =	shalt  }
0x67: {  	_ =	shalt  }
0x68: {  	_ =	shalt  }
0x69: {  	_ =	shalt  }
0x6a: {  	_ =	shalt  }
0x6b: {  	_ =	shalt  }
0x6c: {  	_ =	shalt  }
0x6d: {  	_ =	shalt  }
0x6e: {  	_ =	shalt  }
0x6f: {  	_ =	shalt  }
0x70: {  	_ =	shalt  }
0x71: {  	_ =	shalt  }
0x72: {  	_ =	shalt  }
0x73: {  	_ =	shalt  }
0x74: {  	_ =	shalt  }
0x75: {  	_ =	shalt  }
0x76: {  	_ =	shalt  }
0x77: {  	_ =	shalt  }
0x78: {  	_ =	shalt  }
0x79: {  	_ =	shalt  }
0x7a: {  	_ =	shalt  }
0x7b: {  	_ =	shalt  }
0x7c: {  	_ =	shalt  }
0x7d: {  	_ =	shalt  }
0x7e: {  	_ =	shalt  }
0x7f: {  	_ =	shalt  }
0x80: {  	_ =	shalt  }
0x81: {  	_ =	shalt  }
0x82: {  	_ =	shalt  }
0x83: {  	_ =	shalt  }
0x84: {  	_ =	shalt  }
0x85: {  	_ =	shalt  }
0x86: {  	_ =	shalt  }
0x87: {  	_ =	shalt  }
.Lfunc_end0:
.L_simem_size_0:
called_computation.1_lowered:
.L_overlay_start_0:
0x88: {  	s2 =	sld [smem:$0x3FD9]  }
0x89: {  	s3 =	sld [smem:$0x3FFE];
	_ =	sdelay $0x1  }
0x8a: {  	s1 =	srdreg.scid  }
0x8b: {  	s0 =	sand.u32 $0x1, s1  }
0x8c: {  	s15 =	sshll.u32 s0, $0xA;
	s2 =	sadd.s32 s3, s2  }
0x8d: {  	s2 =	sadd.s32 s2, s15  }
0x8e: {  	[smem:$0x3FB9] =	sst s2  }
0x8f: {  	_ = 	snop  }
0x90: {  	s2 =	sld [smem:$0x3FD0];
	_ =	sdelay $0x2  }
0x91: {  	s16 =	simm.s32 $0xB;
	s4 =	simm.s32 $0x10  }
0x92: {  	[smem:s4], [sflag:s16] =	dma.local [hbm:s2], $0x1  }
0x93: {  	_ =	swait.eq [sflag:s16], $0x1  }
0x94: {  	[sflag:s16] =	ssyncset.done $0x0  }
0x95: {  	[sflag:s16] =	ssyncadd.s32 $0xFFFFFFFF  }
0x96: {  	s17 =	sld [smem:$0x10];
	(tm) =	ssettm $0x1  }
0x97: {  	s18 =	sld [smem:$0x3FFB];
	_ =	sdelay $0x3  }
0x98: {  	_ =	strace s18  }
0x99: {  	s2 =	sld [smem:$0x3FFC];
	_ =	sdelay $0x3  }
0x9a: {  	_ =	strace s2  }
0x9b: {  	s2 =	sld [smem:$0x3FFD];
	_ =	sdelay $0x3  }
0x9c: {  	_ =	strace s2  }
0x9d: {  	_ =	strace $0x8FFFFFFF  }
0x9e: {  	s19 =	sld [smem:$0x3FDB];
	_ =	sdelay $0x1  }
0x9f: {  	s20 =	simm.s32 $_scs_section_size  }
0xa0: {  	s5 =	simm.s32 $_size__tile_overlayer_lowered;
	s6 =	simm.s32 $_tile_overlayer_lowered  }
0xa1: {  	s7 =	simm.s32 $0x1BFF;
	s21 =	sshll.u32 s6, $0x1;
	s4 =	sadd.s32 s20, s19  }
0xa2: {  	s22 =	simm.s32 $0x0;
	s5 =	sshll.u32 s5, $0x1;
	s6 =	sadd.s32 s21, s4  }
0xa3: {  	[timem:s22], [sflag:s7] =	dma.local [hbm:s6], s5  }
0xa4: {  	_ =	swait.ge [sflag:s7], s5  }
0xa5: {  	s5 =	ssub.s32 $0x0, s5;
	[sflag:s7] =	ssyncset.done $0x0  }
0xa6: {  	[sflag:s7] =	ssyncadd.s32 s5;
	_ =	sdelay $0x1  }
0xa7: {  	s23 =	simm.s32 $0x1B8B  }
0xa8: {  	_ =	swait.ge [sflag:s23], $0x1  }
0xa9: {  	[sflag:s23] =	ssyncset.done $0x0  }
0xaa: {  	[sflag:s23] =	ssyncadd.s32 $0xFFFFFFFF  }
0xab: {  	s5 =	sld [smem:$0x0]  }
0xac: {  	s6 =	sand.u32 $0xFFFFFFFE, s1  }
0xad: {  	p0 =	sne.s32 s1, s6  }
0xae: {  	s6 =	sshll.u32 @p0 s6, $0xE  }
0xaf: {  	s6 =	sadd.s32 @p0 $0x11B8D, s6;
	s7 =	sshll.u32 @p0 s5, $0x11  }
0xb0: {  	s6 =	sor.u32 @p0 s7, s6  }
0xb1: {  	[sflag:s6] =	ssyncadd.remote.s32 @p0 $0x1;
	_ =	sdelay $0x1  }
0xb2: {  	s6 =	simm.s32 @p0 $0x1B8D  }
0xb3: {  	_ =	swait.eq @p0 [sflag:s6], $0x1  }
0xb4: {  	[sflag:s6] =	ssyncadd.s32 @p0 $0xFFFFFFFF  }
0xb5: {  	s7 =	sshll.u32 @!p0 s1, $0xE  }
0xb6: {  	s7 =	sor.u32 @!p0 $0x4000, s7;
	s6 =	simm.s32 @!p0 $0x1B8D  }
0xb7: {  	s5 =	sshll.u32 @!p0 s5, $0x11;
	s7 =	sadd.s32 @!p0 $0x11B8D, s7;
	_ =	swait.eq @!p0 [sflag:s6], $0x1  }
0xb8: {  	s5 =	sor.u32 @!p0 s5, s7;
	[sflag:s6] =	ssyncadd.s32 @!p0 $0xFFFFFFFF  }
0xb9: {  	s25 =	simm.s32 $0x1B8E;
	s24 =	sld [smem:$0x3FFE];
	[sflag:s5] =	ssyncadd.remote.s32 @!p0 $0x1  }
0xba: {  	s26 =	simm.s32 $execute0_lowered;
	[smem:$0x3FD2] =	sst s25  }
0xbb: {  	s6 =	sshll.u32 s26, $0x1;
	_ =	strace $0x80000049;
	[dreg:$0x1] =	wrdreg $0xFFFFFFFF  }
0xbc: {  	s28 =	simm.s32 $_size_execute0_lowered;
	s4 =	sadd.s32 s4, s6;
	[dreg:$0x0] =	wrdreg $0x0  }
0xbd: {  	s6 =	sshll.u32 s28, $0x1;
	[dreg:$0x2] =	wrdreg s4  }
0xbe: {  	[dreg:$0x3] =	wrdreg s6  }
0xbf: {  	[dreg:$0x4] =	wrdreg $0xC0  }
0xc0: {  	_ =	task [dreg:s22], $0x5FFFF  }
0xc1: {  	[dreg:$0x1] =	wrdreg $0xFFFFFFFF  }
0xc2: {  	[dreg:$0x0] =	wrdreg $0x60  }
0xc3: {  	[dreg:$0x2] =	wrdreg s17  }
0xc4: {  	[dreg:$0x3] =	wrdreg s24  }
0xc5: {  	[dreg:$0x4] =	wrdreg $0xA  }
0xc6: {  	_ =	task.clear_ibuf [dreg:s22], $0x5FFFF;
	_ =	strace $0x90000049  }
0xc7: {  	s29 =	simm.s32 $0xA;
	_ =	strace $0x80000056  }
0xc8: {  	_ =	swait.ge [sflag:s29], $0x1  }
0xc9: {  	[sflag:s29] =	ssyncadd.s32 $0xFFFFFFFF  }
0xca: {  	_ =	strace $0x90000056  }
0xcb: {  	_ =	sfence  }
0xcc: {  	s30 =	sld [smem:$0x0];
	_ =	sdelay $0x2  }
0xcd: {  	s31 =	sshll.u32 s1, $0xD;
	s1 =	sshrl.u32 s1, $0x2  }
0xce: {  	s4 =	sand.u32 $0x4000, s31;
	s1 =	sadd.s32 s1, s30  }
0xcf: {  	s0 =	sor.u32 s4, s0;
	s1 =	sshll.u32 s1, $0x11  }
0xd0: {  	s0 =	sor.u32 s1, s0  }
0xd1: {  	s0 =	sadd.s32 $0x8F2B, s0  }
0xd2: {  	[sflag:s0] =	ssyncadd.remote.s32 $0x1  }
0xd3: {  	_ =	sfence.sel $0xFFFF  }
0xd4: {  	[dreg:$0x0] =	wrdreg $0xFFFFFFFF;
	(pc) =	sbr.abs _section_cstart, $3  }
0xd5: {  	[dreg:$0x1] =	wrdreg $0xFFFFFFFF  }
0xd6: {  	_ =	task.clear_ibuf [dreg:s22], $0x2FFFF;
	_ =	strace $0x9FFFFFFF  }
0xd7: {  	(tm) =	ssettm $0x7FFFFFFF  }
tec
execute0_lowered:
.L_overlay_start_1:
0x0: {  	(tag) =	ssettag $0x1  }
0x1: {  	s1 =	rddreg [dreg:$0x0]  }
0x2: {  	s0 =	rddreg [dreg:$0x1];
	s2 =	simm.s32 $0x0  }
0x3: {  	s3 =	srdreg.scid;
	s7 =	stileid.u32;
	s13 =	simm.s32 $0x100  }
0x4: {  	s14 =	simm.s32 $0x50;
	s15 =	simm.s32 $0x9;
	s16 =	simm.s32 $0x0  }
0x5: {  	[smem:$0x7FF] =	sst s2;
	s3 =	sand.u32 $0x1, s3;
	s4 =	sadd.s32 $0xD5600, s0  }
0x6: {  	s5 =	sadd.s32 $0xC5C00, s0;
	s8 =	sadd.s32 $0x5DE800, s0;
	s6 =	sshll.u32 s3, $0x4  }
0x7: {  	_ =	strace $0x8000004A;
	s3 =	ssub.s32 $0x2, s3;
	s9 =	sor.u32 s7, s6  }
0x8: {  	s6 =	sadd.s32 $0xB6200, s0;
	s31 =	sshrl.u32 s3, $0x1;
	s11 =	smul.u32 $0x7D0, s9  }
0x9: {  	s7 =	sadd.s32 $0xFC800, s0;
	s0 =	ssub.s32 s3, s31;
	s9 =	smul.u32 $0x7D, s9  }
0xa: {  	s12 =	smax.u32 s0, $0x1;
	s10 =	sadd.s32 s5, s11;
	s11 =	sadd.s32 s6, s11  }
.LBB2_1:
0xb: {  	_ =	strace $0x8000004B;
	s26 =	simm.s32 $0x1;
	s18 =	simm.s32 $0x7D  }
0xc: {  	s28 =	simm.s32 $0x0;
	s17 =	simm.s32 $0x0;
	s19 =	simm.s32 $0x0  }
0xd: {  	[tilespmem:s2], [sflag:$0x1] =	stream.linear.gather [hbm4b:s10+s2], $0x80, $0x200038;
	[tilespmem:$0xA200] =	vst v63  }
0xe: {  	s24 =	simm.s32 $0x0;
	s20 =	simm.s32 $0x0;
	s21 =	simm.s32 $0x0  }
0xf: {  	[tilespmem:s13], [sflag:$0x3] =	stream.linear.gather [hbm4b:s11+s2], $0x80, $0x200038;
	[tilespmem:$0xA200] =	vst v63  }
0x10: {  	s22 =	simm.s32 $0x1;
	s23 =	simm.s32 $0x0;
	_ =	strace $0x9000004B  }
.LBB2_2:
0x11: {  	s25 =	sadd.s32 $0x1, s28  }
0x12: {  	p0 =	seq.s32 s25, $0x7D  }
0x13: {  	s25 =	simm.s32 @p0 $0x0;
	p0 =	seq.s32 s18, $0x1  }
0x14: {  	p1 =	seq.s32 @!p0 s28, s25  }
0x15: {  	p2 =	por p1, p0  }
0x16: {  	s0 =	sadd.s32 @!p2 s9, s25  }
0x17: {  	s3 =	sand.u32 @!p2 $0x1, s26;
	s0 =	sshll.u32 @!p2 s0, $0x4  }
0x18: {  	_ =	strace @!p2 $0x8000004C;
	s31 =	simm.s32 @!p2 $0x0;
	s0 =	sand.u32 @!p2 $0x1FFFFFF0, s0  }
0x19: {  	s29 =	sshll.u32 @!p2 s3, $0x7;
	s3 =	sadd.s32 @!p2 $0x1, s3;
	s30 =	sadd.s32 @!p2 s5, s0  }
0x1a: {  	[tilespmem:s29], [sflag:s3] =	stream.linear.gather @!p2 [hbm4b:s30+s31], $0x80, $0x200038;
	[tilespmem:$0xA200] =	vst v63  }
0x1b: {  	s3 =	sand.u32 @!p2 $0x1, s22  }
0x1c: {  	s0 =	sadd.s32 @!p2 s6, s0;
	_ =	strace @!p2 $0x9000004C;
	s29 =	sshll.u32 @!p2 s3, $0x7  }
0x1d: {  	s3 =	sadd.s32 @!p2 $0x3, s3;
	_ =	strace @!p2 $0x8000004D;
	s29 =	sor.u32 @!p2 $0x100, s29  }
0x1e: {  	[tilespmem:s29], [sflag:s3] =	stream.linear.gather @!p2 [hbm4b:s0+s31], $0x80, $0x200038;
	[tilespmem:$0xA200] =	vst v63  }
0x1f: {  	s30 =	sand.u32 $0x1, s23;
	_ =	strace @!p2 $0x9000004D  }
0x20: {  	s0 =	sadd.s32 $0x1, s30;
	_ =	strace $0x8000004E  }
0x21: {  	_ =	swait.ge [sflag:s0], $0x80  }
0x22: {  	[sflag:s0] =	ssyncset.done $0x0  }
0x23: {  	[sflag:s0] =	ssyncadd.s32 $0xFFFFFF80  }
0x24: {  	s31 =	sand.u32 $0x1, s21;
	_ =	strace $0x9000004E  }
0x25: {  	s0 =	sadd.s32 $0x3, s31;
	_ =	strace $0x8000004F  }
0x26: {  	s31 =	sand.u32 $0x1, s20;
	_ =	swait.ge [sflag:s0], $0x80  }
0x27: {  	s3 =	smul.u32 $0xA000, s31;
	[sflag:s0] =	ssyncset.done $0x0  }
0x28: {  	s30 =	sand.u32 $0x1, s19;
	[sflag:s0] =	ssyncadd.s32 $0xFFFFFF80  }
0x29: {  	s29 =	sshll.u32 s23, $0x7;
	s0 =	sshrl.u32 s3, $0x2;
	_ =	strace $0x9000004F  }
0x2a: {  	s3 =	sand.u32 $0x80, s29;
	s0 =	sor.u32 $0x200, s0;
	_ =	strace $0x80000050  }
0x2b: {  	[tilespmem:s0], [sflag:$0x9] =	stream.indirect.gather [hbm4b:s1+s14], $0x80, s3, s14, $0x2000b8;
	[tilespmem:$0xA200] =	vst v63  }
0x2c: {  	s3 =	smul.u32 $0xA000, s30  }
0x2d: {  	p3 =	por p0, !p1;
	s29 =	sshll.u32 s21, $0x7;
	_ =	swait.ge [sflag:s15], $0x2800  }
0x2e: {  	s29 =	sand.u32 $0x80, s29;
	[sflag:s15] =	ssyncset.done $0x0;
	s3 =	sshrl.u32 s3, $0x2  }
0x2f: {  	s29 =	sor.u32 $0x100, s29;
	[sflag:s15] =	ssyncadd.s32 $0xFFFFD800;
	s3 =	sadd.s32 $0x5200, s3  }
0x30: {  	[tilespmem:s3], [sflag:$0x9] =	stream.indirect.gather [hbm4b:s4+s14], $0x80, s29, s14, $0x2000b8;
	[tilespmem:$0xA200] =	vst v63  }
0x31: {  	s28 =	sadd.s32 @p3 s9, s28;
	_ =	swait.ge [sflag:s15], $0x2800  }
0x32: {  	s28 =	smul.u32 @p3 $0x2800, s28;
	[sflag:s15] =	ssyncset.done $0x0  }
0x33: {  	[sflag:s15] =	ssyncadd.s32 $0xFFFFD800  }
0x34: {  	s28 =	sshrl.u32 @p3 s28, $0x3;
	s29 =	simm.s32 $0x0;
	_ =	strace $0x90000050  }
0x35: {  	s29 =	sadd.s32 @p3 $0x5, s31;
	s31 =	sadd.s32 @p3 s7, s28;
	_ =	strace @p3 $0x80000051  }
0x36: {  	[hbm4b:s31+s2] =	stream.linear.scatter @p3 [tilespmem:s0], [sflag:s29], $0x2800, $0x200038;
	[tilespmem:$0xA200] =	vst v63  }
0x37: {  	p1 =	por !p1, p0;
	s20 =	sadd.s32 @p3 $0x1, s20;
	_ =	strace @p3 $0x90000051  }
0x38: {  	s28 =	sadd.s32 @p3 s8, s28;
	s0 =	sadd.s32 @p3 $0x7, s30;
	_ =	strace @p3 $0x80000052  }
0x39: {  	[hbm4b:s28+s2] =	stream.linear.scatter @p3 [tilespmem:s3], [sflag:s0], $0x2800, $0x200038;
	[tilespmem:$0xA200] =	vst v63  }
0x3a: {  	s29 =	simm.s32 @p3 $0x1;
	_ =	strace @p3 $0x90000052;
	p3 =	seq.s32 s18, $0x7D  }
0x3b: {  	s30 =	smov.u32 s26;
	s19 =	sadd.s32 s19, s29;
	s0 =	sand.u32 @!p3 $0x1, s24  }
0x3c: {  	s23 =	sadd.s32 s23, s29;
	_ =	strace @!p3 $0x80000053;
	s0 =	sadd.s32 @!p3 $0x5, s0  }
0x3d: {  	s21 =	sadd.s32 s21, s29;
	s3 =	sadd.s32 @!p2 $0x1, s26;
	_ =	swait.ge @!p3 [sflag:s0], $0x2800  }
0x3e: {  	s30 =	smov.u32 @p1 s3;
	s18 =	sadd.s32 $0xFFFFFFFF, s18;
	[sflag:s0] =	ssyncset.done @!p3 $0x0  }
0x3f: {  	s28 =	sand.u32 @!p3 $0x1, s17;
	[sflag:s0] =	ssyncadd.s32 @!p3 $0xFFFFD800;
	s0 =	simm.s32 $0x0  }
0x40: {  	s30 =	smov.u32 @p0 s26;
	s3 =	simm.s32 @!p3 $0x1;
	s0 =	simm.s32 @p1 $0x1  }
0x41: {  	_ =	strace @!p3 $0x90000053;
	s0 =	simm.s32 @p0 $0x0;
	p0 =	sne.s32 s18, $0x0  }
.Ltmp0:
0x42: {  	s28 =	sadd.s32 @!p3 $0x7, s28;
	_ =	strace @!p3 $0x80000054;
	(pc) =	sbr.rel @p0 .LBB2_2-.Ltmp0, $4  }
0x43: {  	s3 =	simm.s32 @p3 $0x0;
	s26 =	smov.u32 s30;
	_ =	swait.ge @!p3 [sflag:s28], $0x2800  }
0x44: {  	s22 =	sadd.s32 s22, s0;
	s0 =	sadd.s32 @!p3 $0x1, s24;
	[sflag:s28] =	ssyncset.done @!p3 $0x0  }
0x45: {  	s17 =	sadd.s32 s17, s3;
	s0 =	smov.u32 @p3 s24;
	[sflag:s28] =	ssyncadd.s32 @!p3 $0xFFFFD800  }
0x46: {  	s28 =	smov.u32 s25;
	s24 =	smov.u32 s0;
	_ =	strace @!p3 $0x90000054  }
0x47: {  	s0 =	sand.u32 $0x1, s0  }
0x48: {  	_ =	strace $0x80000055;
	s0 =	sadd.s32 $0x5, s0  }
0x49: {  	s16 =	sadd.s32 $0x1, s16;
	_ =	swait.ge [sflag:s0], $0x2800  }
0x4a: {  	s3 =	sand.u32 $0x1, s17;
	p0 =	sne.s32 s16, s12;
	[sflag:s0] =	ssyncset.done $0x0  }
.Ltmp1:
0x4b: {  	s31 =	sadd.s32 $0x7, s3;
	[sflag:s0] =	ssyncadd.s32 $0xFFFFD800;
	(pc) =	sbr.rel @p0 .LBB2_1-.Ltmp1, $4  }
0x4c: {  	_ =	swait.ge [sflag:s31], $0x2800  }
0x4d: {  	[sflag:s31] =	ssyncset.done $0x0  }
0x4e: {  	[sflag:s31] =	ssyncadd.s32 $0xFFFFD800  }
0x4f: {  	_ =	strace $0x90000055  }
0x50: {  	_ =	sfence.sel $0x180000  }
0x51: {  	[bflag:$0x0] =	sbarrier.arrive $0xFFFF  }
0x52: {  	_ =	strace $0x9000004A  }
0x53: {  	s0 =	stileid.u32;
	[bflag:$0x2] =	sbarrier.arrive $0xFFFF  }
0x54: {  	p0 =	sne.s32 s0, $0x0;
	s0 =	rddreg [dreg:$0x2]  }
0x55: {  	s0 =	sadd.s32 @!p0 $0x100000, s0  }
0x56: {  	[sflag:s0] =	ssyncadd.tile.s32 @!p0 $0x1;
	_ =	shalt  }
.Lfunc_end2:
_tile_overlayer_lowered:
.L_overlay_start_2:
0x57: {  	(tag) =	ssettag $0x2  }
0x58: {  	s0 =	rddreg [dreg:$0x0];
	s2 =	stileid.u32  }
0x59: {  	s1 =	rddreg [dreg:$0x1];
	p0 =	sne.s32 s2, $0x0  }
0x5a: {  	s3 =	rddreg [dreg:$0x2];
	[bflag:$0x3] =	sbarrier.arrive $0xFFFF;
	s2 =	simm.s32 @!p0 $0x1C01  }
0x5b: {  	[timem:s3], [sflag:s2] =	dma.local @!p0 [hbm:s0], s1  }
0x5c: {  	s0 =	simm.s32 @!p0 $0x1  }
0x5d: {  	_ =	swait.ge @!p0 [sflag:s0], s1  }
0x5e: {  	s1 =	ssub.s32 @!p0 $0x0, s1;
	[sflag:s0] =	ssyncset.done @!p0 $0x0  }
0x5f: {  	[sflag:s0] =	ssyncadd.s32 @!p0 s1  }
0x60: {  	[bflag:$0x3] =	sbarrier.arrive $0xFFFF  }
0x61: {  	_ =	shalt  }

// kernel: kernel.14.cloned.1.call-start
scs
__scs_entry_jumppad:
0x0: {  	(pc) =	sbr.rel $0x88, $3  }
0x1: {  	(tag) =	ssettag $0x0;
	lr =	simm.s32 $0x1  }
0x2: {  	[smem:$0x3F92] =	sst lr;
	_ =	strace $0xD0000000  }
0x3: {  	_ = 	snop  }
0x4: {  	_ = 	snop  }
0x5: {  	_ = 	snop  }
0x6: {  	_ = 	snop  }
0x7: {  	_ = 	snop  }
__scs_overlays_trampoline_lowered:
0x8: {  	[smem:$0x3FA1] =	sst s0  }
0x9: {  	[smem:$0x3FA2] =	sst s1  }
0xa: {  	[smem:$0x3FA3] =	sst s2  }
0xb: {  	[smem:$0x3FA4] =	sst s3  }
0xc: {  	[smem:$0x3FA5] =	sst s4  }
0xd: {  	[smem:$0x3FA6] =	sst s5  }
0xe: {  	[smem:$0x3FA7] =	sst s6  }
0xf: {  	[smem:$0x3FA8] =	sst s7  }
0x10: {  	[smem:$0x3FA9] =	sst s8  }
0x11: {  	[smem:$0x3FAA] =	sst s9;
	s0 =	simm.s32 @!p0 $0x0  }
0x12: {  	s1 =	sld [smem:$0x3F90];
	s0 =	simm.s32 @p0 $0x1  }
0x13: {  	[smem:$0x3FAB] =	sst s0;
	s0 =	simm.s32 @!p1 $0x0  }
0x14: {  	s2 =	sld [smem:$0x3F8F];
	s0 =	simm.s32 @p1 $0x1  }
0x15: {  	[smem:$0x3FAC] =	sst s0;
	s0 =	simm.s32 @!p2 $0x0  }
0x16: {  	s3 =	sld [smem:$0x3FDB];
	s0 =	simm.s32 @p2 $0x1  }
0x17: {  	s4 =	simm.s32 $0x1BF5;
	[smem:$0x3FAE] =	sst s0  }
0x18: {  	s0 =	sld [smem:$0x3F91];
	_ =	swait.ge [sflag:s4], $0x0  }
0x19: {  	s7 =	sld [smem:$0x3F92]  }
0x1a: {  	s8 =	sadd.s32 $0xFFFFE003, lr  }
0x1b: {  	s9 =	sadd.s32 $0xFFFFFEF7, lr;
	s5 =	simm.s32 $0xFFFFFFFF;
	p2 =	slt.u32 s8, $0xFFFFF086  }
0x1c: {  	p1 =	slt.u32 s9, $0xF7A;
	s5 =	simm.s32 @!p2 $0x0  }
0x1d: {  	s5 =	simm.s32 @p1 $0x1;
	p0 =	seq.s32 s7, s2  }
0x1e: {  	s7 =	smul.u32 @!p0 $0xF7A, s2;
	p2 =	seq.s32 @!p0 s5, $0x0  }
0x1f: {  	s9 =	smul.u32 $0xF7A, s1;
	s8 =	simm.s32 @!p0 $0x1BF5;
	p2 =	por !p2, p0  }
0x20: {  	[sflag:s8] =	ssyncset.s32 @!p0 $0xFFFFF086;
	s6 =	sadd.s32 @!p0 s3, s7;
	s7 =	simm.s32 @!p0 $0x108  }
0x21: {  	s3 =	sadd.s32 s3, s9;
	s6 =	sadd.s32 @!p0 $0x88, s6;
	s7 =	simm.s32 @p2 $0x1082  }
0x22: {  	[simem:s7], [sflag:s8] =	dma.local @!p0 [hbm:s6], $0xF7A  }
0x23: {  	s9 =	sor.u32 $0xD0000000, s2;
	s6 =	simm.s32 $0x108;
	_ =	swait.ge @!p0 [sflag:s8], $0x0  }
0x24: {  	s3 =	sadd.s32 $0x88, s3;
	s6 =	simm.s32 @!p1 $0x1082;
	[sflag:s4] =	ssyncset.s32 $0xFFFFF086  }
0x25: {  	[simem:s6], [sflag:s4] =	dma.local [hbm:s3], $0xF7A  }
0x26: {  	[smem:$0x3F92] =	sst s1;
	(tag) =	ssettag s2;
	_ =	strace s9  }
0x27: {  	s1 =	sld [smem:$0x3FA2]  }
0x28: {  	s2 =	sld [smem:$0x3FA3]  }
0x29: {  	s4 =	sld [smem:$0x3FA5]  }
0x2a: {  	p0 =	seq.s32 s5, $0x0;
	s5 =	sld [smem:$0x3FA6]  }
0x2b: {  	s6 =	sld [smem:$0x3FA7]  }
0x2c: {  	s7 =	sld [smem:$0x3FA8]  }
0x2d: {  	s3 =	simm.s32 $0x108;
	s8 =	sld [smem:$0x3FA9]  }
0x2e: {  	s3 =	simm.s32 @!p0 $0x1082;
	s9 =	sld [smem:$0x3FAA]  }
0x2f: {  	lr =	sadd.s32 s0, s3;
	s0 =	sld [smem:$0x3FA1]  }
0x30: {  	s3 =	sld [smem:$0x3FA4]  }
0x31: {  	[smem:$0x3FAD] =	sst s10  }
0x32: {  	s10 =	sld [smem:$0x3FAB];
	_ =	sdelay $0x3  }
0x33: {  	p0 =	seq.s32 s10, $0x1;
	s10 =	sld [smem:$0x3FAD];
	_ =	sdelay $0x3  }
0x34: {  	[smem:$0x3FAD] =	sst s10  }
0x35: {  	s10 =	sld [smem:$0x3FAC];
	_ =	sdelay $0x3  }
0x36: {  	p1 =	seq.s32 s10, $0x1;
	s10 =	sld [smem:$0x3FAD];
	_ =	sdelay $0x3  }
0x37: {  	[smem:$0x3FAD] =	sst s10  }
0x38: {  	s10 =	sld [smem:$0x3FAE]  }
0x39: {  	_ = 	snop;
	(pc) =	sbr.ind lr, $3  }
0x3a: {  	_ = 	snop  }
0x3b: {  	_ = 	snop  }
0x3c: {  	p2 =	seq.s32 s10, $0x1;
	s10 =	sld [smem:$0x3FAD]  }
0x3d: {  	_ =	shalt  }
0x3e: {  	_ =	shalt  }
0x3f: {  	_ =	shalt  }
0x40: {  	_ =	shalt  }
0x41: {  	_ =	shalt  }
0x42: {  	_ =	shalt  }
0x43: {  	_ =	shalt  }
0x44: {  	_ =	shalt  }
0x45: {  	_ =	shalt  }
0x46: {  	_ =	shalt  }
0x47: {  	_ =	shalt  }
0x48: {  	_ =	shalt  }
0x49: {  	_ =	shalt  }
0x4a: {  	_ =	shalt  }
0x4b: {  	_ =	shalt  }
0x4c: {  	_ =	shalt  }
0x4d: {  	_ =	shalt  }
0x4e: {  	_ =	shalt  }
0x4f: {  	_ =	shalt  }
0x50: {  	_ =	shalt  }
0x51: {  	_ =	shalt  }
0x52: {  	_ =	shalt  }
0x53: {  	_ =	shalt  }
0x54: {  	_ =	shalt  }
0x55: {  	_ =	shalt  }
0x56: {  	_ =	shalt  }
0x57: {  	_ =	shalt  }
0x58: {  	_ =	shalt  }
0x59: {  	_ =	shalt  }
0x5a: {  	_ =	shalt  }
0x5b: {  	_ =	shalt  }
0x5c: {  	_ =	shalt  }
0x5d: {  	_ =	shalt  }
0x5e: {  	_ =	shalt  }
0x5f: {  	_ =	shalt  }
0x60: {  	_ =	shalt  }
0x61: {  	_ =	shalt  }
0x62: {  	_ =	shalt  }
0x63: {  	_ =	shalt  }
0x64: {  	_ =	shalt  }
0x65: {  	_ =	shalt  }
0x66: {  	_ =	shalt  }
0x67: {  	_ =	shalt  }
0x68: {  	_ =	shalt  }
0x69: {  	_ =	shalt  }
0x6a: {  	_ =	shalt  }
0x6b: {  	_ =	shalt  }
0x6c: {  	_ =	shalt  }
0x6d: {  	_ =	shalt  }
0x6e: {  	_ =	shalt  }
0x6f: {  	_ =	shalt  }
0x70: {  	_ =	shalt  }
0x71: {  	_ =	shalt  }
0x72: {  	_ =	shalt  }
0x73: {  	_ =	shalt  }
0x74: {  	_ =	shalt  }
0x75: {  	_ =	shalt  }
0x76: {  	_ =	shalt  }
0x77: {  	_ =	shalt  }
0x78: {  	_ =	shalt  }
0x79: {  	_ =	shalt  }
0x7a: {  	_ =	shalt  }
0x7b: {  	_ =	shalt  }
0x7c: {  	_ =	shalt  }
0x7d: {  	_ =	shalt  }
0x7e: {  	_ =	shalt  }
0x7f: {  	_ =	shalt  }
0x80: {  	_ =	shalt  }
0x81: {  	_ =	shalt  }
0x82: {  	_ =	shalt  }
0x83: {  	_ =	shalt  }
0x84: {  	_ =	shalt  }
0x85: {  	_ =	shalt  }
0x86: {  	_ =	shalt  }
0x87: {  	_ =	shalt  }
.Lfunc_end0:
.L_simem_size_0:
called_computation.2_lowered:
.L_overlay_start_0:
0x88: {  	s2 =	sld [smem:$0x3FD9]  }
0x89: {  	s3 =	sld [smem:$0x3FFE];
	_ =	sdelay $0x1  }
0x8a: {  	s1 =	srdreg.scid  }
0x8b: {  	s0 =	sand.u32 $0x1, s1  }
0x8c: {  	s14 =	sshll.u32 s0, $0xA;
	s2 =	sadd.s32 s3, s2  }
0x8d: {  	s2 =	sadd.s32 s2, s14  }
0x8e: {  	[smem:$0x3FB9] =	sst s2  }
0x8f: {  	_ = 	snop  }
0x90: {  	s2 =	sld [smem:$0x3FD0];
	_ =	sdelay $0x2  }
0x91: {  	s15 =	simm.s32 $0xB;
	s4 =	simm.s32 $0x10  }
0x92: {  	[smem:s4], [sflag:s15] =	dma.local [hbm:s2], $0x1  }
0x93: {  	_ =	swait.eq [sflag:s15], $0x1  }
0x94: {  	[sflag:s15] =	ssyncset.done $0x0  }
0x95: {  	s16 =	sld [smem:$0x10];
	[sflag:s15] =	ssyncadd.s32 $0xFFFFFFFF  }
0x96: {  	s17 =	sld [smem:$0x12];
	(tm) =	ssettm $0x1  }
0x97: {  	s18 =	sld [smem:$0x3FFB];
	_ =	sdelay $0x3  }
0x98: {  	_ =	strace s18  }
0x99: {  	s4 =	sld [smem:$0x3FFC];
	_ =	sdelay $0x3  }
0x9a: {  	_ =	strace s4  }
0x9b: {  	s4 =	sld [smem:$0x3FFD];
	_ =	sdelay $0x3  }
0x9c: {  	_ =	strace s4  }
0x9d: {  	_ =	strace $0x8FFFFFFF  }
0x9e: {  	s19 =	sld [smem:$0x3FDB];
	_ =	sdelay $0x1  }
0x9f: {  	s5 =	simm.s32 $_scs_section_size  }
0xa0: {  	s6 =	simm.s32 $_size__tile_overlayer_lowered;
	s7 =	simm.s32 $_tile_overlayer_lowered  }
0xa1: {  	s22 =	simm.s32 $0x1BFF;
	s21 =	sshll.u32 s7, $0x1;
	s4 =	sadd.s32 s5, s19  }
0xa2: {  	s8 =	simm.s32 $0x0;
	s20 =	sshll.u32 s6, $0x1;
	s6 =	sadd.s32 s21, s4  }
0xa3: {  	[timem:s8], [sflag:s22] =	dma.local [hbm:s6], s20  }
0xa4: {  	_ =	swait.ge [sflag:s22], s20  }
0xa5: {  	s5 =	ssub.s32 $0x0, s20;
	[sflag:s22] =	ssyncset.done $0x0  }
0xa6: {  	[sflag:s22] =	ssyncadd.s32 s5;
	_ =	sdelay $0x1  }
0xa7: {  	s23 =	simm.s32 $0x1B8B  }
0xa8: {  	_ =	swait.ge [sflag:s23], $0x1  }
0xa9: {  	[sflag:s23] =	ssyncset.done $0x0  }
0xaa: {  	s25 =	simm.s32 $0x1B8E;
	s24 =	sld [smem:$0x3FFE];
	[sflag:s23] =	ssyncadd.s32 $0xFFFFFFFF  }
0xab: {  	s26 =	simm.s32 $execute0_lowered;
	[smem:$0x3FD2] =	sst s25  }
0xac: {  	s6 =	sshll.u32 s26, $0x1;
	_ =	strace $0x80000057;
	[dreg:$0x1] =	wrdreg $0xFFFFFFFF  }
0xad: {  	s28 =	simm.s32 $_size_execute0_lowered;
	s4 =	sadd.s32 s4, s6;
	[dreg:$0x0] =	wrdreg $0x0  }
0xae: {  	s6 =	sshll.u32 s28, $0x1;
	[dreg:$0x2] =	wrdreg s4  }
0xaf: {  	[dreg:$0x3] =	wrdreg s6  }
0xb0: {  	[dreg:$0x4] =	wrdreg $0xC0  }
0xb1: {  	_ =	task [dreg:s8], $0x5FFFF  }
0xb2: {  	[dreg:$0x1] =	wrdreg $0xFFFFFFFF  }
0xb3: {  	[dreg:$0x0] =	wrdreg $0x60  }
0xb4: {  	[dreg:$0x2] =	wrdreg s24  }
0xb5: {  	[dreg:$0x3] =	wrdreg s17  }
0xb6: {  	[dreg:$0x4] =	wrdreg s16  }
0xb7: {  	[dreg:$0x5] =	wrdreg $0x0  }
0xb8: {  	[dreg:$0x6] =	wrdreg $0x138800  }
0xb9: {  	[dreg:$0x7] =	wrdreg $0x9  }
0xba: {  	_ =	task.clear_ibuf [dreg:s8], $0x8FFFF;
	_ =	strace $0x90000057  }
0xbb: {  	s29 =	simm.s32 $0x9;
	_ =	strace $0x80000059  }
0xbc: {  	_ =	swait.ge [sflag:s29], $0x1  }
0xbd: {  	[sflag:s29] =	ssyncadd.s32 $0xFFFFFFFF  }
0xbe: {  	_ =	strace $0x90000059  }
0xbf: {  	_ =	sfence  }
0xc0: {  	s30 =	sld [smem:$0x0];
	_ =	sdelay $0x2  }
0xc1: {  	s31 =	sshll.u32 s1, $0xD;
	s1 =	sshrl.u32 s1, $0x2  }
0xc2: {  	s3 =	sand.u32 $0x4000, s31;
	s1 =	sadd.s32 s1, s30  }
0xc3: {  	s0 =	sor.u32 s3, s0;
	s1 =	sshll.u32 s1, $0x11  }
0xc4: {  	s0 =	sor.u32 s1, s0  }
0xc5: {  	s0 =	sadd.s32 $0x8F2B, s0  }
0xc6: {  	[sflag:s0] =	ssyncadd.remote.s32 $0x1  }
0xc7: {  	_ =	sfence.sel $0xFFFF  }
0xc8: {  	[dreg:$0x0] =	wrdreg $0xFFFFFFFF;
	(pc) =	sbr.abs _section_cstart, $3  }
0xc9: {  	[dreg:$0x1] =	wrdreg $0xFFFFFFFF  }
0xca: {  	_ =	task.clear_ibuf [dreg:s8], $0x2FFFF;
	_ =	strace $0x9FFFFFFF  }
0xcb: {  	(tm) =	ssettm $0x7FFFFFFF  }
tec
execute0_lowered:
.L_overlay_start_1:
0x0: {  	(tag) =	ssettag $0x1  }
0x1: {  	s0 =	rddreg [dreg:$0x0]  }
0x2: {  	s1 =	rddreg [dreg:$0x2]  }
0x3: {  	s2 =	rddreg [dreg:$0x3]  }
0x4: {  	s3 =	rddreg [dreg:$0x4];
	s4 =	simm.s32 $0x0  }
0x5: {  	s6 =	srdreg.scid;
	[smem:$0x7FF] =	sst s4;
	s8 =	sadd.s32 $0x14C3200, s0  }
0x6: {  	s11 =	stileid.u32;
	s10 =	sadd.s32 $0x19A5200, s0;
	s5 =	sadd.s32 $0xAC0A00, s0  }
0x7: {  	s12 =	sand.u32 $0x1, s6;
	s6 =	sadd.s32 $0xADFE00, s0;
	s7 =	smul.u32 $0xA000, s11  }
0x8: {  	s0 =	sadd.s32 $0xAFF200, s0;
	s13 =	smul.u32 $0x50, s11;
	s25 =	sadd.s32 $0x138000, s2  }
0x9: {  	_ =	strace $0x80000058;
	s9 =	sshll.u32 s12, $0x4;
	s26 =	smul.u32 $0x500, s12  }
0xa: {  	s14 =	ssub.s32 $0x2, s12;
	s20 =	smul.u32 $0x138800, s12;
	s9 =	sor.u32 s11, s9  }
0xb: {  	[dreg:$0x8] =	wrdreg s25;
	s7 =	sshrl.u32 s7, $0x2;
	s15 =	smul.u32 $0xFA0, s9  }
0xc: {  	s16 =	sshrl.u32 s14, $0x1;
	s19 =	sadd.s32 s7, s3;
	s17 =	smul.u32 $0x27100, s9  }
0xd: {  	s14 =	ssub.s32 s14, s16;
	s13 =	sadd.s32 s13, s26;
	s26 =	smul.u32 $0x271000, s12  }
0xe: {  	s23 =	sshrl.u32 s20, $0x3;
	s20 =	smul.u32 $0x27100, s12;
	s24 =	sadd.s32 $0x1800, s19  }
0xf: {  	s13 =	sshll.u32 s13, $0x4;
	[dreg:$0x6] =	wrdreg s19;
	s9 =	sadd.s32 s5, s15  }
0x10: {  	s15 =	sadd.s32 s6, s15;
	s18 =	sadd.s32 s8, s17;
	[dreg:$0x7] =	wrdreg s24  }
0x11: {  	s21 =	sadd.s32 s10, s17;
	s22 =	sadd.s32 s1, s13;
	[dreg:$0x9] =	wrdreg s9  }
0x12: {  	s1 =	sadd.s32 s0, s23;
	s8 =	sadd.s32 s26, s8;
	[dreg:$0xa] =	wrdreg s15  }
0x13: {  	s10 =	sadd.s32 s26, s10;
	[dreg:$0xb] =	wrdreg s18;
	s18 =	smul.u32 $0x4E000, s11  }
0x14: {  	s23 =	smax.u32 s14, $0x1;
	[dreg:$0xc] =	wrdreg s21;
	s9 =	smul.u32 $0xFA0, s12  }
0x15: {  	[dreg:$0xd] =	wrdreg s22;
	s7 =	sadd.s32 $0x300, s22;
	s15 =	smul.u32 $0xFA, s11  }
0x16: {  	s1 =	sadd.s32 $0x27000, s1;
	s22 =	smul.u32 $0x2700, s11;
	[dreg:$0x11] =	wrdreg s23  }
0x17: {  	[dreg:$0xe] =	wrdreg s7;
	s7 =	smul.u32 $0x27100, s11;
	s18 =	sshrl.u32 s18, $0x2  }
0x18: {  	[dreg:$0xf] =	wrdreg s1;
	s21 =	sadd.s32 s15, s9;
	s12 =	sadd.s32 s18, s2  }
0x19: {  	s16 =	sadd.s32 s7, s8;
	s26 =	sadd.s32 $0x1800, s12;
	[dreg:$0x10] =	wrdreg s12  }
0x1a: {  	s9 =	sshll.u32 s21, $0x4;
	s8 =	sadd.s32 $0x3000, s12;
	[dreg:$0x12] =	wrdreg s26  }
0x1b: {  	s0 =	sadd.s32 s20, s0;
	s1 =	sor.u32 $0x10, s9;
	[dreg:$0x13] =	wrdreg s8  }
0x1c: {  	s22 =	sadd.s32 s22, s0;
	s0 =	sadd.s32 $0x20, s9;
	[dreg:$0x14] =	wrdreg s1  }
0x1d: {  	s17 =	sadd.s32 s7, s10;
	s10 =	sadd.s32 $0x4800, s12;
	[dreg:$0x15] =	wrdreg s0  }
0x1e: {  	p0 =	sne.s32 s11, $0x0;
	s11 =	sadd.s32 $0x6000, s12;
	[dreg:$0x16] =	wrdreg s10  }
0x1f: {  	s13 =	sadd.s32 $0x7800, s12;
	[dreg:$0x17] =	wrdreg s11  }
0x20: {  	s14 =	sadd.s32 $0x9000, s12;
	[dreg:$0x18] =	wrdreg s13  }
0x21: {  	s15 =	sadd.s32 $0xA800, s12;
	[dreg:$0x19] =	wrdreg s14  }
0x22: {  	s18 =	sadd.s32 $0xC000, s12;
	[dreg:$0x1a] =	wrdreg s15  }
0x23: {  	s20 =	sadd.s32 $0xD800, s12;
	[dreg:$0x1b] =	wrdreg s18  }
0x24: {  	s28 =	simm.s32 $0x18A00;
	s21 =	sadd.s32 $0xF000, s12;
	[dreg:$0x1c] =	wrdreg s20  }
0x25: {  	s29 =	simm.s32 $0x18A80;
	s23 =	sadd.s32 $0x10800, s12;
	[dreg:$0x1d] =	wrdreg s21  }
0x26: {  	s30 =	simm.s32 $0x19E80;
	s31 =	simm.s32 $0x28;
	[dreg:$0x1e] =	wrdreg s23  }
0x27: {  	s26 =	sadd.s32 $0x12000, s12;
	s13 =	simm.s32 $0x1B280;
	s15 =	simm.s32 $0x3  }
0x28: {  	s18 =	simm.s32 $0x16080;
	s14 =	simm.s32 $0x16100;
	s20 =	simm.s32 $0x16180  }
0x29: {  	s21 =	simm.s32 $0x17580;
	s23 =	simm.s32 $0x1;
	s0 =	simm.s32 $0x2  }
0x2a: {  	s1 =	simm.s32 $0x0;
	[dreg:$0x1f] =	wrdreg s26;
	s26 =	simm.s32 $0x18980  }
.LBB2_1:
0x2b: {  	s7 =	rddreg [dreg:$0x1]  }
0x2c: {  	[tilespmem:s13], [sflag:$0x3] =	stream.linear.gather [hbm4b:s7+s4], $0x1800, $0x38;
	[tilespmem:$0x1CA80] =	vst v63  }
0x2d: {  	_ =	swait.ge [sflag:s15], $0x1800  }
0x2e: {  	[sflag:s15] =	ssyncset.done $0x0  }
0x2f: {  	[sflag:s15] =	ssyncadd.s32 $0xFFFFE800  }
0x30: {  	[spmem:s12] =	stream.linear.scatter [tilespmem:s13], [sflag:$0x3], $0x1800, $0x38;
	[tilespmem:$0x1CA80] =	vst v63  }
0x31: {  	_ =	swait.ge [sflag:s15], $0x1800  }
0x32: {  	[sflag:s15] =	ssyncset.done $0x0  }
0x33: {  	s11 =	rddreg [dreg:$0x12];
	[sflag:s15] =	ssyncadd.s32 $0xFFFFE800  }
0x34: {  	[spmem:s11] =	stream.linear.scatter [tilespmem:s13], [sflag:$0x3], $0x1800, $0x38;
	[tilespmem:$0x1CA80] =	vst v63  }
0x35: {  	_ =	swait.ge [sflag:s15], $0x1800  }
0x36: {  	[sflag:s15] =	ssyncset.done $0x0  }
0x37: {  	s12 =	rddreg [dreg:$0x13];
	[sflag:s15] =	ssyncadd.s32 $0xFFFFE800  }
0x38: {  	[spmem:s12] =	stream.linear.scatter [tilespmem:s13], [sflag:$0x3], $0x1800, $0x38;
	[tilespmem:$0x1CA80] =	vst v63  }
0x39: {  	_ =	swait.ge [sflag:s15], $0x1800  }
0x3a: {  	[sflag:s15] =	ssyncset.done $0x0  }
0x3b: {  	s8 =	rddreg [dreg:$0x16];
	[sflag:s15] =	ssyncadd.s32 $0xFFFFE800  }
0x3c: {  	[spmem:s8] =	stream.linear.scatter [tilespmem:s13], [sflag:$0x3], $0x1800, $0x38;
	[tilespmem:$0x1CA80] =	vst v63  }
0x3d: {  	_ =	swait.ge [sflag:s15], $0x1800  }
0x3e: {  	[sflag:s15] =	ssyncset.done $0x0  }
0x3f: {  	s9 =	rddreg [dreg:$0x17];
	[sflag:s15] =	ssyncadd.s32 $0xFFFFE800  }
0x40: {  	[spmem:s9] =	stream.linear.scatter [tilespmem:s13], [sflag:$0x3], $0x1800, $0x38;
	[tilespmem:$0x1CA80] =	vst v63  }
0x41: {  	_ =	swait.ge [sflag:s15], $0x1800  }
0x42: {  	[sflag:s15] =	ssyncset.done $0x0  }
0x43: {  	s10 =	rddreg [dreg:$0x18];
	[sflag:s15] =	ssyncadd.s32 $0xFFFFE800  }
0x44: {  	[spmem:s10] =	stream.linear.scatter [tilespmem:s13], [sflag:$0x3], $0x1800, $0x38;
	[tilespmem:$0x1CA80] =	vst v63  }
0x45: {  	_ =	swait.ge [sflag:s15], $0x1800  }
0x46: {  	[sflag:s15] =	ssyncset.done $0x0  }
0x47: {  	s11 =	rddreg [dreg:$0x19];
	[sflag:s15] =	ssyncadd.s32 $0xFFFFE800  }
0x48: {  	[spmem:s11] =	stream.linear.scatter [tilespmem:s13], [sflag:$0x3], $0x1800, $0x38;
	[tilespmem:$0x1CA80] =	vst v63  }
0x49: {  	_ =	swait.ge [sflag:s15], $0x1800  }
0x4a: {  	[sflag:s15] =	ssyncset.done $0x0  }
0x4b: {  	s12 =	rddreg [dreg:$0x1a];
	[sflag:s15] =	ssyncadd.s32 $0xFFFFE800  }
0x4c: {  	[spmem:s12] =	stream.linear.scatter [tilespmem:s13], [sflag:$0x3], $0x1800, $0x38;
	[tilespmem:$0x1CA80] =	vst v63  }
0x4d: {  	_ =	swait.ge [sflag:s15], $0x1800  }
0x4e: {  	[sflag:s15] =	ssyncset.done $0x0  }
0x4f: {  	s8 =	rddreg [dreg:$0x1b];
	[sflag:s15] =	ssyncadd.s32 $0xFFFFE800  }
0x50: {  	[spmem:s8] =	stream.linear.scatter [tilespmem:s13], [sflag:$0x3], $0x1800, $0x38;
	[tilespmem:$0x1CA80] =	vst v63  }
0x51: {  	_ =	swait.ge [sflag:s15], $0x1800  }
0x52: {  	[sflag:s15] =	ssyncset.done $0x0  }
0x53: {  	s9 =	rddreg [dreg:$0x1c];
	[sflag:s15] =	ssyncadd.s32 $0xFFFFE800  }
0x54: {  	[spmem:s9] =	stream.linear.scatter [tilespmem:s13], [sflag:$0x3], $0x1800, $0x38;
	[tilespmem:$0x1CA80] =	vst v63  }
0x55: {  	_ =	swait.ge [sflag:s15], $0x1800  }
0x56: {  	[sflag:s15] =	ssyncset.done $0x0  }
0x57: {  	s10 =	rddreg [dreg:$0x1d];
	[sflag:s15] =	ssyncadd.s32 $0xFFFFE800  }
0x58: {  	[spmem:s10] =	stream.linear.scatter [tilespmem:s13], [sflag:$0x3], $0x1800, $0x38;
	[tilespmem:$0x1CA80] =	vst v63  }
0x59: {  	_ =	swait.ge [sflag:s15], $0x1800  }
0x5a: {  	[sflag:s15] =	ssyncset.done $0x0  }
0x5b: {  	s11 =	rddreg [dreg:$0x1e];
	[sflag:s15] =	ssyncadd.s32 $0xFFFFE800  }
0x5c: {  	[spmem:s11] =	stream.linear.scatter [tilespmem:s13], [sflag:$0x3], $0x1800, $0x38;
	[tilespmem:$0x1CA80] =	vst v63  }
0x5d: {  	_ =	swait.ge [sflag:s15], $0x1800  }
0x5e: {  	[sflag:s15] =	ssyncset.done $0x0  }
0x5f: {  	s12 =	rddreg [dreg:$0x1f];
	[sflag:s15] =	ssyncadd.s32 $0xFFFFE800  }
0x60: {  	[spmem:s12] =	stream.linear.scatter [tilespmem:s13], [sflag:$0x3], $0x1800, $0x38;
	[tilespmem:$0x1CA80] =	vst v63  }
0x61: {  	_ =	swait.ge [sflag:s15], $0x1800  }
0x62: {  	[sflag:s15] =	ssyncset.done $0x0  }
0x63: {  	[sflag:s15] =	ssyncadd.s32 $0xFFFFE800  }
0x64: {  	[spmem:s19] =	stream.linear.scatter [tilespmem:s13], [sflag:$0x3], $0x1800, $0x38;
	[tilespmem:$0x1CA80] =	vst v63  }
0x65: {  	_ =	swait.ge [sflag:s15], $0x1800  }
0x66: {  	[sflag:s15] =	ssyncset.done $0x0  }
0x67: {  	[sflag:s15] =	ssyncadd.s32 $0xFFFFE800  }
0x68: {  	[spmem:s24] =	stream.linear.scatter [tilespmem:s13], [sflag:$0x3], $0x1000, $0x38;
	[tilespmem:$0x1CA80] =	vst v63  }
0x69: {  	_ =	swait.ge [sflag:s15], $0x1000  }
0x6a: {  	[sflag:s15] =	ssyncset.done $0x0  }
0x6b: {  	s8 =	simm.s32 @!p0 $0x1B280;
	[sflag:s15] =	ssyncadd.s32 $0xFFFFF000  }
0x6c: {  	[spmem:s25] =	stream.linear.scatter @!p0 [tilespmem:s8], [sflag:$0x3], $0x800, $0x38;
	[tilespmem:$0x1CA80] =	vst v63  }
0x6d: {  	s8 =	simm.s32 @!p0 $0x3  }
0x6e: {  	_ =	swait.ge @!p0 [sflag:s8], $0x800  }
0x6f: {  	[sflag:s8] =	ssyncset.done @!p0 $0x0  }
0x70: {  	[sflag:s8] =	ssyncadd.s32 @!p0 $0xFFFFF800  }
0x71: {  	[bflag:$0x0] =	sbarrier.arrive $0xFFFF  }
0x72: {  	s24 =	rddreg [dreg:$0x9]  }
0x73: {  	[tilespmem:s18], [sflag:$0x1] =	stream.linear.gather [hbm4b:s24+s4], $0x80, $0x38;
	[tilespmem:$0x1CA80] =	vst v63  }
0x74: {  	s25 =	rddreg [dreg:$0xa]  }
0x75: {  	[tilespmem:s14], [sflag:$0x1] =	stream.linear.gather [hbm4b:s25+s4], $0x80, $0x38;
	[tilespmem:$0x1CA80] =	vst v63  }
0x76: {  	s8 =	rddreg [dreg:$0xb]  }
0x77: {  	[tilespmem:s20], [sflag:$0x1] =	stream.linear.gather [hbm4b:s8+s4], $0x1400, $0x38;
	[tilespmem:$0x1CA80] =	vst v63  }
0x78: {  	s9 =	rddreg [dreg:$0xc]  }
0x79: {  	[tilespmem:s21], [sflag:$0x1] =	stream.linear.gather [hbm4b:s9+s4], $0x1400, $0x38;
	[tilespmem:$0x1CA80] =	vst v63  }
0x7a: {  	_ =	swait.ge [sflag:s23], $0x80  }
0x7b: {  	[sflag:s23] =	ssyncset.done $0x0  }
0x7c: {  	[sflag:s23] =	ssyncadd.s32 $0xFFFFFF80  }
0x7d: {  	_ =	swait.ge [sflag:s23], $0x80  }
0x7e: {  	[sflag:s23] =	ssyncset.done $0x0  }
0x7f: {  	[sflag:s23] =	ssyncadd.s32 $0xFFFFFF80  }
0x80: {  	_ =	swait.ge [sflag:s23], $0x1400  }
0x81: {  	[sflag:s23] =	ssyncset.done $0x0  }
0x82: {  	[sflag:s23] =	ssyncadd.s32 $0xFFFFEC00  }
0x83: {  	_ =	swait.ge [sflag:s23], $0x1400  }
0x84: {  	[sflag:s23] =	ssyncset.done $0x0;
	s24 =	rddreg [dreg:$0x14]  }
0x85: {  	s10 =	sadd.s32 s24, s5;
	[sflag:s23] =	ssyncadd.s32 $0xFFFFEC00  }
0x86: {  	[tilespmem:s26], [sflag:$0x2] =	stream.linear.gather [hbm4b:s10+s4], $0x80, $0x38;
	[tilespmem:$0x1CA80] =	vst v63  }
0x87: {  	s11 =	sadd.s32 s24, s6;
	s10 =	sadd.s32 $0x0, s16  }
0x88: {  	[tilespmem:s28], [sflag:$0x2] =	stream.linear.gather [hbm4b:s11+s4], $0x80, $0x38;
	[tilespmem:$0x1CA80] =	vst v63  }
0x89: {  	s19 =	sadd.s32 $0x0, s17;
	s12 =	sadd.s32 $0x280, s10  }
0x8a: {  	[tilespmem:s29], [sflag:$0x2] =	stream.linear.gather [hbm4b:s12+s4], $0x1400, $0x38;
	[tilespmem:$0x1CA80] =	vst v63  }
0x8b: {  	s25 =	sadd.s32 $0x280, s19  }
0x8c: {  	[tilespmem:s30], [sflag:$0x2] =	stream.linear.gather [hbm4b:s25+s4], $0x1400, $0x38;
	[tilespmem:$0x1CA80] =	vst v63  }
0x8d: {  	_ = 	snop  }
0x8e: {  	[spmem:s2] =	stream.indirect.scatter.add.f32 [tilespmem:s20], [sflag:$0x3], $0x80, s18, s31, $0xb8;
	[tilespmem:$0x1CA80] =	vst v63  }
0x8f: {  	_ =	swait.ge [sflag:s15], $0x1400  }
0x90: {  	[sflag:s15] =	ssyncset.done $0x0  }
0x91: {  	[sflag:s15] =	ssyncadd.s32 $0xFFFFEC00  }
0x92: {  	[spmem:s3] =	stream.indirect.scatter.add.f32 [tilespmem:s21], [sflag:$0x3], $0x80, s14, s31, $0xb8;
	[tilespmem:$0x1CA80] =	vst v63  }
0x93: {  	_ =	swait.ge [sflag:s15], $0x1400  }
0x94: {  	[sflag:s15] =	ssyncset.done $0x0  }
0x95: {  	[sflag:s15] =	ssyncadd.s32 $0xFFFFEC00  }
0x96: {  	_ =	swait.ge [sflag:s0], $0x80  }
0x97: {  	[sflag:s0] =	ssyncset.done $0x0  }
0x98: {  	[sflag:s0] =	ssyncadd.s32 $0xFFFFFF80  }
0x99: {  	_ =	swait.ge [sflag:s0], $0x80  }
0x9a: {  	[sflag:s0] =	ssyncset.done $0x0  }
0x9b: {  	[sflag:s0] =	ssyncadd.s32 $0xFFFFFF80  }
0x9c: {  	_ =	swait.ge [sflag:s0], $0x1400  }
0x9d: {  	[sflag:s0] =	ssyncset.done $0x0  }
0x9e: {  	[sflag:s0] =	ssyncadd.s32 $0xFFFFEC00  }
0x9f: {  	p1 =	por $0x0, $0x0;
	_ =	swait.ge [sflag:s0], $0x1400  }
0xa0: {  	s10 =	simm.s32 @!p1 $0x0;
	[sflag:s0] =	ssyncset.done $0x0;
	s7 =	rddreg [dreg:$0x15]  }
0xa1: {  	s11 =	simm.s32 @!p1 $0x16080;
	s8 =	sadd.s32 @!p1 s7, s5;
	[sflag:s0] =	ssyncadd.s32 $0xFFFFEC00  }
0xa2: {  	[tilespmem:s11], [sflag:$0x1] =	stream.linear.gather @!p1 [hbm4b:s8+s10], $0x80, $0x38;
	[tilespmem:$0x1CA80] =	vst v63  }
0xa3: {  	s8 =	sadd.s32 @!p1 s7, s6;
	s11 =	simm.s32 @!p1 $0x16100  }
0xa4: {  	[tilespmem:s11], [sflag:$0x1] =	stream.linear.gather @!p1 [hbm4b:s8+s10], $0x80, $0x38;
	[tilespmem:$0x1CA80] =	vst v63  }
0xa5: {  	s8 =	sadd.s32 @!p1 $0x0, s16  }
0xa6: {  	s11 =	simm.s32 @!p1 $0x16180;
	s8 =	sadd.s32 @!p1 $0x500, s8  }
0xa7: {  	[tilespmem:s11], [sflag:$0x1] =	stream.linear.gather @!p1 [hbm4b:s8+s10], $0x1400, $0x38;
	[tilespmem:$0x1CA80] =	vst v63  }
0xa8: {  	s8 =	sadd.s32 @!p1 $0x0, s17  }
0xa9: {  	s11 =	simm.s32 @!p1 $0x17580;
	s8 =	sadd.s32 @!p1 $0x500, s8  }
0xaa: {  	[tilespmem:s11], [sflag:$0x1] =	stream.linear.gather @!p1 [hbm4b:s8+s10], $0x1400, $0x38;
	[tilespmem:$0x1CA80] =	vst v63  }
0xab: {  	_ = 	snop  }
0xac: {  	[spmem:s2] =	stream.indirect.scatter.add.f32 [tilespmem:s29], [sflag:$0x3], $0x80, s26, s31, $0xb8;
	[tilespmem:$0x1CA80] =	vst v63  }
0xad: {  	_ =	swait.ge [sflag:s15], $0x1400  }
0xae: {  	[sflag:s15] =	ssyncset.done $0x0  }
0xaf: {  	[sflag:s15] =	ssyncadd.s32 $0xFFFFEC00  }
0xb0: {  	[spmem:s3] =	stream.indirect.scatter.add.f32 [tilespmem:s30], [sflag:$0x3], $0x80, s28, s31, $0xb8;
	[tilespmem:$0x1CA80] =	vst v63  }
0xb1: {  	s10 =	simm.s32 $0x500;
	s11 =	sadd.s32 $0x20, s7;
	_ =	swait.ge [sflag:s15], $0x1400  }
.LBB2_2:
0xb2: {  	[sflag:s15] =	ssyncset.done $0x0  }
0xb3: {  	s24 =	sadd.s32 $0x20, s24;
	s8 =	smov.u32 s10;
	s10 =	sadd.s32 $0x500, s10  }
0xb4: {  	p1 =	sne.s32 s10, $0x27100;
	[sflag:s15] =	ssyncadd.s32 $0xFFFFEC00  }
0xb5: {  	_ =	swait.ge [sflag:s23], $0x80  }
0xb6: {  	[sflag:s23] =	ssyncset.done $0x0  }
0xb7: {  	[sflag:s23] =	ssyncadd.s32 $0xFFFFFF80  }
0xb8: {  	_ =	swait.ge [sflag:s23], $0x80  }
0xb9: {  	[sflag:s23] =	ssyncset.done $0x0  }
0xba: {  	[sflag:s23] =	ssyncadd.s32 $0xFFFFFF80  }
0xbb: {  	_ =	swait.ge [sflag:s23], $0x1400  }
0xbc: {  	[sflag:s23] =	ssyncset.done $0x0  }
0xbd: {  	[sflag:s23] =	ssyncadd.s32 $0xFFFFEC00  }
0xbe: {  	_ =	swait.ge [sflag:s23], $0x1400  }
0xbf: {  	s9 =	sadd.s32 s24, s5;
	[sflag:s23] =	ssyncset.done $0x0  }
0xc0: {  	[sflag:s23] =	ssyncadd.s32 $0xFFFFEC00  }
0xc1: {  	[tilespmem:s26], [sflag:$0x2] =	stream.linear.gather [hbm4b:s9+s4], $0x80, $0x38;
	[tilespmem:$0x1CA80] =	vst v63  }
0xc2: {  	s7 =	sadd.s32 s8, s16;
	s9 =	sadd.s32 s24, s6  }
0xc3: {  	[tilespmem:s28], [sflag:$0x2] =	stream.linear.gather [hbm4b:s9+s4], $0x80, $0x38;
	[tilespmem:$0x1CA80] =	vst v63  }
0xc4: {  	s7 =	sadd.s32 $0x280, s7;
	s9 =	sadd.s32 s8, s17  }
0xc5: {  	[tilespmem:s29], [sflag:$0x2] =	stream.linear.gather [hbm4b:s7+s4], $0x1400, $0x38;
	[tilespmem:$0x1CA80] =	vst v63  }
0xc6: {  	s7 =	sadd.s32 $0x280, s9  }
0xc7: {  	[tilespmem:s30], [sflag:$0x2] =	stream.linear.gather [hbm4b:s7+s4], $0x1400, $0x38;
	[tilespmem:$0x1CA80] =	vst v63  }
0xc8: {  	_ = 	snop  }
0xc9: {  	[spmem:s2] =	stream.indirect.scatter.add.f32 [tilespmem:s20], [sflag:$0x3], $0x80, s18, s31, $0xb8;
	[tilespmem:$0x1CA80] =	vst v63  }
0xca: {  	_ =	swait.ge [sflag:s15], $0x1400  }
0xcb: {  	[sflag:s15] =	ssyncset.done $0x0  }
0xcc: {  	[sflag:s15] =	ssyncadd.s32 $0xFFFFEC00  }
0xcd: {  	[spmem:s3] =	stream.indirect.scatter.add.f32 [tilespmem:s21], [sflag:$0x3], $0x80, s14, s31, $0xb8;
	[tilespmem:$0x1CA80] =	vst v63  }
0xce: {  	_ =	swait.ge [sflag:s15], $0x1400  }
0xcf: {  	[sflag:s15] =	ssyncset.done $0x0  }
0xd0: {  	[sflag:s15] =	ssyncadd.s32 $0xFFFFEC00  }
0xd1: {  	_ =	swait.ge [sflag:s0], $0x80  }
0xd2: {  	[sflag:s0] =	ssyncset.done $0x0  }
0xd3: {  	[sflag:s0] =	ssyncadd.s32 $0xFFFFFF80  }
0xd4: {  	_ =	swait.ge [sflag:s0], $0x80  }
0xd5: {  	[sflag:s0] =	ssyncset.done $0x0  }
0xd6: {  	[sflag:s0] =	ssyncadd.s32 $0xFFFFFF80  }
0xd7: {  	_ =	swait.ge [sflag:s0], $0x1400  }
0xd8: {  	[sflag:s0] =	ssyncset.done $0x0  }
0xd9: {  	[sflag:s0] =	ssyncadd.s32 $0xFFFFEC00  }
0xda: {  	p2 =	seq.s32 s8, $0x26C00;
	_ =	swait.ge [sflag:s0], $0x1400  }
0xdb: {  	s9 =	simm.s32 @!p2 $0x0;
	s7 =	sadd.s32 @!p2 s11, s5;
	[sflag:s0] =	ssyncset.done $0x0  }
0xdc: {  	s25 =	simm.s32 @!p2 $0x16080;
	s12 =	sadd.s32 @!p2 s11, s6;
	[sflag:s0] =	ssyncadd.s32 $0xFFFFEC00  }
0xdd: {  	[tilespmem:s25], [sflag:$0x1] =	stream.linear.gather @!p2 [hbm4b:s7+s9], $0x80, $0x38;
	[tilespmem:$0x1CA80] =	vst v63  }
0xde: {  	s19 =	simm.s32 @!p2 $0x16180;
	s7 =	simm.s32 @!p2 $0x16100;
	s25 =	sadd.s32 @!p2 s8, s16  }
0xdf: {  	[tilespmem:s7], [sflag:$0x1] =	stream.linear.gather @!p2 [hbm4b:s12+s9], $0x80, $0x38;
	[tilespmem:$0x1CA80] =	vst v63  }
0xe0: {  	s8 =	sadd.s32 @!p2 s8, s17;
	s7 =	sadd.s32 @!p2 $0x500, s25;
	s12 =	simm.s32 @!p2 $0x17580  }
0xe1: {  	[tilespmem:s19], [sflag:$0x1] =	stream.linear.gather @!p2 [hbm4b:s7+s9], $0x1400, $0x38;
	[tilespmem:$0x1CA80] =	vst v63  }
0xe2: {  	s7 =	sadd.s32 @!p2 $0x500, s8  }
0xe3: {  	[tilespmem:s12], [sflag:$0x1] =	stream.linear.gather @!p2 [hbm4b:s7+s9], $0x1400, $0x38;
	[tilespmem:$0x1CA80] =	vst v63  }
0xe4: {  	_ = 	snop  }
0xe5: {  	[spmem:s2] =	stream.indirect.scatter.add.f32 [tilespmem:s29], [sflag:$0x3], $0x80, s26, s31, $0xb8;
	[tilespmem:$0x1CA80] =	vst v63  }
.Ltmp0:
0xe6: {  	_ =	swait.ge [sflag:s15], $0x1400;
	(pc) =	sbr.rel @p1 .LBB2_2-.Ltmp0, $4  }
0xe7: {  	[sflag:s15] =	ssyncset.done $0x0  }
0xe8: {  	[sflag:s15] =	ssyncadd.s32 $0xFFFFEC00  }
0xe9: {  	[spmem:s3] =	stream.indirect.scatter.add.f32 [tilespmem:s30], [sflag:$0x3], $0x80, s28, s31, $0xb8;
	[tilespmem:$0x1CA80] =	vst v63  }
0xea: {  	s11 =	sadd.s32 $0x20, s11;
	_ =	swait.ge [sflag:s15], $0x1400  }
0xeb: {  	[sflag:s15] =	ssyncset.done $0x0  }
0xec: {  	[sflag:s15] =	ssyncadd.s32 $0xFFFFEC00  }
0xed: {  	[bflag:$0x0] =	sbarrier.arrive $0xFFFF  }
0xee: {  	s12 =	rddreg [dreg:$0x10]  }
0xef: {  	[tilespmem:s13], [sflag:$0x3] =	stream.linear.gather [spmem:s12], $0x1800, $0x38;
	[tilespmem:$0x1CA80] =	vst v63  }
0xf0: {  	_ =	swait.ge [sflag:s15], $0x1800  }
0xf1: {  	[sflag:s15] =	ssyncset.done $0x0  }
0xf2: {  	s7 =	sadd.s32 $0x0, s22;
	[sflag:s15] =	ssyncadd.s32 $0xFFFFE800  }
0xf3: {  	[hbm4b:s7+s4] =	stream.linear.scatter [tilespmem:s13], [sflag:$0x3], $0x1800, $0x38;
	[tilespmem:$0x1CA80] =	vst v63  }
0xf4: {  	_ =	swait.ge [sflag:s15], $0x1800  }
0xf5: {  	s8 =	simm.s32 $0x300;
	s10 =	smov.u32 s12;
	[sflag:s15] =	ssyncset.done $0x0  }
.LBB2_4:
0xf6: {  	p1 =	sne.s32 s8, $0x2400;
	[sflag:s15] =	ssyncadd.s32 $0xFFFFE800;
	s10 =	sadd.s32 $0x1800, s10  }
0xf7: {  	[tilespmem:s13], [sflag:$0x3] =	stream.linear.gather [spmem:s10], $0x1800, $0x38;
	[tilespmem:$0x1CA80] =	vst v63  }
0xf8: {  	s7 =	smov.u32 s8;
	s8 =	sadd.s32 $0x300, s8;
	_ =	swait.ge [sflag:s15], $0x1800  }
.Ltmp1:
0xf9: {  	[sflag:s15] =	ssyncset.done $0x0;
	(pc) =	sbr.rel @p1 .LBB2_4-.Ltmp1, $4  }
0xfa: {  	s7 =	sadd.s32 s7, s22;
	[sflag:s15] =	ssyncadd.s32 $0xFFFFE800  }
0xfb: {  	[hbm4b:s7+s4] =	stream.linear.scatter [tilespmem:s13], [sflag:$0x3], $0x1800, $0x38;
	[tilespmem:$0x1CA80] =	vst v63  }
0xfc: {  	_ =	swait.ge [sflag:s15], $0x1800  }
0xfd: {  	[sflag:s15] =	ssyncset.done $0x0  }
0xfe: {  	[sflag:s15] =	ssyncadd.s32 $0xFFFFE800;
	s19 =	rddreg [dreg:$0x6]  }
0xff: {  	[tilespmem:s13], [sflag:$0x3] =	stream.linear.gather [spmem:s19], $0x1800, $0x38;
	[tilespmem:$0x1CA80] =	vst v63  }
0x100: {  	_ =	swait.ge [sflag:s15], $0x1800  }
0x101: {  	[sflag:s15] =	ssyncset.done $0x0  }
0x102: {  	s7 =	rddreg [dreg:$0xd];
	[sflag:s15] =	ssyncadd.s32 $0xFFFFE800  }
0x103: {  	[hbm4b:s7+s4] =	stream.linear.scatter [tilespmem:s13], [sflag:$0x3], $0x1800, $0x38;
	[tilespmem:$0x1CA80] =	vst v63  }
0x104: {  	_ =	swait.ge [sflag:s15], $0x1800  }
0x105: {  	[sflag:s15] =	ssyncset.done $0x0  }
0x106: {  	s24 =	rddreg [dreg:$0x7];
	[sflag:s15] =	ssyncadd.s32 $0xFFFFE800  }
0x107: {  	[tilespmem:s13], [sflag:$0x3] =	stream.linear.gather [spmem:s24], $0x1000, $0x38;
	[tilespmem:$0x1CA80] =	vst v63  }
0x108: {  	_ =	swait.ge [sflag:s15], $0x1000  }
0x109: {  	[sflag:s15] =	ssyncset.done $0x0  }
0x10a: {  	s10 =	rddreg [dreg:$0xe];
	[sflag:s15] =	ssyncadd.s32 $0xFFFFF000  }
0x10b: {  	[hbm4b:s10+s4] =	stream.linear.scatter [tilespmem:s13], [sflag:$0x3], $0x1000, $0x38;
	[tilespmem:$0x1CA80] =	vst v63  }
0x10c: {  	_ =	swait.ge [sflag:s15], $0x1000  }
0x10d: {  	s8 =	simm.s32 @!p0 $0x3;
	[sflag:s15] =	ssyncset.done $0x0  }
0x10e: {  	s7 =	simm.s32 @!p0 $0x1B280;
	s25 =	rddreg [dreg:$0x8];
	[sflag:s15] =	ssyncadd.s32 $0xFFFFF000  }
0x10f: {  	[tilespmem:s7], [sflag:$0x3] =	stream.linear.gather @!p0 [spmem:s25], $0x800, $0x38;
	[tilespmem:$0x1CA80] =	vst v63  }
0x110: {  	_ =	swait.ge @!p0 [sflag:s8], $0x800  }
0x111: {  	[sflag:s8] =	ssyncset.done @!p0 $0x0  }
0x112: {  	s9 =	simm.s32 @!p0 $0x0;
	s10 =	rddreg [dreg:$0xf];
	[sflag:s8] =	ssyncadd.s32 @!p0 $0xFFFFF800  }
0x113: {  	[hbm4b:s10+s9] =	stream.linear.scatter @!p0 [tilespmem:s7], [sflag:$0x3], $0x800, $0x38;
	[tilespmem:$0x1CA80] =	vst v63  }
0x114: {  	_ =	swait.ge @!p0 [sflag:s8], $0x800  }
0x115: {  	s1 =	sadd.s32 $0x1, s1;
	s11 =	rddreg [dreg:$0x11]  }
0x116: {  	p1 =	sne.s32 s1, s11  }
.Ltmp2:
0x117: {  	_ = 	snop;
	(pc) =	sbr.rel @p1 .LBB2_1-.Ltmp2, $3  }
0x118: {  	_ =	sdelay $0x1  }
0x119: {  	[sflag:s8] =	ssyncset.done @!p0 $0x0  }
0x11a: {  	[sflag:s8] =	ssyncadd.s32 @!p0 $0xFFFFF800  }
0x11b: {  	_ =	sfence.sel $0x180000  }
0x11c: {  	[bflag:$0x0] =	sbarrier.arrive $0xFFFF  }
0x11d: {  	_ =	strace $0x90000058  }
0x11e: {  	[bflag:$0x2] =	sbarrier.arrive $0xFFFF  }
0x11f: {  	s0 =	rddreg [dreg:$0x5]  }
0x120: {  	s0 =	sadd.s32 @!p0 $0x100000, s0  }
0x121: {  	[sflag:s0] =	ssyncadd.tile.s32 @!p0 $0x1;
	_ =	shalt  }
.Lfunc_end2:
_tile_overlayer_lowered:
.L_overlay_start_2:
0x122: {  	(tag) =	ssettag $0x2  }
0x123: {  	s0 =	rddreg [dreg:$0x0];
	s2 =	stileid.u32  }
0x124: {  	s1 =	rddreg [dreg:$0x1];
	p0 =	sne.s32 s2, $0x0  }
0x125: {  	s3 =	rddreg [dreg:$0x2];
	[bflag:$0x3] =	sbarrier.arrive $0xFFFF;
	s2 =	simm.s32 @!p0 $0x1C03  }
0x126: {  	[timem:s3], [sflag:s2] =	dma.local @!p0 [hbm:s0], s1  }
0x127: {  	s0 =	simm.s32 @!p0 $0x3  }
0x128: {  	_ =	swait.ge @!p0 [sflag:s0], s1  }
0x129: {  	s1 =	ssub.s32 @!p0 $0x0, s1;
	[sflag:s0] =	ssyncset.done @!p0 $0x0  }
0x12a: {  	[sflag:s0] =	ssyncadd.s32 @!p0 s1  }
0x12b: {  	[bflag:$0x3] =	sbarrier.arrive $0xFFFF  }
0x12c: {  	_ =	shalt  }

// kernel: kernel.8.cloned.1.call-start
scs
__scs_entry_jumppad:
0x0: {  	(pc) =	sbr.rel $0x88, $3  }
0x1: {  	(tag) =	ssettag $0x0;
	lr =	simm.s32 $0x1  }
0x2: {  	[smem:$0x3F92] =	sst lr;
	_ =	strace $0xD0000000  }
0x3: {  	_ = 	snop  }
0x4: {  	_ = 	snop  }
0x5: {  	_ = 	snop  }
0x6: {  	_ = 	snop  }
0x7: {  	_ = 	snop  }
__scs_overlays_trampoline_lowered:
0x8: {  	[smem:$0x3FA1] =	sst s0  }
0x9: {  	[smem:$0x3FA2] =	sst s1  }
0xa: {  	[smem:$0x3FA3] =	sst s2  }
0xb: {  	[smem:$0x3FA4] =	sst s3  }
0xc: {  	[smem:$0x3FA5] =	sst s4  }
0xd: {  	[smem:$0x3FA6] =	sst s5  }
0xe: {  	[smem:$0x3FA7] =	sst s6  }
0xf: {  	[smem:$0x3FA8] =	sst s7  }
0x10: {  	[smem:$0x3FA9] =	sst s8  }
0x11: {  	[smem:$0x3FAA] =	sst s9;
	s0 =	simm.s32 @!p0 $0x0  }
0x12: {  	s1 =	sld [smem:$0x3F90];
	s0 =	simm.s32 @p0 $0x1  }
0x13: {  	[smem:$0x3FAB] =	sst s0;
	s0 =	simm.s32 @!p1 $0x0  }
0x14: {  	s2 =	sld [smem:$0x3F8F];
	s0 =	simm.s32 @p1 $0x1  }
0x15: {  	[smem:$0x3FAC] =	sst s0;
	s0 =	simm.s32 @!p2 $0x0  }
0x16: {  	s3 =	sld [smem:$0x3FDB];
	s0 =	simm.s32 @p2 $0x1  }
0x17: {  	s4 =	simm.s32 $0x1BF5;
	[smem:$0x3FAE] =	sst s0  }
0x18: {  	s0 =	sld [smem:$0x3F91];
	_ =	swait.ge [sflag:s4], $0x0  }
0x19: {  	s7 =	sld [smem:$0x3F92]  }
0x1a: {  	s8 =	sadd.s32 $0xFFFFE003, lr  }
0x1b: {  	s9 =	sadd.s32 $0xFFFFFEF7, lr;
	s5 =	simm.s32 $0xFFFFFFFF;
	p2 =	slt.u32 s8, $0xFFFFF086  }
0x1c: {  	p1 =	slt.u32 s9, $0xF7A;
	s5 =	simm.s32 @!p2 $0x0  }
0x1d: {  	s5 =	simm.s32 @p1 $0x1;
	p0 =	seq.s32 s7, s2  }
0x1e: {  	s7 =	smul.u32 @!p0 $0xF7A, s2;
	p2 =	seq.s32 @!p0 s5, $0x0  }
0x1f: {  	s9 =	smul.u32 $0xF7A, s1;
	s8 =	simm.s32 @!p0 $0x1BF5;
	p2 =	por !p2, p0  }
0x20: {  	[sflag:s8] =	ssyncset.s32 @!p0 $0xFFFFF086;
	s6 =	sadd.s32 @!p0 s3, s7;
	s7 =	simm.s32 @!p0 $0x108  }
0x21: {  	s3 =	sadd.s32 s3, s9;
	s6 =	sadd.s32 @!p0 $0x88, s6;
	s7 =	simm.s32 @p2 $0x1082  }
0x22: {  	[simem:s7], [sflag:s8] =	dma.local @!p0 [hbm:s6], $0xF7A  }
0x23: {  	s9 =	sor.u32 $0xD0000000, s2;
	s6 =	simm.s32 $0x108;
	_ =	swait.ge @!p0 [sflag:s8], $0x0  }
0x24: {  	s3 =	sadd.s32 $0x88, s3;
	s6 =	simm.s32 @!p1 $0x1082;
	[sflag:s4] =	ssyncset.s32 $0xFFFFF086  }
0x25: {  	[simem:s6], [sflag:s4] =	dma.local [hbm:s3], $0xF7A  }
0x26: {  	[smem:$0x3F92] =	sst s1;
	(tag) =	ssettag s2;
	_ =	strace s9  }
0x27: {  	s1 =	sld [smem:$0x3FA2]  }
0x28: {  	s2 =	sld [smem:$0x3FA3]  }
0x29: {  	s4 =	sld [smem:$0x3FA5]  }
0x2a: {  	p0 =	seq.s32 s5, $0x0;
	s5 =	sld [smem:$0x3FA6]  }
0x2b: {  	s6 =	sld [smem:$0x3FA7]  }
0x2c: {  	s7 =	sld [smem:$0x3FA8]  }
0x2d: {  	s3 =	simm.s32 $0x108;
	s8 =	sld [smem:$0x3FA9]  }
0x2e: {  	s3 =	simm.s32 @!p0 $0x1082;
	s9 =	sld [smem:$0x3FAA]  }
0x2f: {  	lr =	sadd.s32 s0, s3;
	s0 =	sld [smem:$0x3FA1]  }
0x30: {  	s3 =	sld [smem:$0x3FA4]  }
0x31: {  	[smem:$0x3FAD] =	sst s10  }
0x32: {  	s10 =	sld [smem:$0x3FAB];
	_ =	sdelay $0x3  }
0x33: {  	p0 =	seq.s32 s10, $0x1;
	s10 =	sld [smem:$0x3FAD];
	_ =	sdelay $0x3  }
0x34: {  	[smem:$0x3FAD] =	sst s10  }
0x35: {  	s10 =	sld [smem:$0x3FAC];
	_ =	sdelay $0x3  }
0x36: {  	p1 =	seq.s32 s10, $0x1;
	s10 =	sld [smem:$0x3FAD];
	_ =	sdelay $0x3  }
0x37: {  	[smem:$0x3FAD] =	sst s10  }
0x38: {  	s10 =	sld [smem:$0x3FAE]  }
0x39: {  	_ = 	snop;
	(pc) =	sbr.ind lr, $3  }
0x3a: {  	_ = 	snop  }
0x3b: {  	_ = 	snop  }
0x3c: {  	p2 =	seq.s32 s10, $0x1;
	s10 =	sld [smem:$0x3FAD]  }
0x3d: {  	_ =	shalt  }
0x3e: {  	_ =	shalt  }
0x3f: {  	_ =	shalt  }
0x40: {  	_ =	shalt  }
0x41: {  	_ =	shalt  }
0x42: {  	_ =	shalt  }
0x43: {  	_ =	shalt  }
0x44: {  	_ =	shalt  }
0x45: {  	_ =	shalt  }
0x46: {  	_ =	shalt  }
0x47: {  	_ =	shalt  }
0x48: {  	_ =	shalt  }
0x49: {  	_ =	shalt  }
0x4a: {  	_ =	shalt  }
0x4b: {  	_ =	shalt  }
0x4c: {  	_ =	shalt  }
0x4d: {  	_ =	shalt  }
0x4e: {  	_ =	shalt  }
0x4f: {  	_ =	shalt  }
0x50: {  	_ =	shalt  }
0x51: {  	_ =	shalt  }
0x52: {  	_ =	shalt  }
0x53: {  	_ =	shalt  }
0x54: {  	_ =	shalt  }
0x55: {  	_ =	shalt  }
0x56: {  	_ =	shalt  }
0x57: {  	_ =	shalt  }
0x58: {  	_ =	shalt  }
0x59: {  	_ =	shalt  }
0x5a: {  	_ =	shalt  }
0x5b: {  	_ =	shalt  }
0x5c: {  	_ =	shalt  }
0x5d: {  	_ =	shalt  }
0x5e: {  	_ =	shalt  }
0x5f: {  	_ =	shalt  }
0x60: {  	_ =	shalt  }
0x61: {  	_ =	shalt  }
0x62: {  	_ =	shalt  }
0x63: {  	_ =	shalt  }
0x64: {  	_ =	shalt  }
0x65: {  	_ =	shalt  }
0x66: {  	_ =	shalt  }
0x67: {  	_ =	shalt  }
0x68: {  	_ =	shalt  }
0x69: {  	_ =	shalt  }
0x6a: {  	_ =	shalt  }
0x6b: {  	_ =	shalt  }
0x6c: {  	_ =	shalt  }
0x6d: {  	_ =	shalt  }
0x6e: {  	_ =	shalt  }
0x6f: {  	_ =	shalt  }
0x70: {  	_ =	shalt  }
0x71: {  	_ =	shalt  }
0x72: {  	_ =	shalt  }
0x73: {  	_ =	shalt  }
0x74: {  	_ =	shalt  }
0x75: {  	_ =	shalt  }
0x76: {  	_ =	shalt  }
0x77: {  	_ =	shalt  }
0x78: {  	_ =	shalt  }
0x79: {  	_ =	shalt  }
0x7a: {  	_ =	shalt  }
0x7b: {  	_ =	shalt  }
0x7c: {  	_ =	shalt  }
0x7d: {  	_ =	shalt  }
0x7e: {  	_ =	shalt  }
0x7f: {  	_ =	shalt  }
0x80: {  	_ =	shalt  }
0x81: {  	_ =	shalt  }
0x82: {  	_ =	shalt  }
0x83: {  	_ =	shalt  }
0x84: {  	_ =	shalt  }
0x85: {  	_ =	shalt  }
0x86: {  	_ =	shalt  }
0x87: {  	_ =	shalt  }
.Lfunc_end0:
.L_simem_size_0:
called_computation_lowered:
.L_overlay_start_0:
0x88: {  	s2 =	sld [smem:$0x3FD9]  }
0x89: {  	s3 =	sld [smem:$0x3FFE];
	_ =	sdelay $0x1  }
0x8a: {  	s1 =	srdreg.scid  }
0x8b: {  	s0 =	sand.u32 $0x1, s1  }
0x8c: {  	s16 =	sshll.u32 s0, $0xA;
	s2 =	sadd.s32 s3, s2  }
0x8d: {  	s2 =	sadd.s32 s2, s16  }
0x8e: {  	[smem:$0x3FB9] =	sst s2  }
0x8f: {  	_ = 	snop  }
0x90: {  	(tm) =	ssettm $0x1  }
0x91: {  	s17 =	sld [smem:$0x3FFB];
	_ =	sdelay $0x3  }
0x92: {  	_ =	strace s17  }
0x93: {  	s2 =	sld [smem:$0x3FFC];
	_ =	sdelay $0x3  }
0x94: {  	_ =	strace s2  }
0x95: {  	s2 =	sld [smem:$0x3FFD];
	_ =	sdelay $0x3  }
0x96: {  	_ =	strace s2  }
0x97: {  	_ =	strace $0x8FFFFFFF  }
0x98: {  	s18 =	sld [smem:$0x3FDB];
	_ =	sdelay $0x1  }
0x99: {  	s19 =	simm.s32 $_scs_section_size  }
0x9a: {  	s4 =	simm.s32 $_size__tile_overlayer_lowered;
	s5 =	simm.s32 $_tile_overlayer_lowered  }
0x9b: {  	s22 =	simm.s32 $0x1BFF;
	s21 =	sshll.u32 s5, $0x1;
	s2 =	sadd.s32 s19, s18  }
0x9c: {  	s6 =	simm.s32 $0x0;
	s20 =	sshll.u32 s4, $0x1;
	s4 =	sadd.s32 s21, s2  }
0x9d: {  	[timem:s6], [sflag:s22] =	dma.local [hbm:s4], s20  }
0x9e: {  	_ =	swait.ge [sflag:s22], s20  }
0x9f: {  	s3 =	ssub.s32 $0x0, s20;
	[sflag:s22] =	ssyncset.done $0x0  }
0xa0: {  	[sflag:s22] =	ssyncadd.s32 s3;
	_ =	sdelay $0x1  }
0xa1: {  	s23 =	simm.s32 $0x1B8B  }
0xa2: {  	_ =	swait.ge [sflag:s23], $0x1  }
0xa3: {  	[sflag:s23] =	ssyncset.done $0x0  }
0xa4: {  	s25 =	simm.s32 $0x1B8E;
	s24 =	sld [smem:$0x3FFE];
	[sflag:s23] =	ssyncadd.s32 $0xFFFFFFFF  }
0xa5: {  	s26 =	simm.s32 $execute0_lowered;
	[smem:$0x3FD2] =	sst s25  }
0xa6: {  	s4 =	sshll.u32 s26, $0x1;
	_ =	strace $0x80000046;
	[dreg:$0x1] =	wrdreg $0xFFFFFFFF  }
0xa7: {  	s28 =	simm.s32 $_size_execute0_lowered;
	s2 =	sadd.s32 s2, s4;
	[dreg:$0x0] =	wrdreg $0x0  }
0xa8: {  	s4 =	sshll.u32 s28, $0x1;
	[dreg:$0x2] =	wrdreg s2  }
0xa9: {  	[dreg:$0x3] =	wrdreg s4  }
0xaa: {  	[dreg:$0x4] =	wrdreg $0xC0  }
0xab: {  	_ =	task [dreg:s6], $0x5FFFF  }
0xac: {  	[dreg:$0x1] =	wrdreg $0xFFFFFFFF  }
0xad: {  	[dreg:$0x0] =	wrdreg $0x60  }
0xae: {  	[dreg:$0x2] =	wrdreg s24  }
0xaf: {  	[dreg:$0x3] =	wrdreg $0x9  }
0xb0: {  	_ =	task.clear_ibuf [dreg:s6], $0x4FFFF;
	_ =	strace $0x90000046  }
0xb1: {  	s29 =	simm.s32 $0x9;
	_ =	strace $0x80000048  }
0xb2: {  	_ =	swait.ge [sflag:s29], $0x1  }
0xb3: {  	[sflag:s29] =	ssyncadd.s32 $0xFFFFFFFF  }
0xb4: {  	_ =	strace $0x90000048  }
0xb5: {  	_ =	sfence  }
0xb6: {  	s30 =	sld [smem:$0x0];
	_ =	sdelay $0x2  }
0xb7: {  	s31 =	sshll.u32 s1, $0xD;
	s1 =	sshrl.u32 s1, $0x2  }
0xb8: {  	s3 =	sand.u32 $0x4000, s31;
	s1 =	sadd.s32 s1, s30  }
0xb9: {  	s0 =	sor.u32 s3, s0;
	s1 =	sshll.u32 s1, $0x11  }
0xba: {  	s0 =	sor.u32 s1, s0  }
0xbb: {  	s0 =	sadd.s32 $0x8F2B, s0  }
0xbc: {  	[sflag:s0] =	ssyncadd.remote.s32 $0x1  }
0xbd: {  	_ =	sfence.sel $0xFFFF  }
0xbe: {  	[dreg:$0x0] =	wrdreg $0xFFFFFFFF;
	(pc) =	sbr.abs _section_cstart, $3  }
0xbf: {  	[dreg:$0x1] =	wrdreg $0xFFFFFFFF  }
0xc0: {  	_ =	task.clear_ibuf [dreg:s6], $0x2FFFF;
	_ =	strace $0x9FFFFFFF  }
0xc1: {  	(tm) =	ssettm $0x7FFFFFFF  }
tec
execute0_lowered:
.L_overlay_start_1:
0x0: {  	(tag) =	ssettag $0x1  }
0x1: {  	s6 =	rddreg [dreg:$0x0]  }
0x2: {  	s0 =	rddreg [dreg:$0x1];
	s1 =	simm.s32 $0x0;
	s2 =	srdreg.scid  }
0x3: {  	s10 =	simm.s32 $0xAC80;
	s11 =	simm.s32 $0x0;
	[smem:$0x7FF] =	sst s1  }
0x4: {  	v0 =	vlaneseq.u32;
	s5 =	sand.u32 $0x1, s2;
	s3 =	sadd.s32 $0x18A00, s6;
	s4 =	sadd.s32 $0xEA00, s6  }
0x5: {  	v1 =	vand.u32 $0x7, v0;
	s2 =	stileid.u32;
	v0 =	vmul.u32 $0x10, v0;
	_ =	strace $0x80000047;
	s7 =	ssub.s32 $0x2, s5  }
0x6: {  	s9 =	sshll.u32 s5, $0x4;
	v1 =	vmul.u32 $0x10, v1;
	s5 =	sadd.s32 $0x4A00, s6;
	s8 =	sshrl.u32 s7, $0x1  }
0x7: {  	s6 =	sadd.s32 $0x19E00, s6;
	s31 =	sor.u32 s2, s9;
	v2 =	vor.u32 $0x1, v0;
	s8 =	ssub.s32 s7, s8  }
0x8: {  	s9 =	simm.s32 $0x1;
	v3 =	vor.u32 $0x2, v0;
	v4 =	vor.u32 $0x3, v0;
	s7 =	smul.u32 $0x5, s31;
	v1 =	vor.u32 $0xFFFFFF80, v1;
	s8 =	smax.u32 s8, $0x1  }
.LBB2_1:
0x9: {  	[tilespmem:s1], [sflag:$0x1] =	stream.linear.gather [hbm4b:s3+s1], $0x9C80, $0x38;
	[tilespmem:$0x12980] =	vst v63  }
0xa: {  	_ =	swait.ge [sflag:s9], $0x9C80  }
0xb: {  	[sflag:s9] =	ssyncset.done $0x0  }
0xc: {  	s12 =	simm.s32 $0x0;
	[sflag:s9] =	ssyncadd.s32 $0xFFFF6380  }
.LBB2_2:
0xd: {  	s13 =	sadd.s32 s7, s12  }
0xe: {  	s15 =	sshll.u32 s13, $0x8  }
0xf: {  	s17 =	simm.s32 $0x0;
	s14 =	simm.s32 $0x9C80;
	s16 =	sadd.s32 s4, s15  }
0x10: {  	[tilespmem:s14], [sflag:$0x1] =	stream.linear.gather [hbm4b:s16+s17], $0x800, $0x38;
	[tilespmem:$0x12980] =	vst v63  }
0x11: {  	_ =	swait.ge [sflag:s9], $0x800  }
0x12: {  	[sflag:s9] =	ssyncset.done $0x0  }
0x13: {  	s31 =	sadd.s32 s5, s15;
	s15 =	simm.s32 $0xA480;
	[sflag:s9] =	ssyncadd.s32 $0xFFFFF800  }
0x14: {  	[tilespmem:s15], [sflag:$0x1] =	stream.linear.gather [hbm4b:s31+s17], $0x800, $0x38;
	[tilespmem:$0x12980] =	vst v63  }
0x15: {  	_ =	swait.ge [sflag:s9], $0x800  }
0x16: {  	[sflag:s9] =	ssyncset.done $0x0  }
0x17: {  	[sflag:s9] =	ssyncadd.s32 $0xFFFFF800  }
0x18: {  	v5 =	vld [tilespmem:s14+$0x0]  }
0x19: {  	v6 =	vld [tilespmem:s15+$0x0];
	_ =	sdelay $0x3  }
0x1a: {  	v5 =	vshll.u32 v5, $0x2  }
0x1b: {  	v6 =	vshll.u32 v6, $0x2  }
0x1c: {  	v7 =	vor.u32 $0x1, v5  }
0x1d: {  	v8 =	vor.u32 $0x1, v6  }
0x1e: {  	v9 =	vor.u32 $0x2, v5  }
0x1f: {  	v10 =	vor.u32 $0x2, v6;
	v5 =	vld.idx.msk [tilespmem:v5+s1+$0x0], $0xffff  }
0x20: {  	v6 =	vld.idx.msk [tilespmem:v6+s1+$0x0], $0xffff  }
0x21: {  	v7 =	vld.idx.msk [tilespmem:v7+s1+$0x0], $0xffff  }
0x22: {  	v8 =	vld.idx.msk [tilespmem:v8+s1+$0x0], $0xffff  }
0x23: {  	v9 =	vld.idx.msk [tilespmem:v9+s1+$0x0], $0xffff  }
0x24: {  	v11 =	vor.u32 s17, v0;
	v10 =	vld.idx.msk [tilespmem:v10+s1+$0x0], $0xffff  }
0x25: {  	v11 =	vand.u32 v1, v11;
	_ =	sdelay $0x1  }
0x26: {  	v12 =	vor.u32 s17, v2;
	v6 =	vsub.f32 v5, v6;
	v8 =	vsub.f32 v7, v8  }
0x27: {  	v13 =	vor.u32 s17, v3  }
0x28: {  	v10 =	vsub.f32 v9, v10;
	v6 =	vmul.f32 v6, v6;
	v8 =	vmul.f32 v8, v8  }
0x29: {  	[tilespmem:v11+s10+$0x0] =	vst.idx.msk $0xffff, v5;
	v5 =	vor.u32 s17, v4  }
0x2a: {  	v6 =	vadd.f32 v8, v6;
	v8 =	vmul.f32 v10, v10  }
0x2b: {  	[tilespmem:v12+s10+$0x0] =	vst.idx.msk $0xffff, v7  }
0x2c: {  	s16 =	simm.s32 $0x100;
	[tilespmem:v13+s10+$0x0] =	vst.idx.msk $0xffff, v9;
	v6 =	vadd.f32 v8, v6  }
.LBB2_3:
0x2d: {  	_ = 	snop  }
0x2e: {  	p0 =	sne.s32 s16, $0x7C00;
	s14 =	sadd.s32 $0x10, s14;
	s15 =	sadd.s32 $0x10, s15;
	[tilespmem:v5+s10+$0x0] =	vst.idx.msk $0xffff, v6  }
0x2f: {  	s17 =	smov.u32 s16;
	s16 =	sadd.s32 $0x100, s16;
	v5 =	vld [tilespmem:s14+$0x0];
	_ =	sdelay $0x1  }
0x30: {  	v6 =	vld [tilespmem:s15+$0x0];
	_ =	sdelay $0x2  }
0x31: {  	v5 =	vshll.u32 v5, $0x2  }
0x32: {  	v7 =	vor.u32 $0x1, v5;
	v8 =	vor.u32 $0x2, v5  }
0x33: {  	v6 =	vshll.u32 v6, $0x2  }
0x34: {  	v9 =	vor.u32 $0x1, v6;
	v10 =	vor.u32 $0x2, v6;
	_ =	sdelay $0x1  }
0x35: {  	v11 =	vor.u32 s17, v0;
	v5 =	vld.idx.msk [tilespmem:v5+s1+$0x0], $0xffff  }
0x36: {  	v11 =	vand.u32 v1, v11;
	v7 =	vld.idx.msk [tilespmem:v7+s1+$0x0], $0xffff  }
0x37: {  	v12 =	vor.u32 s17, v2;
	v6 =	vld.idx.msk [tilespmem:v6+s1+$0x0], $0xffff  }
0x38: {  	v9 =	vld.idx.msk [tilespmem:v9+s1+$0x0], $0xffff  }
0x39: {  	v8 =	vld.idx.msk [tilespmem:v8+s1+$0x0], $0xffff  }
0x3a: {  	v13 =	vor.u32 s17, v3;
	v10 =	vld.idx.msk [tilespmem:v10+s1+$0x0], $0xffff  }
0x3b: {  	[tilespmem:v11+s10+$0x0] =	vst.idx.msk $0xffff, v5  }
0x3c: {  	[tilespmem:v12+s10+$0x0] =	vst.idx.msk $0xffff, v7  }
0x3d: {  	v5 =	vsub.f32 v5, v6  }
0x3e: {  	v6 =	vsub.f32 v7, v9  }
0x3f: {  	[tilespmem:v13+s10+$0x0] =	vst.idx.msk $0xffff, v8  }
.Ltmp0:
0x40: {  	v7 =	vsub.f32 v8, v10;
	v8 =	vmul.f32 v5, v5;
	v6 =	vmul.f32 v6, v6;
	(pc) =	sbr.rel @p0 .LBB2_3-.Ltmp0, $3  }
0x41: {  	v5 =	vor.u32 s17, v4  }
0x42: {  	v6 =	vadd.f32 v6, v8;
	v7 =	vmul.f32 v7, v7;
	_ =	sdelay $0x1  }
0x43: {  	v6 =	vadd.f32 v7, v6  }
0x44: {  	_ =	sdelay $0x1  }
0x45: {  	s13 =	smul.u32 $0xFA0, s13;
	s12 =	sadd.s32 $0x1, s12  }
0x46: {  	p0 =	sne.s32 s12, $0x5  }
.Ltmp1:
0x47: {  	[tilespmem:v5+s10+$0x0] =	vst.idx.msk $0xffff, v6;
	s13 =	sadd.s32 s6, s13;
	(pc) =	sbr.rel @p0 .LBB2_2-.Ltmp1, $4  }
0x48: {  	[hbm4b:s13+s1] =	stream.linear.scatter [tilespmem:s10], [sflag:$0x1], $0x7D00, $0x38;
	[tilespmem:$0x12980] =	vst v63  }
0x49: {  	_ =	swait.ge [sflag:s9], $0x7D00  }
0x4a: {  	[sflag:s9] =	ssyncset.done $0x0  }
0x4b: {  	[sflag:s9] =	ssyncadd.s32 $0xFFFF8300  }
0x4c: {  	s11 =	sadd.s32 $0x1, s11  }
0x4d: {  	p0 =	sne.s32 s11, s8  }
.Ltmp2:
0x4e: {  	_ = 	snop;
	(pc) =	sbr.rel @p0 .LBB2_1-.Ltmp2, $1  }
0x4f: {  	_ =	sdelay $0x3  }
0x50: {  	_ =	sfence.sel $0x180000  }
0x51: {  	[bflag:$0x0] =	sbarrier.arrive $0xFFFF  }
0x52: {  	p0 =	sne.s32 s2, $0x0;
	_ =	strace $0x90000047  }
0x53: {  	s0 =	sadd.s32 @!p0 $0x100000, s0;
	[bflag:$0x2] =	sbarrier.arrive $0xFFFF  }
0x54: {  	[sflag:s0] =	ssyncadd.tile.s32 @!p0 $0x1;
	_ =	shalt  }
.Lfunc_end2:
_tile_overlayer_lowered:
.L_overlay_start_2:
0x55: {  	(tag) =	ssettag $0x2  }
0x56: {  	s0 =	rddreg [dreg:$0x0];
	s2 =	stileid.u32  }
0x57: {  	s1 =	rddreg [dreg:$0x1];
	p0 =	sne.s32 s2, $0x0  }
0x58: {  	s3 =	rddreg [dreg:$0x2];
	[bflag:$0x3] =	sbarrier.arrive $0xFFFF;
	s2 =	simm.s32 @!p0 $0x1C01  }
0x59: {  	[timem:s3], [sflag:s2] =	dma.local @!p0 [hbm:s0], s1  }
0x5a: {  	s0 =	simm.s32 @!p0 $0x1  }
0x5b: {  	_ =	swait.ge @!p0 [sflag:s0], s1  }
0x5c: {  	s1 =	ssub.s32 @!p0 $0x0, s1;
	[sflag:s0] =	ssyncset.done @!p0 $0x0  }
0x5d: {  	[sflag:s0] =	ssyncadd.s32 @!p0 s1  }
0x5e: {  	[bflag:$0x3] =	sbarrier.arrive $0xFFFF  }
0x5f: {  	_ =	shalt  }

</sc_bundles>
